<compile_context>
chip_gen: v7x
topology: tpu7x:2x2x1
jax: 0.10.2.dev20260603
libtpu: 0.0.44.dev20260713+nightly
codegen_flags: <defaults>
</compile_context>

<pallas_src>
import functools

import jax
import jax.numpy as jnp
from jax import lax
from jax.experimental import pallas as pl
from jax.experimental.pallas import tpu as pltpu
from jax.experimental.pallas import tpu_sc as plsc

CUTOFF = 7.0
MAX_NB = 32
NUM_GRAPHS = 500
BI = 128
W = 64
WIN = 2 * W
GOUT = 512

_LN2 = 0.6931471805599453
_NGAUSS = 50
_STEP = CUTOFF / (_NGAUSS - 1)
_COEFF = -0.5 / (_STEP * _STEP)


def _ssp(v):
    return jnp.maximum(v, 0.0) + jnp.log(1.0 + jnp.exp(-jnp.abs(v))) - _LN2


def _xor_shuffle(x, j):
    dn = jnp.concatenate([x[j:, :], x[:j, :]], axis=0)
    up = jnp.concatenate([x[-j:, :], x[:-j, :]], axis=0)
    o_iota = jax.lax.broadcasted_iota(jnp.int32, x.shape, 0)
    return jnp.where((o_iota & j) == 0, dn, up)


def _nb_kernel(posa_ref, posb_ref, bata_ref, batb_ref, batva_ref, batvb_ref,
               ewc_ref, tgt_ref):
    wb = BI + WIN
    posw = jnp.concatenate([posa_ref[...], posb_ref[...]], axis=1)
    batw = jnp.concatenate([bata_ref[...], batb_ref[...]], axis=1)
    batv = jnp.concatenate([batva_ref[...], batvb_ref[...]], axis=0)
    pos_i = posw[:, W:W + BI]
    bat_i = batw[:, W:W + BI]
    cut2 = CUTOFF * CUTOFF

    nw2 = jnp.sum(posw * posw, axis=0, keepdims=True)
    ni2 = jnp.sum(pos_i * pos_i, axis=0, keepdims=True)
    lhs = jnp.concatenate([posw, nw2], axis=0)
    rhs = jnp.concatenate([-2.0 * pos_i, jnp.ones((1, BI), jnp.float32)],
                          axis=0)
    d2 = jax.lax.dot_general(lhs, rhs, (((0,), (0,)), ((), ())),
                             preferred_element_type=jnp.float32) + ni2
    d2 = jnp.maximum(d2, 0.0)

    w_iota = jax.lax.broadcasted_iota(jnp.int32, (wb, BI), 0)
    i_iota = jax.lax.broadcasted_iota(jnp.int32, (wb, BI), 1)
    v = (batv == bat_i) & (d2 < cut2) & (w_iota - i_iota != W)
    val = jnp.where(v, jnp.sqrt(d2), jnp.inf)

    idx = w_iota
    for k in (2, 4, 8, 16, 32, 64, 128, 256):
        j = k // 2
        while j >= 1:
            pval = _xor_shuffle(val, j)
            pidx = _xor_shuffle(idx, j)
            less = (val < pval) | ((val == pval) & (idx < pidx))
            takemin = ((w_iota & k) == 0) == ((w_iota & j) == 0)
            keep = less == takemin
            val = jnp.where(keep, val, pval)
            idx = jnp.where(keep, idx, pidx)
            j //= 2

    top_v = val[:MAX_NB, :]
    good = top_v < CUTOFF
    ewc_ref[...] = jnp.where(good, top_v, 0.0)
    tgt_ref[...] = jnp.where(good, idx[:MAX_NB, :], -1)


_SCCHUNK = 80


def _emb_sc_kernel(table_hbm, idx_hbm, out_hbm, idx_v, rows_v, sem):
    nc = 2
    wid = lax.axis_index("s") * nc + lax.axis_index("c")
    base = wid * (4 * _SCCHUNK)
    for cix in range(4):
        off = base + cix * _SCCHUNK
        pltpu.sync_copy(idx_hbm.at[pl.ds(off, _SCCHUNK)], idx_v)
        pltpu.async_copy(table_hbm.at[idx_v], rows_v, sem).wait()
        pltpu.sync_copy(rows_v, out_hbm.at[pl.ds(off, _SCCHUNK)])


def _emb_gather_sc(emb, idx, nrows):
    mesh = plsc.VectorSubcoreMesh(core_axis_name="c", subcore_axis_name="s")
    hid = emb.shape[1]
    k = functools.partial(
        pl.kernel, mesh=mesh,
        out_type=jax.ShapeDtypeStruct((nrows, hid), jnp.float32),
        scratch_types=[
            pltpu.VMEM((_SCCHUNK,), jnp.int32),
            pltpu.VMEM((_SCCHUNK, hid), jnp.float32),
            pltpu.SemaphoreType.DMA,
        ],
    )(_emb_sc_kernel)
    return k(emb, idx)


def _pre_kernel(h_ref, cf1_ref, xm_ref):
    xm_ref[...] = jnp.dot(h_ref[...], cf1_ref[...],
                          preferred_element_type=jnp.float32)


_NTAB = 256
_TABH = CUTOFF / (_NTAB - 1)


def _tab_kernel(w1_ref, b1_ref, w2_ref, b2_ref, q_ref):
    g = jax.lax.broadcasted_iota(
        jnp.int32, (_NTAB, 1), 0).astype(jnp.float32) * _TABH
    offs = jax.lax.broadcasted_iota(
        jnp.int32, (_NTAB, _NGAUSS), 1).astype(jnp.float32) * _STEP
    ea = jnp.exp(_COEFF * (g - offs) ** 2)
    u = _ssp(jnp.dot(ea, w1_ref[0], preferred_element_type=jnp.float32)
             + b1_ref[0])
    q = jnp.dot(u, w2_ref[0], preferred_element_type=jnp.float32) + b2_ref[0]
    c = 0.5 * (jnp.cos(g * (jnp.pi / CUTOFF)) + 1.0)
    q_ref[0] = q * c


def _msg_kernel(ew_ref, tgt_ref, xmp_ref, q_ref, agg_ref):
    b = pl.program_id(0)
    ew = ew_ref[...]
    eb = BI * MAX_NB
    u = ew * (1.0 / _TABH)
    jio = jax.lax.broadcasted_iota(
        jnp.int32, (eb, _NTAB), 1).astype(jnp.float32)
    phi = jnp.maximum(1.0 - jnp.abs(u - jio), 0.0)
    wf = jnp.dot(phi, q_ref[...], preferred_element_type=jnp.float32)

    p = (jax.lax.broadcasted_iota(jnp.int32, (eb, BI + WIN), 1)
         == tgt_ref[...]).astype(jnp.float32)
    xmw = xmp_ref[pl.ds(b * BI, BI + WIN), :]
    gath = jnp.dot(p, xmw, preferred_element_type=jnp.float32)
    msg = gath * wf
    agg_ref[...] = jnp.sum(msg.reshape(BI, MAX_NB, -1), axis=1)


def _dense_kernel(h_ref, agg_ref, cf2_ref, cf2b_ref, intw_ref, intb_ref,
                  cf1n_ref, hn_ref, xmn_ref):
    xc = _ssp(jnp.dot(agg_ref[...], cf2_ref[...],
                      preferred_element_type=jnp.float32) + cf2b_ref[...])
    xc = jnp.dot(xc, intw_ref[...],
                 preferred_element_type=jnp.float32) + intb_ref[...]
    hn = h_ref[...] + xc
    hn_ref[...] = hn
    xmn_ref[...] = jnp.dot(hn, cf1n_ref[...],
                           preferred_element_type=jnp.float32)


def _final_kernel(h_ref, agg_ref, bat_ref, cf2_ref, cf2b_ref, intw_ref,
                  intb_ref, o1_ref, o1b_ref, o2_ref, o2b_ref, out_ref):
    b = pl.program_id(0)
    xc = _ssp(jnp.dot(agg_ref[...], cf2_ref[...],
                      preferred_element_type=jnp.float32) + cf2b_ref[...])
    xc = jnp.dot(xc, intw_ref[...],
                 preferred_element_type=jnp.float32) + intb_ref[...]
    hn = h_ref[...] + xc
    hh = _ssp(jnp.dot(hn, o1_ref[...],
                      preferred_element_type=jnp.float32) + o1b_ref[...])
    y = jnp.dot(hh, o2_ref[...],
                preferred_element_type=jnp.float32) + o2b_ref[...]
    s = (bat_ref[...] ==
         jax.lax.broadcasted_iota(jnp.int32, (BI, GOUT), 1))
    part = jnp.sum(jnp.where(s, y, 0.0), axis=0, keepdims=True)

    @pl.when(b == 0)
    def _():
        out_ref[...] = jnp.zeros_like(out_ref)
    out_ref[...] += part


def kernel(x, pos, batch, emb, mlp_w1, mlp_b1, mlp_w2, mlp_b2, cf_lin1_w,
           cf_lin2_w, cf_lin2_b, int_lin_w, int_lin_b, out1_w, out1_b,
           out2_w, out2_b):
    n = pos.shape[0]
    hid = emb.shape[1]
    nblk = -(-n // BI)
    npad = nblk * BI
    epad = npad * MAX_NB

    x = x.astype(jnp.int32)
    batch = batch.astype(jnp.int32)

    posp = jnp.pad(pos, ((W, npad - n + W), (0, 0)))
    batp = jnp.pad(batch[:, None], ((W, npad - n + W), (0, 0)),
                   constant_values=-1)
    batn = batp[W:W + npad]

    f32 = jnp.float32
    post = posp.T
    batt = batp.T
    ewct, tgtt = pl.pallas_call(
        _nb_kernel,
        grid=(nblk,),
        in_specs=[
            pl.BlockSpec((3, BI), lambda b: (0, b)),
            pl.BlockSpec((3, BI), lambda b: (0, b + 1)),
            pl.BlockSpec((1, BI), lambda b: (0, b)),
            pl.BlockSpec((1, BI), lambda b: (0, b + 1)),
            pl.BlockSpec((BI, 1), lambda b: (b, 0)),
            pl.BlockSpec((BI, 1), lambda b: (b + 1, 0)),
        ],
        out_specs=[
            pl.BlockSpec((MAX_NB, BI), lambda b: (b, 0)),
            pl.BlockSpec((MAX_NB, BI), lambda b: (b, 0)),
        ],
        out_shape=[
            jax.ShapeDtypeStruct((nblk * MAX_NB, BI), f32),
            jax.ShapeDtypeStruct((nblk * MAX_NB, BI), jnp.int32),
        ],
    )(post, post, batt, batt, batp, batp)
    ewc = ewct.reshape(nblk, MAX_NB, BI).transpose(0, 2, 1).reshape(npad,
                                                                    MAX_NB)
    tgt = tgtt.reshape(nblk, MAX_NB, BI).transpose(0, 2, 1).reshape(npad,
                                                                    MAX_NB)

    nsc = -(-npad // 256) * 256
    xsc = jnp.pad(x, (0, nsc - n), constant_values=0)
    h = _emb_gather_sc(emb, xsc, nsc)

    xm = pl.pallas_call(
        _pre_kernel,
        grid=(nblk,),
        in_specs=[
            pl.BlockSpec((BI, hid), lambda b: (b, 0)),
            pl.BlockSpec((hid, hid), lambda b: (0, 0)),
        ],
        out_specs=pl.BlockSpec((BI, hid), lambda b: (b, 0)),
        out_shape=jax.ShapeDtypeStruct((npad, hid), f32),
    )(h, cf_lin1_w[0])

    ew_e = ewc.reshape(epad, 1)
    tgt_e = tgt.reshape(epad, 1)
    eb = BI * MAX_NB

    qtab = pl.pallas_call(
        _tab_kernel,
        grid=(3,),
        in_specs=[
            pl.BlockSpec((1, _NGAUSS, hid), lambda t: (t, 0, 0)),
            pl.BlockSpec((1, 1, hid), lambda t: (t, 0, 0)),
            pl.BlockSpec((1, hid, hid), lambda t: (t, 0, 0)),
            pl.BlockSpec((1, 1, hid), lambda t: (t, 0, 0)),
        ],
        out_specs=pl.BlockSpec((1, _NTAB, hid), lambda t: (t, 0, 0)),
        out_shape=jax.ShapeDtypeStruct((3, _NTAB, hid), f32),
    )(mlp_w1, mlp_b1[:, None, :], mlp_w2, mlp_b2[:, None, :])

    msg_call = pl.pallas_call(
        _msg_kernel,
        grid=(nblk,),
        in_specs=[
            pl.BlockSpec((eb, 1), lambda b: (b, 0)),
            pl.BlockSpec((eb, 1), lambda b: (b, 0)),
            pl.BlockSpec((npad + WIN, hid), lambda b: (0, 0)),
            pl.BlockSpec((_NTAB, hid), lambda b: (0, 0)),
        ],
        out_specs=pl.BlockSpec((BI, hid), lambda b: (b, 0)),
        out_shape=jax.ShapeDtypeStruct((npad, hid), f32),
    )

    dense_call = pl.pallas_call(
        _dense_kernel,
        grid=(nblk,),
        in_specs=[
            pl.BlockSpec((BI, hid), lambda b: (b, 0)),
            pl.BlockSpec((BI, hid), lambda b: (b, 0)),
            pl.BlockSpec((hid, hid), lambda b: (0, 0)),
            pl.BlockSpec((1, hid), lambda b: (0, 0)),
            pl.BlockSpec((hid, hid), lambda b: (0, 0)),
            pl.BlockSpec((1, hid), lambda b: (0, 0)),
            pl.BlockSpec((hid, hid), lambda b: (0, 0)),
        ],
        out_specs=[
            pl.BlockSpec((BI, hid), lambda b: (b, 0)),
            pl.BlockSpec((BI, hid), lambda b: (b, 0)),
        ],
        out_shape=[
            jax.ShapeDtypeStruct((npad, hid), f32),
            jax.ShapeDtypeStruct((npad, hid), f32),
        ],
    )

    hhalf = hid // 2
    final_call = pl.pallas_call(
        _final_kernel,
        grid=(nblk,),
        in_specs=[
            pl.BlockSpec((BI, hid), lambda b: (b, 0)),
            pl.BlockSpec((BI, hid), lambda b: (b, 0)),
            pl.BlockSpec((BI, 1), lambda b: (b, 0)),
            pl.BlockSpec((hid, hid), lambda b: (0, 0)),
            pl.BlockSpec((1, hid), lambda b: (0, 0)),
            pl.BlockSpec((hid, hid), lambda b: (0, 0)),
            pl.BlockSpec((1, hid), lambda b: (0, 0)),
            pl.BlockSpec((hid, hhalf), lambda b: (0, 0)),
            pl.BlockSpec((1, hhalf), lambda b: (0, 0)),
            pl.BlockSpec((hhalf, 1), lambda b: (0, 0)),
            pl.BlockSpec((1, 1), lambda b: (0, 0)),
        ],
        out_specs=pl.BlockSpec((1, GOUT), lambda b: (0, 0)),
        out_shape=jax.ShapeDtypeStruct((1, GOUT), f32),
    )

    for t in range(3):
        xmp = jnp.pad(xm, ((W, W), (0, 0)))
        agg = msg_call(ew_e, tgt_e, xmp, qtab[t])
        if t < 2:
            h, xm = dense_call(h, agg, cf_lin2_w[t], cf_lin2_b[t][None, :],
                               int_lin_w[t], int_lin_b[t][None, :],
                               cf_lin1_w[t + 1])
        else:
            out = final_call(h, agg, batn, cf_lin2_w[t],
                             cf_lin2_b[t][None, :], int_lin_w[t],
                             int_lin_b[t][None, :], out1_w, out1_b[None, :],
                             out2_w, out2_b[None, :])
    return out[0, :NUM_GRAPHS]

# --- scband reference (transcript-rebuilt; emitter-appended) ---
"""Pipeline reference for scband-gnnmodel-53120155517252 (READ-ONLY COPY).

The authoritative reference and input builder live on the scoring server;
editing this copy changes nothing except your own understanding.
"""

import jax, jax.numpy as jnp
import numpy as np

CUTOFF = 7.0
MAX_NB = 32
NUM_GRAPHS = 500


def build_edges(pos, batch, cutoff=CUTOFF, max_nb=MAX_NB):
    # Faithful stand-in for torch_cluster.radius_graph(pos, r=cutoff, batch=batch,
    # max_num_neighbors=32): for each target node keep up to 32 nearest neighbors
    # within the cutoff radius, restricted to the same graph. Invalid slots are
    # routed to segment id N, which segment_sum(num_segments=N) drops.
    N = pos.shape[0]
    diff = pos[:, None, :] - pos[None, :, :]
    d = jnp.sqrt(jnp.sum(diff * diff, axis=-1))
    same_graph = batch[:, None] == batch[None, :]
    idx = jnp.arange(N)
    mask = same_graph & (d < cutoff) & (idx[:, None] != idx[None, :])
    dm = jnp.where(mask, d, jnp.inf)
    k = min(max_nb, N - 1)
    neg_nbd, nb = jax.lax.top_k(-dm, k)
    nbd = -neg_nbd
    valid = jnp.isfinite(nbd)
    rows = jnp.broadcast_to(idx[:, None], (N, k))
    src = jnp.where(valid, nb, 0).reshape(-1)
    dst = jnp.where(valid, rows, N).reshape(-1)
    return jnp.stack([src, dst]).astype(jnp.int64)


def setup_inputs(seed: int = 0):
    key = jax.random.key(seed)
    ks = jax.random.split(key, 16)
    N, HID, FIL, G, T = 10000, 256, 256, 50, 3
    x = jax.random.randint(ks[0], (N,), 0, 100, dtype=jnp.int64)
    pos = jax.random.normal(ks[1], (N, 3), dtype=jnp.float32)
    batch = jnp.sort(jax.random.randint(ks[2], (N,), 0, NUM_GRAPHS, dtype=jnp.int64))
    def w(k, shape, scale):
        return jax.random.normal(k, shape, dtype=jnp.float32) * scale
    return {
        'x': x, 'pos': pos, 'batch': batch,
        'emb': w(ks[3], (100, HID), 0.1),
        'mlp_w1': w(ks[4], (T, G, FIL), 0.14), 'mlp_b1': jnp.zeros((T, FIL), jnp.float32),
        'mlp_w2': w(ks[5], (T, FIL, FIL), 0.06), 'mlp_b2': jnp.zeros((T, FIL), jnp.float32),
        'cf_lin1_w': w(ks[6], (T, HID, FIL), 0.06),
        'cf_lin2_w': w(ks[7], (T, FIL, HID), 0.06), 'cf_lin2_b': jnp.zeros((T, HID), jnp.float32),
        'int_lin_w': w(ks[8], (T, HID, HID), 0.06), 'int_lin_b': jnp.zeros((T, HID), jnp.float32),
        'out1_w': w(ks[9], (HID, HID // 2), 0.06), 'out1_b': jnp.zeros((HID // 2,), jnp.float32),
        'out2_w': w(ks[10], (HID // 2, 1), 0.09), 'out2_b': jnp.zeros((1,), jnp.float32),
    }


def _ssp(v):
    return jax.nn.softplus(v) - jnp.log(2.0)


def _schnet_fwd(pos, emb, mlp_w1, mlp_b1, mlp_w2, mlp_b2, cf_lin1_w, cf_lin2_w,
                cf_lin2_b, int_lin_w, int_lin_b, out1_w, out1_b, out2_w, out2_b,
                z, batch, edge_index):
    N = pos.shape[0]
    h = emb[z]
    src = edge_index[0]
    dst = edge_index[1]
    diff = pos[src] - pos[dst]
    ew = jnp.sqrt(jnp.sum(diff * diff, axis=-1))
    offset = jnp.linspace(0.0, CUTOFF, 50)
    coeff = -0.5 / (offset[1] - offset[0]) ** 2
    ea = jnp.exp(coeff * (ew[:, None] - offset[None, :]) ** 2)
    for t in range(3):
        Wf = _ssp(ea @ mlp_w1[t] + mlp_b1[t]) @ mlp_w2[t] + mlp_b2[t]
        C = 0.5 * (jnp.cos(ew * jnp.pi / CUTOFF) + 1.0)
        Wf = Wf * C[:, None]
        xm = h @ cf_lin1_w[t]
        agg = jax.ops.segment_sum(xm[src] * Wf, dst, num_segments=N)
        xc = _ssp(agg @ cf_lin2_w[t] + cf_lin2_b[t])
        xc = xc @ int_lin_w[t] + int_lin_b[t]
        h = h + xc
    hh = _ssp(h @ out1_w + out1_b)
    hh = hh @ out2_w + out2_b
    out = jax.ops.segment_sum(hh, batch, num_segments=NUM_GRAPHS)
    return out[:, 0]


def reference(x, pos, batch, emb, mlp_w1, mlp_b1, mlp_w2, mlp_b2, cf_lin1_w,
              cf_lin2_w, cf_lin2_b, int_lin_w, int_lin_b, out1_w, out1_b,
              out2_w, out2_b):
    edge_index = jnp.asarray(build_edges(pos, batch))
    return _schnet_fwd(pos, emb, mlp_w1, mlp_b1, mlp_w2, mlp_b2, cf_lin1_w,
                       cf_lin2_w, cf_lin2_b, int_lin_w, int_lin_b, out1_w,
                       out1_b, out2_w, out2_b, x, batch, edge_index)

if __name__ == "__main__":
    import jax
    _d = setup_inputs()
    print(jax.jit(kernel)(*tuple(_d.values())))

</pallas_src>

<mosaic_0001>
#map = affine_map<(d0, d1) -> (0, 0)>
#map1 = affine_map<(d0, d1) -> (0)>
module attributes {stable_mosaic.version = 14 : i64} {
  func.func @_emb_sc_kernel(%arg0: i32, %arg1: i32, %arg2: memref<100x256xf32, #tpu.memory_space<hbm>>, %arg3: memref<10240xi32, #tpu.memory_space<hbm>>, %arg4: memref<10240x256xf32, #tpu.memory_space<hbm>>, %arg5: memref<80xi32, #tpu.memory_space<vmem>>, %arg6: memref<80x256xf32, #tpu.memory_space<vmem>>, %arg7: memref<!tpu.dma_semaphore, #tpu.memory_space<semaphore_mem>>) attributes {dimension_semantics = [#tpu.dimension_semantics<core_parallel>, #tpu.dimension_semantics<subcore_parallel>], iteration_bounds = array<i64: 2, 16>, scalar_prefetch = 0 : i64, scratch_operands = 3 : i64, tpu.core_type = #tpu.core_type<sc_vector_subcore>, window_params = [{transform_indices = #map}, {transform_indices = #map1}, {transform_indices = #map}]} {
    %mul3A = arith.constant 2 : i32
    %mul3A_0 = arith.muli %arg1, %mul3A : i32
    %add3A = arith.addi %mul3A_0, %arg0 : i32
    %mul3A_1 = arith.constant 320 : i32
    %mul3A_2 = arith.muli %add3A, %mul3A_1 : i32
    %add3A_3 = arith.constant 0 : i32
    %add3A_4 = arith.addi %mul3A_2, %add3A_3 : i32
    "tpu.region"() ({
      %run_scoped3A = tpu.sem_alloc : memref<!tpu.dma_semaphore, #tpu.memory_space<semaphore_mem>>
      %dma_start3A_33 = tpu.memref_slice %arg3[%add3A_4] : memref<10240xi32, #tpu.memory_space<hbm>> -> memref<80xi32, #tpu.memory_space<hbm>>
      %dma_start3A_34 = tpu.memref_slice %arg3[%add3A_4] : memref<10240xi32, #tpu.memory_space<hbm>> -> memref<80xi32, #tpu.memory_space<hbm>>
      tpu.enqueue_dma source(%dma_start3A_34 : memref<80xi32, #tpu.memory_space<hbm>>) target(%arg5 : memref<80xi32, #tpu.memory_space<vmem>>) target_semaphore(%run_scoped3A : memref<!tpu.dma_semaphore, #tpu.memory_space<semaphore_mem>>)
      %dma_wait3A_35 = tpu.memref_slice %arg3[%add3A_4] : memref<10240xi32, #tpu.memory_space<hbm>> -> memref<80xi32, #tpu.memory_space<hbm>>
      %dma_wait3A_36 = tpu.memref_slice %arg3[%add3A_4] : memref<10240xi32, #tpu.memory_space<hbm>> -> memref<80xi32, #tpu.memory_space<hbm>>
      tpu.wait_dma2 semaphore(%run_scoped3A : memref<!tpu.dma_semaphore, #tpu.memory_space<semaphore_mem>>) src(%dma_wait3A_36 : memref<80xi32, #tpu.memory_space<hbm>>) dst(%arg5 : memref<80xi32, #tpu.memory_space<vmem>>)
      tpu.yield
    }) : () -> ()
    %dma_start3A = arith.constant 0 : i32
    %dma_start3A_5 = arith.constant 0 : i32
    %dma_start3A_6 = tpu.memref_slice %arg2[%dma_start3A, %dma_start3A_5] : memref<100x256xf32, #tpu.memory_space<hbm>> -> memref<100x256xf32, #tpu.memory_space<hbm>>
    tpu.enqueue_indirect_dma source(%dma_start3A_6 : memref<100x256xf32, #tpu.memory_space<hbm>>) target(%arg6 : memref<80x256xf32, #tpu.memory_space<vmem>>) offsets(%arg5 : memref<80xi32, #tpu.memory_space<vmem>>) semaphore(%arg7 : memref<!tpu.dma_semaphore, #tpu.memory_space<semaphore_mem>>)
    %dma_wait3A = arith.constant 0 : i32
    %dma_wait3A_7 = arith.constant 0 : i32
    %dma_wait3A_8 = tpu.memref_slice %arg2[%dma_wait3A, %dma_wait3A_7] : memref<100x256xf32, #tpu.memory_space<hbm>> -> memref<100x256xf32, #tpu.memory_space<hbm>>
    tpu.wait_indirect_dma semaphore(%arg7 : memref<!tpu.dma_semaphore, #tpu.memory_space<semaphore_mem>>) src(%dma_wait3A_8 : memref<100x256xf32, #tpu.memory_space<hbm>>) dst(%arg6 : memref<80x256xf32, #tpu.memory_space<vmem>>)
    "tpu.region"() ({
      %run_scoped3A = tpu.sem_alloc : memref<!tpu.dma_semaphore, #tpu.memory_space<semaphore_mem>>
      %dma_start3A_33 = arith.constant 0 : i32
      %dma_start3A_34 = tpu.memref_slice %arg4[%add3A_4, %dma_start3A_33] : memref<10240x256xf32, #tpu.memory_space<hbm>> -> memref<80x256xf32, #tpu.memory_space<hbm>>
      %dma_start3A_35 = arith.constant 0 : i32
      %dma_start3A_36 = tpu.memref_slice %arg4[%add3A_4, %dma_start3A_35] : memref<10240x256xf32, #tpu.memory_space<hbm>> -> memref<80x256xf32, #tpu.memory_space<hbm>>
      tpu.enqueue_dma source(%arg6 : memref<80x256xf32, #tpu.memory_space<vmem>>) target(%dma_start3A_36 : memref<80x256xf32, #tpu.memory_space<hbm>>) target_semaphore(%run_scoped3A : memref<!tpu.dma_semaphore, #tpu.memory_space<semaphore_mem>>)
      %dma_wait3A_37 = arith.constant 0 : i32
      %dma_wait3A_38 = tpu.memref_slice %arg4[%add3A_4, %dma_wait3A_37] : memref<10240x256xf32, #tpu.memory_space<hbm>> -> memref<80x256xf32, #tpu.memory_space<hbm>>
      %dma_wait3A_39 = arith.constant 0 : i32
      %dma_wait3A_40 = tpu.memref_slice %arg4[%add3A_4, %dma_wait3A_39] : memref<10240x256xf32, #tpu.memory_space<hbm>> -> memref<80x256xf32, #tpu.memory_space<hbm>>
      tpu.wait_dma2 semaphore(%run_scoped3A : memref<!tpu.dma_semaphore, #tpu.memory_space<semaphore_mem>>) src(%arg6 : memref<80x256xf32, #tpu.memory_space<vmem>>) dst(%dma_wait3A_40 : memref<80x256xf32, #tpu.memory_space<hbm>>)
      tpu.yield
    }) : () -> ()
    %add3A_9 = arith.constant 80 : i32
    %add3A_10 = arith.addi %mul3A_2, %add3A_9 : i32
    "tpu.region"() ({
      %run_scoped3A = tpu.sem_alloc : memref<!tpu.dma_semaphore, #tpu.memory_space<semaphore_mem>>
      %dma_start3A_33 = tpu.memref_slice %arg3[%add3A_10] : memref<10240xi32, #tpu.memory_space<hbm>> -> memref<80xi32, #tpu.memory_space<hbm>>
      %dma_start3A_34 = tpu.memref_slice %arg3[%add3A_10] : memref<10240xi32, #tpu.memory_space<hbm>> -> memref<80xi32, #tpu.memory_space<hbm>>
      tpu.enqueue_dma source(%dma_start3A_34 : memref<80xi32, #tpu.memory_space<hbm>>) target(%arg5 : memref<80xi32, #tpu.memory_space<vmem>>) target_semaphore(%run_scoped3A : memref<!tpu.dma_semaphore, #tpu.memory_space<semaphore_mem>>)
      %dma_wait3A_35 = tpu.memref_slice %arg3[%add3A_10] : memref<10240xi32, #tpu.memory_space<hbm>> -> memref<80xi32, #tpu.memory_space<hbm>>
      %dma_wait3A_36 = tpu.memref_slice %arg3[%add3A_10] : memref<10240xi32, #tpu.memory_space<hbm>> -> memref<80xi32, #tpu.memory_space<hbm>>
      tpu.wait_dma2 semaphore(%run_scoped3A : memref<!tpu.dma_semaphore, #tpu.memory_space<semaphore_mem>>) src(%dma_wait3A_36 : memref<80xi32, #tpu.memory_space<hbm>>) dst(%arg5 : memref<80xi32, #tpu.memory_space<vmem>>)
      tpu.yield
    }) : () -> ()
    %dma_start3A_11 = arith.constant 0 : i32
    %dma_start3A_12 = arith.constant 0 : i32
    %dma_start3A_13 = tpu.memref_slice %arg2[%dma_start3A_11, %dma_start3A_12] : memref<100x256xf32, #tpu.memory_space<hbm>> -> memref<100x256xf32, #tpu.memory_space<hbm>>
    tpu.enqueue_indirect_dma source(%dma_start3A_13 : memref<100x256xf32, #tpu.memory_space<hbm>>) target(%arg6 : memref<80x256xf32, #tpu.memory_space<vmem>>) offsets(%arg5 : memref<80xi32, #tpu.memory_space<vmem>>) semaphore(%arg7 : memref<!tpu.dma_semaphore, #tpu.memory_space<semaphore_mem>>)
    %dma_wait3A_14 = arith.constant 0 : i32
    %dma_wait3A_15 = arith.constant 0 : i32
    %dma_wait3A_16 = tpu.memref_slice %arg2[%dma_wait3A_14, %dma_wait3A_15] : memref<100x256xf32, #tpu.memory_space<hbm>> -> memref<100x256xf32, #tpu.memory_space<hbm>>
    tpu.wait_indirect_dma semaphore(%arg7 : memref<!tpu.dma_semaphore, #tpu.memory_space<semaphore_mem>>) src(%dma_wait3A_16 : memref<100x256xf32, #tpu.memory_space<hbm>>) dst(%arg6 : memref<80x256xf32, #tpu.memory_space<vmem>>)
    "tpu.region"() ({
      %run_scoped3A = tpu.sem_alloc : memref<!tpu.dma_semaphore, #tpu.memory_space<semaphore_mem>>
      %dma_start3A_33 = arith.constant 0 : i32
      %dma_start3A_34 = tpu.memref_slice %arg4[%add3A_10, %dma_start3A_33] : memref<10240x256xf32, #tpu.memory_space<hbm>> -> memref<80x256xf32, #tpu.memory_space<hbm>>
      %dma_start3A_35 = arith.constant 0 : i32
      %dma_start3A_36 = tpu.memref_slice %arg4[%add3A_10, %dma_start3A_35] : memref<10240x256xf32, #tpu.memory_space<hbm>> -> memref<80x256xf32, #tpu.memory_space<hbm>>
      tpu.enqueue_dma source(%arg6 : memref<80x256xf32, #tpu.memory_space<vmem>>) target(%dma_start3A_36 : memref<80x256xf32, #tpu.memory_space<hbm>>) target_semaphore(%run_scoped3A : memref<!tpu.dma_semaphore, #tpu.memory_space<semaphore_mem>>)
      %dma_wait3A_37 = arith.constant 0 : i32
      %dma_wait3A_38 = tpu.memref_slice %arg4[%add3A_10, %dma_wait3A_37] : memref<10240x256xf32, #tpu.memory_space<hbm>> -> memref<80x256xf32, #tpu.memory_space<hbm>>
      %dma_wait3A_39 = arith.constant 0 : i32
      %dma_wait3A_40 = tpu.memref_slice %arg4[%add3A_10, %dma_wait3A_39] : memref<10240x256xf32, #tpu.memory_space<hbm>> -> memref<80x256xf32, #tpu.memory_space<hbm>>
      tpu.wait_dma2 semaphore(%run_scoped3A : memref<!tpu.dma_semaphore, #tpu.memory_space<semaphore_mem>>) src(%arg6 : memref<80x256xf32, #tpu.memory_space<vmem>>) dst(%dma_wait3A_40 : memref<80x256xf32, #tpu.memory_space<hbm>>)
      tpu.yield
    }) : () -> ()
    %add3A_17 = arith.constant 160 : i32
    %add3A_18 = arith.addi %mul3A_2, %add3A_17 : i32
    "tpu.region"() ({
      %run_scoped3A = tpu.sem_alloc : memref<!tpu.dma_semaphore, #tpu.memory_space<semaphore_mem>>
      %dma_start3A_33 = tpu.memref_slice %arg3[%add3A_18] : memref<10240xi32, #tpu.memory_space<hbm>> -> memref<80xi32, #tpu.memory_space<hbm>>
      %dma_start3A_34 = tpu.memref_slice %arg3[%add3A_18] : memref<10240xi32, #tpu.memory_space<hbm>> -> memref<80xi32, #tpu.memory_space<hbm>>
      tpu.enqueue_dma source(%dma_start3A_34 : memref<80xi32, #tpu.memory_space<hbm>>) target(%arg5 : memref<80xi32, #tpu.memory_space<vmem>>) target_semaphore(%run_scoped3A : memref<!tpu.dma_semaphore, #tpu.memory_space<semaphore_mem>>)
      %dma_wait3A_35 = tpu.memref_slice %arg3[%add3A_18] : memref<10240xi32, #tpu.memory_space<hbm>> -> memref<80xi32, #tpu.memory_space<hbm>>
      %dma_wait3A_36 = tpu.memref_slice %arg3[%add3A_18] : memref<10240xi32, #tpu.memory_space<hbm>> -> memref<80xi32, #tpu.memory_space<hbm>>
      tpu.wait_dma2 semaphore(%run_scoped3A : memref<!tpu.dma_semaphore, #tpu.memory_space<semaphore_mem>>) src(%dma_wait3A_36 : memref<80xi32, #tpu.memory_space<hbm>>) dst(%arg5 : memref<80xi32, #tpu.memory_space<vmem>>)
      tpu.yield
    }) : () -> ()
    %dma_start3A_19 = arith.constant 0 : i32
    %dma_start3A_20 = arith.constant 0 : i32
    %dma_start3A_21 = tpu.memref_slice %arg2[%dma_start3A_19, %dma_start3A_20] : memref<100x256xf32, #tpu.memory_space<hbm>> -> memref<100x256xf32, #tpu.memory_space<hbm>>
    tpu.enqueue_indirect_dma source(%dma_start3A_21 : memref<100x256xf32, #tpu.memory_space<hbm>>) target(%arg6 : memref<80x256xf32, #tpu.memory_space<vmem>>) offsets(%arg5 : memref<80xi32, #tpu.memory_space<vmem>>) semaphore(%arg7 : memref<!tpu.dma_semaphore, #tpu.memory_space<semaphore_mem>>)
    %dma_wait3A_22 = arith.constant 0 : i32
    %dma_wait3A_23 = arith.constant 0 : i32
    %dma_wait3A_24 = tpu.memref_slice %arg2[%dma_wait3A_22, %dma_wait3A_23] : memref<100x256xf32, #tpu.memory_space<hbm>> -> memref<100x256xf32, #tpu.memory_space<hbm>>
    tpu.wait_indirect_dma semaphore(%arg7 : memref<!tpu.dma_semaphore, #tpu.memory_space<semaphore_mem>>) src(%dma_wait3A_24 : memref<100x256xf32, #tpu.memory_space<hbm>>) dst(%arg6 : memref<80x256xf32, #tpu.memory_space<vmem>>)
    "tpu.region"() ({
      %run_scoped3A = tpu.sem_alloc : memref<!tpu.dma_semaphore, #tpu.memory_space<semaphore_mem>>
      %dma_start3A_33 = arith.constant 0 : i32
      %dma_start3A_34 = tpu.memref_slice %arg4[%add3A_18, %dma_start3A_33] : memref<10240x256xf32, #tpu.memory_space<hbm>> -> memref<80x256xf32, #tpu.memory_space<hbm>>
      %dma_start3A_35 = arith.constant 0 : i32
      %dma_start3A_36 = tpu.memref_slice %arg4[%add3A_18, %dma_start3A_35] : memref<10240x256xf32, #tpu.memory_space<hbm>> -> memref<80x256xf32, #tpu.memory_space<hbm>>
      tpu.enqueue_dma source(%arg6 : memref<80x256xf32, #tpu.memory_space<vmem>>) target(%dma_start3A_36 : memref<80x256xf32, #tpu.memory_space<hbm>>) target_semaphore(%run_scoped3A : memref<!tpu.dma_semaphore, #tpu.memory_space<semaphore_mem>>)
      %dma_wait3A_37 = arith.constant 0 : i32
      %dma_wait3A_38 = tpu.memref_slice %arg4[%add3A_18, %dma_wait3A_37] : memref<10240x256xf32, #tpu.memory_space<hbm>> -> memref<80x256xf32, #tpu.memory_space<hbm>>
      %dma_wait3A_39 = arith.constant 0 : i32
      %dma_wait3A_40 = tpu.memref_slice %arg4[%add3A_18, %dma_wait3A_39] : memref<10240x256xf32, #tpu.memory_space<hbm>> -> memref<80x256xf32, #tpu.memory_space<hbm>>
      tpu.wait_dma2 semaphore(%run_scoped3A : memref<!tpu.dma_semaphore, #tpu.memory_space<semaphore_mem>>) src(%arg6 : memref<80x256xf32, #tpu.memory_space<vmem>>) dst(%dma_wait3A_40 : memref<80x256xf32, #tpu.memory_space<hbm>>)
      tpu.yield
    }) : () -> ()
    %add3A_25 = arith.constant 240 : i32
    %add3A_26 = arith.addi %mul3A_2, %add3A_25 : i32
    "tpu.region"() ({
      %run_scoped3A = tpu.sem_alloc : memref<!tpu.dma_semaphore, #tpu.memory_space<semaphore_mem>>
      %dma_start3A_33 = tpu.memref_slice %arg3[%add3A_26] : memref<10240xi32, #tpu.memory_space<hbm>> -> memref<80xi32, #tpu.memory_space<hbm>>
      %dma_start3A_34 = tpu.memref_slice %arg3[%add3A_26] : memref<10240xi32, #tpu.memory_space<hbm>> -> memref<80xi32, #tpu.memory_space<hbm>>
      tpu.enqueue_dma source(%dma_start3A_34 : memref<80xi32, #tpu.memory_space<hbm>>) target(%arg5 : memref<80xi32, #tpu.memory_space<vmem>>) target_semaphore(%run_scoped3A : memref<!tpu.dma_semaphore, #tpu.memory_space<semaphore_mem>>)
      %dma_wait3A_35 = tpu.memref_slice %arg3[%add3A_26] : memref<10240xi32, #tpu.memory_space<hbm>> -> memref<80xi32, #tpu.memory_space<hbm>>
      %dma_wait3A_36 = tpu.memref_slice %arg3[%add3A_26] : memref<10240xi32, #tpu.memory_space<hbm>> -> memref<80xi32, #tpu.memory_space<hbm>>
      tpu.wait_dma2 semaphore(%run_scoped3A : memref<!tpu.dma_semaphore, #tpu.memory_space<semaphore_mem>>) src(%dma_wait3A_36 : memref<80xi32, #tpu.memory_space<hbm>>) dst(%arg5 : memref<80xi32, #tpu.memory_space<vmem>>)
      tpu.yield
    }) : () -> ()
    %dma_start3A_27 = arith.constant 0 : i32
    %dma_start3A_28 = arith.constant 0 : i32
    %dma_start3A_29 = tpu.memref_slice %arg2[%dma_start3A_27, %dma_start3A_28] : memref<100x256xf32, #tpu.memory_space<hbm>> -> memref<100x256xf32, #tpu.memory_space<hbm>>
    tpu.enqueue_indirect_dma source(%dma_start3A_29 : memref<100x256xf32, #tpu.memory_space<hbm>>) target(%arg6 : memref<80x256xf32, #tpu.memory_space<vmem>>) offsets(%arg5 : memref<80xi32, #tpu.memory_space<vmem>>) semaphore(%arg7 : memref<!tpu.dma_semaphore, #tpu.memory_space<semaphore_mem>>)
    %dma_wait3A_30 = arith.constant 0 : i32
    %dma_wait3A_31 = arith.constant 0 : i32
    %dma_wait3A_32 = tpu.memref_slice %arg2[%dma_wait3A_30, %dma_wait3A_31] : memref<100x256xf32, #tpu.memory_space<hbm>> -> memref<100x256xf32, #tpu.memory_space<hbm>>
    tpu.wait_indirect_dma semaphore(%arg7 : memref<!tpu.dma_semaphore, #tpu.memory_space<semaphore_mem>>) src(%dma_wait3A_32 : memref<100x256xf32, #tpu.memory_space<hbm>>) dst(%arg6 : memref<80x256xf32, #tpu.memory_space<vmem>>)
    "tpu.region"() ({
      %run_scoped3A = tpu.sem_alloc : memref<!tpu.dma_semaphore, #tpu.memory_space<semaphore_mem>>
      %dma_start3A_33 = arith.constant 0 : i32
      %dma_start3A_34 = tpu.memref_slice %arg4[%add3A_26, %dma_start3A_33] : memref<10240x256xf32, #tpu.memory_space<hbm>> -> memref<80x256xf32, #tpu.memory_space<hbm>>
      %dma_start3A_35 = arith.constant 0 : i32
      %dma_start3A_36 = tpu.memref_slice %arg4[%add3A_26, %dma_start3A_35] : memref<10240x256xf32, #tpu.memory_space<hbm>> -> memref<80x256xf32, #tpu.memory_space<hbm>>
      tpu.enqueue_dma source(%arg6 : memref<80x256xf32, #tpu.memory_space<vmem>>) target(%dma_start3A_36 : memref<80x256xf32, #tpu.memory_space<hbm>>) target_semaphore(%run_scoped3A : memref<!tpu.dma_semaphore, #tpu.memory_space<semaphore_mem>>)
      %dma_wait3A_37 = arith.constant 0 : i32
      %dma_wait3A_38 = tpu.memref_slice %arg4[%add3A_26, %dma_wait3A_37] : memref<10240x256xf32, #tpu.memory_space<hbm>> -> memref<80x256xf32, #tpu.memory_space<hbm>>
      %dma_wait3A_39 = arith.constant 0 : i32
      %dma_wait3A_40 = tpu.memref_slice %arg4[%add3A_26, %dma_wait3A_39] : memref<10240x256xf32, #tpu.memory_space<hbm>> -> memref<80x256xf32, #tpu.memory_space<hbm>>
      tpu.wait_dma2 semaphore(%run_scoped3A : memref<!tpu.dma_semaphore, #tpu.memory_space<semaphore_mem>>) src(%arg6 : memref<80x256xf32, #tpu.memory_space<vmem>>) dst(%dma_wait3A_40 : memref<80x256xf32, #tpu.memory_space<hbm>>)
      tpu.yield
    }) : () -> ()
    return
  }
}

module attributes {stable_mosaic.version = 14 : i64} {
  func.func @_nb_kernel(%arg0: i32, %arg1: memref<3x128xf32, #tpu.memory_space<vmem>>, %arg2: memref<3x128xf32, #tpu.memory_space<vmem>>, %arg3: memref<1x128xi32, #tpu.memory_space<vmem>>, %arg4: memref<1x128xi32, #tpu.memory_space<vmem>>, %arg5: memref<128x1xi32, #tpu.memory_space<vmem>>, %arg6: memref<128x1xi32, #tpu.memory_space<vmem>>, %arg7: memref<32x128xf32, #tpu.memory_space<vmem>>, %arg8: memref<32x128xi32, #tpu.memory_space<vmem>>) attributes {dimension_semantics = [#tpu.dimension_semantics<arbitrary>], iteration_bounds = array<i64: 79>, scalar_prefetch = 0 : i64, scratch_operands = 0 : i64, tpu.core_type = #tpu.core_type<tc>, window_params = [{transform_indices = @transform_0, window_bounds = array<i64: 3, 128>}, {transform_indices = @transform_1, window_bounds = array<i64: 3, 128>}, {transform_indices = @transform_2, window_bounds = array<i64: 1, 128>}, {transform_indices = @transform_3, window_bounds = array<i64: 1, 128>}, {transform_indices = @transform_4, window_bounds = array<i64: 128, 1>}, {transform_indices = @transform_5, window_bounds = array<i64: 128, 1>}, {transform_indices = @transform_6, window_bounds = array<i64: 32, 128>}, {transform_indices = @transform_7, window_bounds = array<i64: 32, 128>}]} {
    %get3A = arith.constant 0 : index
    %get3A_0 = arith.constant 0 : index
    %get3A_1 = vector.load %arg1[%get3A, %get3A_0] : memref<3x128xf32, #tpu.memory_space<vmem>>, vector<3x128xf32>
    %get3A_2 = arith.constant 0 : index
    %get3A_3 = arith.constant 0 : index
    %get3A_4 = vector.load %arg2[%get3A_2, %get3A_3] : memref<3x128xf32, #tpu.memory_space<vmem>>, vector<3x128xf32>
    %concatenate3A = tpu.concatenate %get3A_1, %get3A_4 in 1 : vector<3x128xf32>, vector<3x128xf32> -> vector<3x256xf32>
    %get3A_5 = arith.constant 0 : index
    %get3A_6 = arith.constant 0 : index
    %get3A_7 = vector.load %arg3[%get3A_5, %get3A_6] : memref<1x128xi32, #tpu.memory_space<vmem>>, vector<1x128xi32>
    %get3A_8 = arith.constant 0 : index
    %get3A_9 = arith.constant 0 : index
    %get3A_10 = vector.load %arg4[%get3A_8, %get3A_9] : memref<1x128xi32, #tpu.memory_space<vmem>>, vector<1x128xi32>
    %concatenate3A_11 = tpu.concatenate %get3A_7, %get3A_10 in 1 : vector<1x128xi32>, vector<1x128xi32> -> vector<1x256xi32>
    %get3A_12 = arith.constant 0 : index
    %get3A_13 = arith.constant 0 : index
    %get3A_14 = vector.load %arg5[%get3A_12, %get3A_13] : memref<128x1xi32, #tpu.memory_space<vmem>>, vector<128x1xi32>
    %get3A_15 = arith.constant 0 : index
    %get3A_16 = arith.constant 0 : index
    %get3A_17 = vector.load %arg6[%get3A_15, %get3A_16] : memref<128x1xi32, #tpu.memory_space<vmem>>, vector<128x1xi32>
    %concatenate3A_18 = tpu.concatenate %get3A_14, %get3A_17 in 0 : vector<128x1xi32>, vector<128x1xi32> -> vector<256x1xi32>
    %slice3A = vector.extract_strided_slice %concatenate3A {offsets = [0, 64], sizes = [3, 128], strides = [1, 1]} : vector<3x256xf32> to vector<3x128xf32>
    %slice3A_19 = vector.extract_strided_slice %concatenate3A_11 {offsets = [0, 64], sizes = [1, 128], strides = [1, 1]} : vector<1x256xi32> to vector<1x128xi32>
    %mul3A = arith.mulf %concatenate3A, %concatenate3A : vector<3x256xf32>
    %reduce_sum3A = arith.constant dense<0.000000e+00> : vector<256xf32>
    %reduce_sum3A_20 = vector.multi_reduction <add>, %mul3A, %reduce_sum3A [0] : vector<3x256xf32> to vector<256xf32>
    %broadcast_in_dim3A = vector.shape_cast %reduce_sum3A_20 : vector<256xf32> to vector<1x256xf32>
    %mul3A_21 = arith.mulf %slice3A, %slice3A : vector<3x128xf32>
    %reduce_sum3A_22 = arith.constant dense<0.000000e+00> : vector<128xf32>
    %reduce_sum3A_23 = vector.multi_reduction <add>, %mul3A_21, %reduce_sum3A_22 [0] : vector<3x128xf32> to vector<128xf32>
    %broadcast_in_dim3A_24 = vector.shape_cast %reduce_sum3A_23 : vector<128xf32> to vector<1x128xf32>
    %concatenate3A_25 = tpu.concatenate %concatenate3A, %broadcast_in_dim3A in 0 : vector<3x256xf32>, vector<1x256xf32> -> vector<4x256xf32>
    %mul3A_26 = arith.constant -2.000000e+00 : f32
    %mul3A_27 = vector.broadcast %mul3A_26 : f32 to vector<3x128xf32>
    %mul3A_28 = arith.mulf %mul3A_27, %slice3A : vector<3x128xf32>
    %broadcast_in_dim3A_29 = arith.constant 1.000000e+00 : f32
    %broadcast_in_dim3A_30 = vector.broadcast %broadcast_in_dim3A_29 : f32 to vector<1x128xf32>
    %concatenate3A_31 = tpu.concatenate %mul3A_28, %broadcast_in_dim3A_30 in 0 : vector<3x128xf32>, vector<1x128xf32> -> vector<4x128xf32>
    %dot_general3A = arith.constant dense<0.000000e+00> : vector<256x128xf32>
    %dot_general3A_32 = tpu.matmul %concatenate3A_25, %concatenate3A_31, %dot_general3A {dimension_numbers = #tpu.dot_dimension_numbers<[0], [0], [1], [1], [0, 1, 1, 1], [], []>, transpose_lhs_hint = false} : vector<4x256xf32>, vector<4x128xf32>, vector<256x128xf32> -> vector<256x128xf32>
    %add3A = vector.broadcast %broadcast_in_dim3A_24 : vector<1x128xf32> to vector<256x128xf32>
    %add3A_33 = arith.addf %dot_general3A_32, %add3A : vector<256x128xf32>
    %max3A = arith.constant 0.000000e+00 : f32
    %max3A_34 = vector.broadcast %max3A : f32 to vector<256x128xf32>
    %max3A_35 = arith.maximumf %add3A_33, %max3A_34 : vector<256x128xf32>
    %iota3A = tpu.iota {dimensions = array<i32: 0>} : vector<256x128xi32>
    %iota3A_36 = tpu.iota {dimensions = array<i32: 1>} : vector<256x128xi32>
    %eq3A = vector.broadcast %concatenate3A_18 : vector<256x1xi32> to vector<256x128xi32>
    %eq3A_37 = vector.broadcast %slice3A_19 : vector<1x128xi32> to vector<256x128xi32>
    %eq3A_38 = arith.cmpi eq, %eq3A, %eq3A_37 : vector<256x128xi32>
    %lt3A = arith.constant 4.900000e+01 : f32
    %lt3A_39 = vector.broadcast %lt3A : f32 to vector<256x128xf32>
    %lt3A_40 = arith.cmpf olt, %max3A_35, %lt3A_39 : vector<256x128xf32>
    %and3A = arith.andi %eq3A_38, %lt3A_40 : vector<256x128xi1>
    %sub3A = arith.subi %iota3A, %iota3A_36 : vector<256x128xi32>
    %ne3A = arith.constant 64 : i32
    %ne3A_41 = vector.broadcast %ne3A : i32 to vector<256x128xi32>
    %ne3A_42 = arith.cmpi ne, %sub3A, %ne3A_41 : vector<256x128xi32>
    %and3A_43 = arith.andi %and3A, %ne3A_42 : vector<256x128xi1>
    %sqrt3A = math.sqrt %max3A_35 : vector<256x128xf32>
    %jit3A = arith.constant 0x7F800000 : f32
    %broadcast_in_dim3A_44 = vector.broadcast %jit3A : f32 to vector<256x128xf32>
    %select_n3A = arith.select %and3A_43, %sqrt3A, %broadcast_in_dim3A_44 : vector<256x128xi1>, vector<256x128xf32>
    %slice3A_45 = vector.extract_strided_slice %select_n3A {offsets = [1, 0], sizes = [255, 128], strides = [1, 1]} : vector<256x128xf32> to vector<255x128xf32>
    %slice3A_46 = vector.extract_strided_slice %select_n3A {offsets = [0, 0], sizes = [1, 128], strides = [1, 1]} : vector<256x128xf32> to vector<1x128xf32>
    %concatenate3A_47 = tpu.concatenate %slice3A_45, %slice3A_46 in 0 : vector<255x128xf32>, vector<1x128xf32> -> vector<256x128xf32>
    %slice3A_48 = vector.extract_strided_slice %select_n3A {offsets = [255, 0], sizes = [1, 128], strides = [1, 1]} : vector<256x128xf32> to vector<1x128xf32>
    %slice3A_49 = vector.extract_strided_slice %select_n3A {offsets = [0, 0], sizes = [255, 128], strides = [1, 1]} : vector<256x128xf32> to vector<255x128xf32>
    %concatenate3A_50 = tpu.concatenate %slice3A_48, %slice3A_49 in 0 : vector<1x128xf32>, vector<255x128xf32> -> vector<256x128xf32>
    %iota3A_51 = tpu.iota {dimensions = array<i32: 0>} : vector<256x128xi32>
    %and3A_52 = arith.constant 1 : i32
    %and3A_53 = vector.broadcast %and3A_52 : i32 to vector<256x128xi32>
    %and3A_54 = arith.andi %iota3A_51, %and3A_53 : vector<256x128xi32>
    %eq3A_55 = arith.constant 0 : i32
    %eq3A_56 = vector.broadcast %eq3A_55 : i32 to vector<256x128xi32>
    %eq3A_57 = arith.cmpi eq, %and3A_54, %eq3A_56 : vector<256x128xi32>
    %select_n3A_58 = arith.select %eq3A_57, %concatenate3A_47, %concatenate3A_50 : vector<256x128xi1>, vector<256x128xf32>
    %slice3A_59 = vector.extract_strided_slice %iota3A {offsets = [1, 0], sizes = [255, 128], strides = [1, 1]} : vector<256x128xi32> to vector<255x128xi32>
    %slice3A_60 = vector.extract_strided_slice %iota3A {offsets = [0, 0], sizes = [1, 128], strides = [1, 1]} : vector<256x128xi32> to vector<1x128xi32>
    %concatenate3A_61 = tpu.concatenate %slice3A_59, %slice3A_60 in 0 : vector<255x128xi32>, vector<1x128xi32> -> vector<256x128xi32>
    %slice3A_62 = vector.extract_strided_slice %iota3A {offsets = [255, 0], sizes = [1, 128], strides = [1, 1]} : vector<256x128xi32> to vector<1x128xi32>
    %slice3A_63 = vector.extract_strided_slice %iota3A {offsets = [0, 0], sizes = [255, 128], strides = [1, 1]} : vector<256x128xi32> to vector<255x128xi32>
    %concatenate3A_64 = tpu.concatenate %slice3A_62, %slice3A_63 in 0 : vector<1x128xi32>, vector<255x128xi32> -> vector<256x128xi32>
    %iota3A_65 = tpu.iota {dimensions = array<i32: 0>} : vector<256x128xi32>
    %and3A_66 = arith.constant 1 : i32
    %and3A_67 = vector.broadcast %and3A_66 : i32 to vector<256x128xi32>
    %and3A_68 = arith.andi %iota3A_65, %and3A_67 : vector<256x128xi32>
    %eq3A_69 = arith.constant 0 : i32
    %eq3A_70 = vector.broadcast %eq3A_69 : i32 to vector<256x128xi32>
    %eq3A_71 = arith.cmpi eq, %and3A_68, %eq3A_70 : vector<256x128xi32>
    %select_n3A_72 = arith.select %eq3A_71, %concatenate3A_61, %concatenate3A_64 : vector<256x128xi1>, vector<256x128xi32>
    %lt3A_73 = arith.cmpf olt, %select_n3A, %select_n3A_58 : vector<256x128xf32>
    %eq3A_74 = arith.cmpf oeq, %select_n3A, %select_n3A_58 : vector<256x128xf32>
    %lt3A_75 = arith.cmpi slt, %iota3A, %select_n3A_72 : vector<256x128xi32>
    %and3A_76 = arith.andi %eq3A_74, %lt3A_75 : vector<256x128xi1>
    %or3A = arith.ori %lt3A_73, %and3A_76 : vector<256x128xi1>
    %and3A_77 = arith.constant 2 : i32
    %and3A_78 = vector.broadcast %and3A_77 : i32 to vector<256x128xi32>
    %and3A_79 = arith.andi %iota3A, %and3A_78 : vector<256x128xi32>
    %eq3A_80 = arith.constant 0 : i32
    %eq3A_81 = vector.broadcast %eq3A_80 : i32 to vector<256x128xi32>
    %eq3A_82 = arith.cmpi eq, %and3A_79, %eq3A_81 : vector<256x128xi32>
    %and3A_83 = arith.constant 1 : i32
    %and3A_84 = vector.broadcast %and3A_83 : i32 to vector<256x128xi32>
    %and3A_85 = arith.andi %iota3A, %and3A_84 : vector<256x128xi32>
    %eq3A_86 = arith.constant 0 : i32
    %eq3A_87 = vector.broadcast %eq3A_86 : i32 to vector<256x128xi32>
    %eq3A_88 = arith.cmpi eq, %and3A_85, %eq3A_87 : vector<256x128xi32>
    %eq3A_89 = arith.xori %eq3A_82, %eq3A_88 : vector<256x128xi1>
    %eq3A_90 = arith.constant dense<true> : vector<256x128xi1>
    %eq3A_91 = arith.xori %eq3A_89, %eq3A_90 : vector<256x128xi1>
    %eq3A_92 = arith.xori %or3A, %eq3A_91 : vector<256x128xi1>
    %eq3A_93 = arith.constant dense<true> : vector<256x128xi1>
    %eq3A_94 = arith.xori %eq3A_92, %eq3A_93 : vector<256x128xi1>
    %select_n3A_95 = arith.select %eq3A_94, %select_n3A, %select_n3A_58 : vector<256x128xi1>, vector<256x128xf32>
    %select_n3A_96 = arith.select %eq3A_94, %iota3A, %select_n3A_72 : vector<256x128xi1>, vector<256x128xi32>
    %slice3A_97 = vector.extract_strided_slice %select_n3A_95 {offsets = [2, 0], sizes = [254, 128], strides = [1, 1]} : vector<256x128xf32> to vector<254x128xf32>
    %slice3A_98 = vector.extract_strided_slice %select_n3A_95 {offsets = [0, 0], sizes = [2, 128], strides = [1, 1]} : vector<256x128xf32> to vector<2x128xf32>
    %concatenate3A_99 = tpu.concatenate %slice3A_97, %slice3A_98 in 0 : vector<254x128xf32>, vector<2x128xf32> -> vector<256x128xf32>
    %slice3A_100 = vector.extract_strided_slice %select_n3A_95 {offsets = [254, 0], sizes = [2, 128], strides = [1, 1]} : vector<256x128xf32> to vector<2x128xf32>
    %slice3A_101 = vector.extract_strided_slice %select_n3A_95 {offsets = [0, 0], sizes = [254, 128], strides = [1, 1]} : vector<256x128xf32> to vector<254x128xf32>
    %concatenate3A_102 = tpu.concatenate %slice3A_100, %slice3A_101 in 0 : vector<2x128xf32>, vector<254x128xf32> -> vector<256x128xf32>
    %iota3A_103 = tpu.iota {dimensions = array<i32: 0>} : vector<256x128xi32>
    %and3A_104 = arith.constant 2 : i32
    %and3A_105 = vector.broadcast %and3A_104 : i32 to vector<256x128xi32>
    %and3A_106 = arith.andi %iota3A_103, %and3A_105 : vector<256x128xi32>
    %eq3A_107 = arith.constant 0 : i32
    %eq3A_108 = vector.broadcast %eq3A_107 : i32 to vector<256x128xi32>
    %eq3A_109 = arith.cmpi eq, %and3A_106, %eq3A_108 : vector<256x128xi32>
    %select_n3A_110 = arith.select %eq3A_109, %concatenate3A_99, %concatenate3A_102 : vector<256x128xi1>, vector<256x128xf32>
    %slice3A_111 = vector.extract_strided_slice %select_n3A_96 {offsets = [2, 0], sizes = [254, 128], strides = [1, 1]} : vector<256x128xi32> to vector<254x128xi32>
    %slice3A_112 = vector.extract_strided_slice %select_n3A_96 {offsets = [0, 0], sizes = [2, 128], strides = [1, 1]} : vector<256x128xi32> to vector<2x128xi32>
    %concatenate3A_113 = tpu.concatenate %slice3A_111, %slice3A_112 in 0 : vector<254x128xi32>, vector<2x128xi32> -> vector<256x128xi32>
    %slice3A_114 = vector.extract_strided_slice %select_n3A_96 {offsets = [254, 0], sizes = [2, 128], strides = [1, 1]} : vector<256x128xi32> to vector<2x128xi32>
    %slice3A_115 = vector.extract_strided_slice %select_n3A_96 {offsets = [0, 0], sizes = [254, 128], strides = [1, 1]} : vector<256x128xi32> to vector<254x128xi32>
    %concatenate3A_116 = tpu.concatenate %slice3A_114, %slice3A_115 in 0 : vector<2x128xi32>, vector<254x128xi32> -> vector<256x128xi32>
    %iota3A_117 = tpu.iota {dimensions = array<i32: 0>} : vector<256x128xi32>
    %and3A_118 = arith.constant 2 : i32
    %and3A_119 = vector.broadcast %and3A_118 : i32 to vector<256x128xi32>
    %and3A_120 = arith.andi %iota3A_117, %and3A_119 : vector<256x128xi32>
    %eq3A_121 = arith.constant 0 : i32
    %eq3A_122 = vector.broadcast %eq3A_121 : i32 to vector<256x128xi32>
    %eq3A_123 = arith.cmpi eq, %and3A_120, %eq3A_122 : vector<256x128xi32>
    %select_n3A_124 = arith.select %eq3A_123, %concatenate3A_113, %concatenate3A_116 : vector<256x128xi1>, vector<256x128xi32>
    %lt3A_125 = arith.cmpf olt, %select_n3A_95, %select_n3A_110 : vector<256x128xf32>
    %eq3A_126 = arith.cmpf oeq, %select_n3A_95, %select_n3A_110 : vector<256x128xf32>
    %lt3A_127 = arith.cmpi slt, %select_n3A_96, %select_n3A_124 : vector<256x128xi32>
    %and3A_128 = arith.andi %eq3A_126, %lt3A_127 : vector<256x128xi1>
    %or3A_129 = arith.ori %lt3A_125, %and3A_128 : vector<256x128xi1>
    %and3A_130 = arith.constant 4 : i32
    %and3A_131 = vector.broadcast %and3A_130 : i32 to vector<256x128xi32>
    %and3A_132 = arith.andi %iota3A, %and3A_131 : vector<256x128xi32>
    %eq3A_133 = arith.constant 0 : i32
    %eq3A_134 = vector.broadcast %eq3A_133 : i32 to vector<256x128xi32>
    %eq3A_135 = arith.cmpi eq, %and3A_132, %eq3A_134 : vector<256x128xi32>
    %and3A_136 = arith.constant 2 : i32
    %and3A_137 = vector.broadcast %and3A_136 : i32 to vector<256x128xi32>
    %and3A_138 = arith.andi %iota3A, %and3A_137 : vector<256x128xi32>
    %eq3A_139 = arith.constant 0 : i32
    %eq3A_140 = vector.broadcast %eq3A_139 : i32 to vector<256x128xi32>
    %eq3A_141 = arith.cmpi eq, %and3A_138, %eq3A_140 : vector<256x128xi32>
    %eq3A_142 = arith.xori %eq3A_135, %eq3A_141 : vector<256x128xi1>
    %eq3A_143 = arith.constant dense<true> : vector<256x128xi1>
    %eq3A_144 = arith.xori %eq3A_142, %eq3A_143 : vector<256x128xi1>
    %eq3A_145 = arith.xori %or3A_129, %eq3A_144 : vector<256x128xi1>
    %eq3A_146 = arith.constant dense<true> : vector<256x128xi1>
    %eq3A_147 = arith.xori %eq3A_145, %eq3A_146 : vector<256x128xi1>
    %select_n3A_148 = arith.select %eq3A_147, %select_n3A_95, %select_n3A_110 : vector<256x128xi1>, vector<256x128xf32>
    %select_n3A_149 = arith.select %eq3A_147, %select_n3A_96, %select_n3A_124 : vector<256x128xi1>, vector<256x128xi32>
    %slice3A_150 = vector.extract_strided_slice %select_n3A_148 {offsets = [1, 0], sizes = [255, 128], strides = [1, 1]} : vector<256x128xf32> to vector<255x128xf32>
    %slice3A_151 = vector.extract_strided_slice %select_n3A_148 {offsets = [0, 0], sizes = [1, 128], strides = [1, 1]} : vector<256x128xf32> to vector<1x128xf32>
    %concatenate3A_152 = tpu.concatenate %slice3A_150, %slice3A_151 in 0 : vector<255x128xf32>, vector<1x128xf32> -> vector<256x128xf32>
    %slice3A_153 = vector.extract_strided_slice %select_n3A_148 {offsets = [255, 0], sizes = [1, 128], strides = [1, 1]} : vector<256x128xf32> to vector<1x128xf32>
    %slice3A_154 = vector.extract_strided_slice %select_n3A_148 {offsets = [0, 0], sizes = [255, 128], strides = [1, 1]} : vector<256x128xf32> to vector<255x128xf32>
    %concatenate3A_155 = tpu.concatenate %slice3A_153, %slice3A_154 in 0 : vector<1x128xf32>, vector<255x128xf32> -> vector<256x128xf32>
    %iota3A_156 = tpu.iota {dimensions = array<i32: 0>} : vector<256x128xi32>
    %and3A_157 = arith.constant 1 : i32
    %and3A_158 = vector.broadcast %and3A_157 : i32 to vector<256x128xi32>
    %and3A_159 = arith.andi %iota3A_156, %and3A_158 : vector<256x128xi32>
    %eq3A_160 = arith.constant 0 : i32
    %eq3A_161 = vector.broadcast %eq3A_160 : i32 to vector<256x128xi32>
    %eq3A_162 = arith.cmpi eq, %and3A_159, %eq3A_161 : vector<256x128xi32>
    %select_n3A_163 = arith.select %eq3A_162, %concatenate3A_152, %concatenate3A_155 : vector<256x128xi1>, vector<256x128xf32>
    %slice3A_164 = vector.extract_strided_slice %select_n3A_149 {offsets = [1, 0], sizes = [255, 128], strides = [1, 1]} : vector<256x128xi32> to vector<255x128xi32>
    %slice3A_165 = vector.extract_strided_slice %select_n3A_149 {offsets = [0, 0], sizes = [1, 128], strides = [1, 1]} : vector<256x128xi32> to vector<1x128xi32>
    %concatenate3A_166 = tpu.concatenate %slice3A_164, %slice3A_165 in 0 : vector<255x128xi32>, vector<1x128xi32> -> vector<256x128xi32>
    %slice3A_167 = vector.extract_strided_slice %select_n3A_149 {offsets = [255, 0], sizes = [1, 128], strides = [1, 1]} : vector<256x128xi32> to vector<1x128xi32>
    %slice3A_168 = vector.extract_strided_slice %select_n3A_149 {offsets = [0, 0], sizes = [255, 128], strides = [1, 1]} : vector<256x128xi32> to vector<255x128xi32>
    %concatenate3A_169 = tpu.concatenate %slice3A_167, %slice3A_168 in 0 : vector<1x128xi32>, vector<255x128xi32> -> vector<256x128xi32>
    %iota3A_170 = tpu.iota {dimensions = array<i32: 0>} : vector<256x128xi32>
    %and3A_171 = arith.constant 1 : i32
    %and3A_172 = vector.broadcast %and3A_171 : i32 to vector<256x128xi32>
    %and3A_173 = arith.andi %iota3A_170, %and3A_172 : vector<256x128xi32>
    %eq3A_174 = arith.constant 0 : i32
    %eq3A_175 = vector.broadcast %eq3A_174 : i32 to vector<256x128xi32>
    %eq3A_176 = arith.cmpi eq, %and3A_173, %eq3A_175 : vector<256x128xi32>
    %select_n3A_177 = arith.select %eq3A_176, %concatenate3A_166, %concatenate3A_169 : vector<256x128xi1>, vector<256x128xi32>
    %lt3A_178 = arith.cmpf olt, %select_n3A_148, %select_n3A_163 : vector<256x128xf32>
    %eq3A_179 = arith.cmpf oeq, %select_n3A_148, %select_n3A_163 : vector<256x128xf32>
    %lt3A_180 = arith.cmpi slt, %select_n3A_149, %select_n3A_177 : vector<256x128xi32>
    %and3A_181 = arith.andi %eq3A_179, %lt3A_180 : vector<256x128xi1>
    %or3A_182 = arith.ori %lt3A_178, %and3A_181 : vector<256x128xi1>
    %and3A_183 = arith.constant 4 : i32
    %and3A_184 = vector.broadcast %and3A_183 : i32 to vector<256x128xi32>
    %and3A_185 = arith.andi %iota3A, %and3A_184 : vector<256x128xi32>
    %eq3A_186 = arith.constant 0 : i32
    %eq3A_187 = vector.broadcast %eq3A_186 : i32 to vector<256x128xi32>
    %eq3A_188 = arith.cmpi eq, %and3A_185, %eq3A_187 : vector<256x128xi32>
    %and3A_189 = arith.constant 1 : i32
    %and3A_190 = vector.broadcast %and3A_189 : i32 to vector<256x128xi32>
    %and3A_191 = arith.andi %iota3A, %and3A_190 : vector<256x128xi32>
    %eq3A_192 = arith.constant 0 : i32
    %eq3A_193 = vector.broadcast %eq3A_192 : i32 to vector<256x128xi32>
    %eq3A_194 = arith.cmpi eq, %and3A_191, %eq3A_193 : vector<256x128xi32>
    %eq3A_195 = arith.xori %eq3A_188, %eq3A_194 : vector<256x128xi1>
    %eq3A_196 = arith.constant dense<true> : vector<256x128xi1>
    %eq3A_197 = arith.xori %eq3A_195, %eq3A_196 : vector<256x128xi1>
    %eq3A_198 = arith.xori %or3A_182, %eq3A_197 : vector<256x128xi1>
    %eq3A_199 = arith.constant dense<true> : vector<256x128xi1>
    %eq3A_200 = arith.xori %eq3A_198, %eq3A_199 : vector<256x128xi1>
    %select_n3A_201 = arith.select %eq3A_200, %select_n3A_148, %select_n3A_163 : vector<256x128xi1>, vector<256x128xf32>
    %select_n3A_202 = arith.select %eq3A_200, %select_n3A_149, %select_n3A_177 : vector<256x128xi1>, vector<256x128xi32>
    %slice3A_203 = vector.extract_strided_slice %select_n3A_201 {offsets = [4, 0], sizes = [252, 128], strides = [1, 1]} : vector<256x128xf32> to vector<252x128xf32>
    %slice3A_204 = vector.extract_strided_slice %select_n3A_201 {offsets = [0, 0], sizes = [4, 128], strides = [1, 1]} : vector<256x128xf32> to vector<4x128xf32>
    %concatenate3A_205 = tpu.concatenate %slice3A_203, %slice3A_204 in 0 : vector<252x128xf32>, vector<4x128xf32> -> vector<256x128xf32>
    %slice3A_206 = vector.extract_strided_slice %select_n3A_201 {offsets = [252, 0], sizes = [4, 128], strides = [1, 1]} : vector<256x128xf32> to vector<4x128xf32>
    %slice3A_207 = vector.extract_strided_slice %select_n3A_201 {offsets = [0, 0], sizes = [252, 128], strides = [1, 1]} : vector<256x128xf32> to vector<252x128xf32>
    %concatenate3A_208 = tpu.concatenate %slice3A_206, %slice3A_207 in 0 : vector<4x128xf32>, vector<252x128xf32> -> vector<256x128xf32>
    %iota3A_209 = tpu.iota {dimensions = array<i32: 0>} : vector<256x128xi32>
    %and3A_210 = arith.constant 4 : i32
    %and3A_211 = vector.broadcast %and3A_210 : i32 to vector<256x128xi32>
    %and3A_212 = arith.andi %iota3A_209, %and3A_211 : vector<256x128xi32>
    %eq3A_213 = arith.constant 0 : i32
    %eq3A_214 = vector.broadcast %eq3A_213 : i32 to vector<256x128xi32>
    %eq3A_215 = arith.cmpi eq, %and3A_212, %eq3A_214 : vector<256x128xi32>
    %select_n3A_216 = arith.select %eq3A_215, %concatenate3A_205, %concatenate3A_208 : vector<256x128xi1>, vector<256x128xf32>
    %slice3A_217 = vector.extract_strided_slice %select_n3A_202 {offsets = [4, 0], sizes = [252, 128], strides = [1, 1]} : vector<256x128xi32> to vector<252x128xi32>
    %slice3A_218 = vector.extract_strided_slice %select_n3A_202 {offsets = [0, 0], sizes = [4, 128], strides = [1, 1]} : vector<256x128xi32> to vector<4x128xi32>
    %concatenate3A_219 = tpu.concatenate %slice3A_217, %slice3A_218 in 0 : vector<252x128xi32>, vector<4x128xi32> -> vector<256x128xi32>
    %slice3A_220 = vector.extract_strided_slice %select_n3A_202 {offsets = [252, 0], sizes = [4, 128], strides = [1, 1]} : vector<256x128xi32> to vector<4x128xi32>
    %slice3A_221 = vector.extract_strided_slice %select_n3A_202 {offsets = [0, 0], sizes = [252, 128], strides = [1, 1]} : vector<256x128xi32> to vector<252x128xi32>
    %concatenate3A_222 = tpu.concatenate %slice3A_220, %slice3A_221 in 0 : vector<4x128xi32>, vector<252x128xi32> -> vector<256x128xi32>
    %iota3A_223 = tpu.iota {dimensions = array<i32: 0>} : vector<256x128xi32>
    %and3A_224 = arith.constant 4 : i32
    %and3A_225 = vector.broadcast %and3A_224 : i32 to vector<256x128xi32>
    %and3A_226 = arith.andi %iota3A_223, %and3A_225 : vector<256x128xi32>
    %eq3A_227 = arith.constant 0 : i32
    %eq3A_228 = vector.broadcast %eq3A_227 : i32 to vector<256x128xi32>
    %eq3A_229 = arith.cmpi eq, %and3A_226, %eq3A_228 : vector<256x128xi32>
    %select_n3A_230 = arith.select %eq3A_229, %concatenate3A_219, %concatenate3A_222 : vector<256x128xi1>, vector<256x128xi32>
    %lt3A_231 = arith.cmpf olt, %select_n3A_201, %select_n3A_216 : vector<256x128xf32>
    %eq3A_232 = arith.cmpf oeq, %select_n3A_201, %select_n3A_216 : vector<256x128xf32>
    %lt3A_233 = arith.cmpi slt, %select_n3A_202, %select_n3A_230 : vector<256x128xi32>
    %and3A_234 = arith.andi %eq3A_232, %lt3A_233 : vector<256x128xi1>
    %or3A_235 = arith.ori %lt3A_231, %and3A_234 : vector<256x128xi1>
    %and3A_236 = arith.constant 8 : i32
    %and3A_237 = vector.broadcast %and3A_236 : i32 to vector<256x128xi32>
    %and3A_238 = arith.andi %iota3A, %and3A_237 : vector<256x128xi32>
    %eq3A_239 = arith.constant 0 : i32
    %eq3A_240 = vector.broadcast %eq3A_239 : i32 to vector<256x128xi32>
    %eq3A_241 = arith.cmpi eq, %and3A_238, %eq3A_240 : vector<256x128xi32>
    %and3A_242 = arith.constant 4 : i32
    %and3A_243 = vector.broadcast %and3A_242 : i32 to vector<256x128xi32>
    %and3A_244 = arith.andi %iota3A, %and3A_243 : vector<256x128xi32>
    %eq3A_245 = arith.constant 0 : i32
    %eq3A_246 = vector.broadcast %eq3A_245 : i32 to vector<256x128xi32>
    %eq3A_247 = arith.cmpi eq, %and3A_244, %eq3A_246 : vector<256x128xi32>
    %eq3A_248 = arith.xori %eq3A_241, %eq3A_247 : vector<256x128xi1>
    %eq3A_249 = arith.constant dense<true> : vector<256x128xi1>
    %eq3A_250 = arith.xori %eq3A_248, %eq3A_249 : vector<256x128xi1>
    %eq3A_251 = arith.xori %or3A_235, %eq3A_250 : vector<256x128xi1>
    %eq3A_252 = arith.constant dense<true> : vector<256x128xi1>
    %eq3A_253 = arith.xori %eq3A_251, %eq3A_252 : vector<256x128xi1>
    %select_n3A_254 = arith.select %eq3A_253, %select_n3A_201, %select_n3A_216 : vector<256x128xi1>, vector<256x128xf32>
    %select_n3A_255 = arith.select %eq3A_253, %select_n3A_202, %select_n3A_230 : vector<256x128xi1>, vector<256x128xi32>
    %slice3A_256 = vector.extract_strided_slice %select_n3A_254 {offsets = [2, 0], sizes = [254, 128], strides = [1, 1]} : vector<256x128xf32> to vector<254x128xf32>
    %slice3A_257 = vector.extract_strided_slice %select_n3A_254 {offsets = [0, 0], sizes = [2, 128], strides = [1, 1]} : vector<256x128xf32> to vector<2x128xf32>
    %concatenate3A_258 = tpu.concatenate %slice3A_256, %slice3A_257 in 0 : vector<254x128xf32>, vector<2x128xf32> -> vector<256x128xf32>
    %slice3A_259 = vector.extract_strided_slice %select_n3A_254 {offsets = [254, 0], sizes = [2, 128], strides = [1, 1]} : vector<256x128xf32> to vector<2x128xf32>
    %slice3A_260 = vector.extract_strided_slice %select_n3A_254 {offsets = [0, 0], sizes = [254, 128], strides = [1, 1]} : vector<256x128xf32> to vector<254x128xf32>
    %concatenate3A_261 = tpu.concatenate %slice3A_259, %slice3A_260 in 0 : vector<2x128xf32>, vector<254x128xf32> -> vector<256x128xf32>
    %iota3A_262 = tpu.iota {dimensions = array<i32: 0>} : vector<256x128xi32>
    %and3A_263 = arith.constant 2 : i32
    %and3A_264 = vector.broadcast %and3A_263 : i32 to vector<256x128xi32>
    %and3A_265 = arith.andi %iota3A_262, %and3A_264 : vector<256x128xi32>
    %eq3A_266 = arith.constant 0 : i32
    %eq3A_267 = vector.broadcast %eq3A_266 : i32 to vector<256x128xi32>
    %eq3A_268 = arith.cmpi eq, %and3A_265, %eq3A_267 : vector<256x128xi32>
    %select_n3A_269 = arith.select %eq3A_268, %concatenate3A_258, %concatenate3A_261 : vector<256x128xi1>, vector<256x128xf32>
    %slice3A_270 = vector.extract_strided_slice %select_n3A_255 {offsets = [2, 0], sizes = [254, 128], strides = [1, 1]} : vector<256x128xi32> to vector<254x128xi32>
    %slice3A_271 = vector.extract_strided_slice %select_n3A_255 {offsets = [0, 0], sizes = [2, 128], strides = [1, 1]} : vector<256x128xi32> to vector<2x128xi32>
    %concatenate3A_272 = tpu.concatenate %slice3A_270, %slice3A_271 in 0 : vector<254x128xi32>, vector<2x128xi32> -> vector<256x128xi32>
    %slice3A_273 = vector.extract_strided_slice %select_n3A_255 {offsets = [254, 0], sizes = [2, 128], strides = [1, 1]} : vector<256x128xi32> to vector<2x128xi32>
    %slice3A_274 = vector.extract_strided_slice %select_n3A_255 {offsets = [0, 0], sizes = [254, 128], strides = [1, 1]} : vector<256x128xi32> to vector<254x128xi32>
    %concatenate3A_275 = tpu.concatenate %slice3A_273, %slice3A_274 in 0 : vector<2x128xi32>, vector<254x128xi32> -> vector<256x128xi32>
    %iota3A_276 = tpu.iota {dimensions = array<i32: 0>} : vector<256x128xi32>
    %and3A_277 = arith.constant 2 : i32
    %and3A_278 = vector.broadcast %and3A_277 : i32 to vector<256x128xi32>
    %and3A_279 = arith.andi %iota3A_276, %and3A_278 : vector<256x128xi32>
    %eq3A_280 = arith.constant 0 : i32
    %eq3A_281 = vector.broadcast %eq3A_280 : i32 to vector<256x128xi32>
    %eq3A_282 = arith.cmpi eq, %and3A_279, %eq3A_281 : vector<256x128xi32>
    %select_n3A_283 = arith.select %eq3A_282, %concatenate3A_272, %concatenate3A_275 : vector<256x128xi1>, vector<256x128xi32>
    %lt3A_284 = arith.cmpf olt, %select_n3A_254, %select_n3A_269 : vector<256x128xf32>
    %eq3A_285 = arith.cmpf oeq, %select_n3A_254, %select_n3A_269 : vector<256x128xf32>
    %lt3A_286 = arith.cmpi slt, %select_n3A_255, %select_n3A_283 : vector<256x128xi32>
    %and3A_287 = arith.andi %eq3A_285, %lt3A_286 : vector<256x128xi1>
    %or3A_288 = arith.ori %lt3A_284, %and3A_287 : vector<256x128xi1>
    %and3A_289 = arith.constant 8 : i32
    %and3A_290 = vector.broadcast %and3A_289 : i32 to vector<256x128xi32>
    %and3A_291 = arith.andi %iota3A, %and3A_290 : vector<256x128xi32>
    %eq3A_292 = arith.constant 0 : i32
    %eq3A_293 = vector.broadcast %eq3A_292 : i32 to vector<256x128xi32>
    %eq3A_294 = arith.cmpi eq, %and3A_291, %eq3A_293 : vector<256x128xi32>
    %and3A_295 = arith.constant 2 : i32
    %and3A_296 = vector.broadcast %and3A_295 : i32 to vector<256x128xi32>
    %and3A_297 = arith.andi %iota3A, %and3A_296 : vector<256x128xi32>
    %eq3A_298 = arith.constant 0 : i32
    %eq3A_299 = vector.broadcast %eq3A_298 : i32 to vector<256x128xi32>
    %eq3A_300 = arith.cmpi eq, %and3A_297, %eq3A_299 : vector<256x128xi32>
    %eq3A_301 = arith.xori %eq3A_294, %eq3A_300 : vector<256x128xi1>
    %eq3A_302 = arith.constant dense<true> : vector<256x128xi1>
    %eq3A_303 = arith.xori %eq3A_301, %eq3A_302 : vector<256x128xi1>
    %eq3A_304 = arith.xori %or3A_288, %eq3A_303 : vector<256x128xi1>
    %eq3A_305 = arith.constant dense<true> : vector<256x128xi1>
    %eq3A_306 = arith.xori %eq3A_304, %eq3A_305 : vector<256x128xi1>
    %select_n3A_307 = arith.select %eq3A_306, %select_n3A_254, %select_n3A_269 : vector<256x128xi1>, vector<256x128xf32>
    %select_n3A_308 = arith.select %eq3A_306, %select_n3A_255, %select_n3A_283 : vector<256x128xi1>, vector<256x128xi32>
    %slice3A_309 = vector.extract_strided_slice %select_n3A_307 {offsets = [1, 0], sizes = [255, 128], strides = [1, 1]} : vector<256x128xf32> to vector<255x128xf32>
    %slice3A_310 = vector.extract_strided_slice %select_n3A_307 {offsets = [0, 0], sizes = [1, 128], strides = [1, 1]} : vector<256x128xf32> to vector<1x128xf32>
    %concatenate3A_311 = tpu.concatenate %slice3A_309, %slice3A_310 in 0 : vector<255x128xf32>, vector<1x128xf32> -> vector<256x128xf32>
    %slice3A_312 = vector.extract_strided_slice %select_n3A_307 {offsets = [255, 0], sizes = [1, 128], strides = [1, 1]} : vector<256x128xf32> to vector<1x128xf32>
    %slice3A_313 = vector.extract_strided_slice %select_n3A_307 {offsets = [0, 0], sizes = [255, 128], strides = [1, 1]} : vector<256x128xf32> to vector<255x128xf32>
    %concatenate3A_314 = tpu.concatenate %slice3A_312, %slice3A_313 in 0 : vector<1x128xf32>, vector<255x128xf32> -> vector<256x128xf32>
    %iota3A_315 = tpu.iota {dimensions = array<i32: 0>} : vector<256x128xi32>
    %and3A_316 = arith.constant 1 : i32
    %and3A_317 = vector.broadcast %and3A_316 : i32 to vector<256x128xi32>
    %and3A_318 = arith.andi %iota3A_315, %and3A_317 : vector<256x128xi32>
    %eq3A_319 = arith.constant 0 : i32
    %eq3A_320 = vector.broadcast %eq3A_319 : i32 to vector<256x128xi32>
    %eq3A_321 = arith.cmpi eq, %and3A_318, %eq3A_320 : vector<256x128xi32>
    %select_n3A_322 = arith.select %eq3A_321, %concatenate3A_311, %concatenate3A_314 : vector<256x128xi1>, vector<256x128xf32>
    %slice3A_323 = vector.extract_strided_slice %select_n3A_308 {offsets = [1, 0], sizes = [255, 128], strides = [1, 1]} : vector<256x128xi32> to vector<255x128xi32>
    %slice3A_324 = vector.extract_strided_slice %select_n3A_308 {offsets = [0, 0], sizes = [1, 128], strides = [1, 1]} : vector<256x128xi32> to vector<1x128xi32>
    %concatenate3A_325 = tpu.concatenate %slice3A_323, %slice3A_324 in 0 : vector<255x128xi32>, vector<1x128xi32> -> vector<256x128xi32>
    %slice3A_326 = vector.extract_strided_slice %select_n3A_308 {offsets = [255, 0], sizes = [1, 128], strides = [1, 1]} : vector<256x128xi32> to vector<1x128xi32>
    %slice3A_327 = vector.extract_strided_slice %select_n3A_308 {offsets = [0, 0], sizes = [255, 128], strides = [1, 1]} : vector<256x128xi32> to vector<255x128xi32>
    %concatenate3A_328 = tpu.concatenate %slice3A_326, %slice3A_327 in 0 : vector<1x128xi32>, vector<255x128xi32> -> vector<256x128xi32>
    %iota3A_329 = tpu.iota {dimensions = array<i32: 0>} : vector<256x128xi32>
    %and3A_330 = arith.constant 1 : i32
    %and3A_331 = vector.broadcast %and3A_330 : i32 to vector<256x128xi32>
    %and3A_332 = arith.andi %iota3A_329, %and3A_331 : vector<256x128xi32>
    %eq3A_333 = arith.constant 0 : i32
    %eq3A_334 = vector.broadcast %eq3A_333 : i32 to vector<256x128xi32>
    %eq3A_335 = arith.cmpi eq, %and3A_332, %eq3A_334 : vector<256x128xi32>
    %select_n3A_336 = arith.select %eq3A_335, %concatenate3A_325, %concatenate3A_328 : vector<256x128xi1>, vector<256x128xi32>
    %lt3A_337 = arith.cmpf olt, %select_n3A_307, %select_n3A_322 : vector<256x128xf32>
    %eq3A_338 = arith.cmpf oeq, %select_n3A_307, %select_n3A_322 : vector<256x128xf32>
    %lt3A_339 = arith.cmpi slt, %select_n3A_308, %select_n3A_336 : vector<256x128xi32>
    %and3A_340 = arith.andi %eq3A_338, %lt3A_339 : vector<256x128xi1>
    %or3A_341 = arith.ori %lt3A_337, %and3A_340 : vector<256x128xi1>
    %and3A_342 = arith.constant 8 : i32
    %and3A_343 = vector.broadcast %and3A_342 : i32 to vector<256x128xi32>
    %and3A_344 = arith.andi %iota3A, %and3A_343 : vector<256x128xi32>
    %eq3A_345 = arith.constant 0 : i32
    %eq3A_346 = vector.broadcast %eq3A_345 : i32 to vector<256x128xi32>
    %eq3A_347 = arith.cmpi eq, %and3A_344, %eq3A_346 : vector<256x128xi32>
    %and3A_348 = arith.constant 1 : i32
    %and3A_349 = vector.broadcast %and3A_348 : i32 to vector<256x128xi32>
    %and3A_350 = arith.andi %iota3A, %and3A_349 : vector<256x128xi32>
    %eq3A_351 = arith.constant 0 : i32
    %eq3A_352 = vector.broadcast %eq3A_351 : i32 to vector<256x128xi32>
    %eq3A_353 = arith.cmpi eq, %and3A_350, %eq3A_352 : vector<256x128xi32>
    %eq3A_354 = arith.xori %eq3A_347, %eq3A_353 : vector<256x128xi1>
    %eq3A_355 = arith.constant dense<true> : vector<256x128xi1>
    %eq3A_356 = arith.xori %eq3A_354, %eq3A_355 : vector<256x128xi1>
    %eq3A_357 = arith.xori %or3A_341, %eq3A_356 : vector<256x128xi1>
    %eq3A_358 = arith.constant dense<true> : vector<256x128xi1>
    %eq3A_359 = arith.xori %eq3A_357, %eq3A_358 : vector<256x128xi1>
    %select_n3A_360 = arith.select %eq3A_359, %select_n3A_307, %select_n3A_322 : vector<256x128xi1>, vector<256x128xf32>
    %select_n3A_361 = arith.select %eq3A_359, %select_n3A_308, %select_n3A_336 : vector<256x128xi1>, vector<256x128xi32>
    %slice3A_362 = vector.extract_strided_slice %select_n3A_360 {offsets = [8, 0], sizes = [248, 128], strides = [1, 1]} : vector<256x128xf32> to vector<248x128xf32>
    %slice3A_363 = vector.extract_strided_slice %select_n3A_360 {offsets = [0, 0], sizes = [8, 128], strides = [1, 1]} : vector<256x128xf32> to vector<8x128xf32>
    %concatenate3A_364 = tpu.concatenate %slice3A_362, %slice3A_363 in 0 : vector<248x128xf32>, vector<8x128xf32> -> vector<256x128xf32>
    %slice3A_365 = vector.extract_strided_slice %select_n3A_360 {offsets = [248, 0], sizes = [8, 128], strides = [1, 1]} : vector<256x128xf32> to vector<8x128xf32>
    %slice3A_366 = vector.extract_strided_slice %select_n3A_360 {offsets = [0, 0], sizes = [248, 128], strides = [1, 1]} : vector<256x128xf32> to vector<248x128xf32>
    %concatenate3A_367 = tpu.concatenate %slice3A_365, %slice3A_366 in 0 : vector<8x128xf32>, vector<248x128xf32> -> vector<256x128xf32>
    %iota3A_368 = tpu.iota {dimensions = array<i32: 0>} : vector<256x128xi32>
    %and3A_369 = arith.constant 8 : i32
    %and3A_370 = vector.broadcast %and3A_369 : i32 to vector<256x128xi32>
    %and3A_371 = arith.andi %iota3A_368, %and3A_370 : vector<256x128xi32>
    %eq3A_372 = arith.constant 0 : i32
    %eq3A_373 = vector.broadcast %eq3A_372 : i32 to vector<256x128xi32>
    %eq3A_374 = arith.cmpi eq, %and3A_371, %eq3A_373 : vector<256x128xi32>
    %select_n3A_375 = arith.select %eq3A_374, %concatenate3A_364, %concatenate3A_367 : vector<256x128xi1>, vector<256x128xf32>
    %slice3A_376 = vector.extract_strided_slice %select_n3A_361 {offsets = [8, 0], sizes = [248, 128], strides = [1, 1]} : vector<256x128xi32> to vector<248x128xi32>
    %slice3A_377 = vector.extract_strided_slice %select_n3A_361 {offsets = [0, 0], sizes = [8, 128], strides = [1, 1]} : vector<256x128xi32> to vector<8x128xi32>
    %concatenate3A_378 = tpu.concatenate %slice3A_376, %slice3A_377 in 0 : vector<248x128xi32>, vector<8x128xi32> -> vector<256x128xi32>
    %slice3A_379 = vector.extract_strided_slice %select_n3A_361 {offsets = [248, 0], sizes = [8, 128], strides = [1, 1]} : vector<256x128xi32> to vector<8x128xi32>
    %slice3A_380 = vector.extract_strided_slice %select_n3A_361 {offsets = [0, 0], sizes = [248, 128], strides = [1, 1]} : vector<256x128xi32> to vector<248x128xi32>
    %concatenate3A_381 = tpu.concatenate %slice3A_379, %slice3A_380 in 0 : vector<8x128xi32>, vector<248x128xi32> -> vector<256x128xi32>
    %iota3A_382 = tpu.iota {dimensions = array<i32: 0>} : vector<256x128xi32>
    %and3A_383 = arith.constant 8 : i32
    %and3A_384 = vector.broadcast %and3A_383 : i32 to vector<256x128xi32>
    %and3A_385 = arith.andi %iota3A_382, %and3A_384 : vector<256x128xi32>
    %eq3A_386 = arith.constant 0 : i32
    %eq3A_387 = vector.broadcast %eq3A_386 : i32 to vector<256x128xi32>
    %eq3A_388 = arith.cmpi eq, %and3A_385, %eq3A_387 : vector<256x128xi32>
    %select_n3A_389 = arith.select %eq3A_388, %concatenate3A_378, %concatenate3A_381 : vector<256x128xi1>, vector<256x128xi32>
    %lt3A_390 = arith.cmpf olt, %select_n3A_360, %select_n3A_375 : vector<256x128xf32>
    %eq3A_391 = arith.cmpf oeq, %select_n3A_360, %select_n3A_375 : vector<256x128xf32>
    %lt3A_392 = arith.cmpi slt, %select_n3A_361, %select_n3A_389 : vector<256x128xi32>
    %and3A_393 = arith.andi %eq3A_391, %lt3A_392 : vector<256x128xi1>
    %or3A_394 = arith.ori %lt3A_390, %and3A_393 : vector<256x128xi1>
    %and3A_395 = arith.constant 16 : i32
    %and3A_396 = vector.broadcast %and3A_395 : i32 to vector<256x128xi32>
    %and3A_397 = arith.andi %iota3A, %and3A_396 : vector<256x128xi32>
    %eq3A_398 = arith.constant 0 : i32
    %eq3A_399 = vector.broadcast %eq3A_398 : i32 to vector<256x128xi32>
    %eq3A_400 = arith.cmpi eq, %and3A_397, %eq3A_399 : vector<256x128xi32>
    %and3A_401 = arith.constant 8 : i32
    %and3A_402 = vector.broadcast %and3A_401 : i32 to vector<256x128xi32>
    %and3A_403 = arith.andi %iota3A, %and3A_402 : vector<256x128xi32>
    %eq3A_404 = arith.constant 0 : i32
    %eq3A_405 = vector.broadcast %eq3A_404 : i32 to vector<256x128xi32>
    %eq3A_406 = arith.cmpi eq, %and3A_403, %eq3A_405 : vector<256x128xi32>
    %eq3A_407 = arith.xori %eq3A_400, %eq3A_406 : vector<256x128xi1>
    %eq3A_408 = arith.constant dense<true> : vector<256x128xi1>
    %eq3A_409 = arith.xori %eq3A_407, %eq3A_408 : vector<256x128xi1>
    %eq3A_410 = arith.xori %or3A_394, %eq3A_409 : vector<256x128xi1>
    %eq3A_411 = arith.constant dense<true> : vector<256x128xi1>
    %eq3A_412 = arith.xori %eq3A_410, %eq3A_411 : vector<256x128xi1>
    %select_n3A_413 = arith.select %eq3A_412, %select_n3A_360, %select_n3A_375 : vector<256x128xi1>, vector<256x128xf32>
    %select_n3A_414 = arith.select %eq3A_412, %select_n3A_361, %select_n3A_389 : vector<256x128xi1>, vector<256x128xi32>
    %slice3A_415 = vector.extract_strided_slice %select_n3A_413 {offsets = [4, 0], sizes = [252, 128], strides = [1, 1]} : vector<256x128xf32> to vector<252x128xf32>
    %slice3A_416 = vector.extract_strided_slice %select_n3A_413 {offsets = [0, 0], sizes = [4, 128], strides = [1, 1]} : vector<256x128xf32> to vector<4x128xf32>
    %concatenate3A_417 = tpu.concatenate %slice3A_415, %slice3A_416 in 0 : vector<252x128xf32>, vector<4x128xf32> -> vector<256x128xf32>
    %slice3A_418 = vector.extract_strided_slice %select_n3A_413 {offsets = [252, 0], sizes = [4, 128], strides = [1, 1]} : vector<256x128xf32> to vector<4x128xf32>
    %slice3A_419 = vector.extract_strided_slice %select_n3A_413 {offsets = [0, 0], sizes = [252, 128], strides = [1, 1]} : vector<256x128xf32> to vector<252x128xf32>
    %concatenate3A_420 = tpu.concatenate %slice3A_418, %slice3A_419 in 0 : vector<4x128xf32>, vector<252x128xf32> -> vector<256x128xf32>
    %iota3A_421 = tpu.iota {dimensions = array<i32: 0>} : vector<256x128xi32>
    %and3A_422 = arith.constant 4 : i32
    %and3A_423 = vector.broadcast %and3A_422 : i32 to vector<256x128xi32>
    %and3A_424 = arith.andi %iota3A_421, %and3A_423 : vector<256x128xi32>
    %eq3A_425 = arith.constant 0 : i32
    %eq3A_426 = vector.broadcast %eq3A_425 : i32 to vector<256x128xi32>
    %eq3A_427 = arith.cmpi eq, %and3A_424, %eq3A_426 : vector<256x128xi32>
    %select_n3A_428 = arith.select %eq3A_427, %concatenate3A_417, %concatenate3A_420 : vector<256x128xi1>, vector<256x128xf32>
    %slice3A_429 = vector.extract_strided_slice %select_n3A_414 {offsets = [4, 0], sizes = [252, 128], strides = [1, 1]} : vector<256x128xi32> to vector<252x128xi32>
    %slice3A_430 = vector.extract_strided_slice %select_n3A_414 {offsets = [0, 0], sizes = [4, 128], strides = [1, 1]} : vector<256x128xi32> to vector<4x128xi32>
    %concatenate3A_431 = tpu.concatenate %slice3A_429, %slice3A_430 in 0 : vector<252x128xi32>, vector<4x128xi32> -> vector<256x128xi32>
    %slice3A_432 = vector.extract_strided_slice %select_n3A_414 {offsets = [252, 0], sizes = [4, 128], strides = [1, 1]} : vector<256x128xi32> to vector<4x128xi32>
    %slice3A_433 = vector.extract_strided_slice %select_n3A_414 {offsets = [0, 0], sizes = [252, 128], strides = [1, 1]} : vector<256x128xi32> to vector<252x128xi32>
    %concatenate3A_434 = tpu.concatenate %slice3A_432, %slice3A_433 in 0 : vector<4x128xi32>, vector<252x128xi32> -> vector<256x128xi32>
    %iota3A_435 = tpu.iota {dimensions = array<i32: 0>} : vector<256x128xi32>
    %and3A_436 = arith.constant 4 : i32
    %and3A_437 = vector.broadcast %and3A_436 : i32 to vector<256x128xi32>
    %and3A_438 = arith.andi %iota3A_435, %and3A_437 : vector<256x128xi32>
    %eq3A_439 = arith.constant 0 : i32
    %eq3A_440 = vector.broadcast %eq3A_439 : i32 to vector<256x128xi32>
    %eq3A_441 = arith.cmpi eq, %and3A_438, %eq3A_440 : vector<256x128xi32>
    %select_n3A_442 = arith.select %eq3A_441, %concatenate3A_431, %concatenate3A_434 : vector<256x128xi1>, vector<256x128xi32>
    %lt3A_443 = arith.cmpf olt, %select_n3A_413, %select_n3A_428 : vector<256x128xf32>
    %eq3A_444 = arith.cmpf oeq, %select_n3A_413, %select_n3A_428 : vector<256x128xf32>
    %lt3A_445 = arith.cmpi slt, %select_n3A_414, %select_n3A_442 : vector<256x128xi32>
    %and3A_446 = arith.andi %eq3A_444, %lt3A_445 : vector<256x128xi1>
    %or3A_447 = arith.ori %lt3A_443, %and3A_446 : vector<256x128xi1>
    %and3A_448 = arith.constant 16 : i32
    %and3A_449 = vector.broadcast %and3A_448 : i32 to vector<256x128xi32>
    %and3A_450 = arith.andi %iota3A, %and3A_449 : vector<256x128xi32>
    %eq3A_451 = arith.constant 0 : i32
    %eq3A_452 = vector.broadcast %eq3A_451 : i32 to vector<256x128xi32>
    %eq3A_453 = arith.cmpi eq, %and3A_450, %eq3A_452 : vector<256x128xi32>
    %and3A_454 = arith.constant 4 : i32
    %and3A_455 = vector.broadcast %and3A_454 : i32 to vector<256x128xi32>
    %and3A_456 = arith.andi %iota3A, %and3A_455 : vector<256x128xi32>
    %eq3A_457 = arith.constant 0 : i32
    %eq3A_458 = vector.broadcast %eq3A_457 : i32 to vector<256x128xi32>
    %eq3A_459 = arith.cmpi eq, %and3A_456, %eq3A_458 : vector<256x128xi32>
    %eq3A_460 = arith.xori %eq3A_453, %eq3A_459 : vector<256x128xi1>
    %eq3A_461 = arith.constant dense<true> : vector<256x128xi1>
    %eq3A_462 = arith.xori %eq3A_460, %eq3A_461 : vector<256x128xi1>
    %eq3A_463 = arith.xori %or3A_447, %eq3A_462 : vector<256x128xi1>
    %eq3A_464 = arith.constant dense<true> : vector<256x128xi1>
    %eq3A_465 = arith.xori %eq3A_463, %eq3A_464 : vector<256x128xi1>
    %select_n3A_466 = arith.select %eq3A_465, %select_n3A_413, %select_n3A_428 : vector<256x128xi1>, vector<256x128xf32>
    %select_n3A_467 = arith.select %eq3A_465, %select_n3A_414, %select_n3A_442 : vector<256x128xi1>, vector<256x128xi32>
    %slice3A_468 = vector.extract_strided_slice %select_n3A_466 {offsets = [2, 0], sizes = [254, 128], strides = [1, 1]} : vector<256x128xf32> to vector<254x128xf32>
    %slice3A_469 = vector.extract_strided_slice %select_n3A_466 {offsets = [0, 0], sizes = [2, 128], strides = [1, 1]} : vector<256x128xf32> to vector<2x128xf32>
    %concatenate3A_470 = tpu.concatenate %slice3A_468, %slice3A_469 in 0 : vector<254x128xf32>, vector<2x128xf32> -> vector<256x128xf32>
    %slice3A_471 = vector.extract_strided_slice %select_n3A_466 {offsets = [254, 0], sizes = [2, 128], strides = [1, 1]} : vector<256x128xf32> to vector<2x128xf32>
    %slice3A_472 = vector.extract_strided_slice %select_n3A_466 {offsets = [0, 0], sizes = [254, 128], strides = [1, 1]} : vector<256x128xf32> to vector<254x128xf32>
    %concatenate3A_473 = tpu.concatenate %slice3A_471, %slice3A_472 in 0 : vector<2x128xf32>, vector<254x128xf32> -> vector<256x128xf32>
    %iota3A_474 = tpu.iota {dimensions = array<i32: 0>} : vector<256x128xi32>
    %and3A_475 = arith.constant 2 : i32
    %and3A_476 = vector.broadcast %and3A_475 : i32 to vector<256x128xi32>
    %and3A_477 = arith.andi %iota3A_474, %and3A_476 : vector<256x128xi32>
    %eq3A_478 = arith.constant 0 : i32
    %eq3A_479 = vector.broadcast %eq3A_478 : i32 to vector<256x128xi32>
    %eq3A_480 = arith.cmpi eq, %and3A_477, %eq3A_479 : vector<256x128xi32>
    %select_n3A_481 = arith.select %eq3A_480, %concatenate3A_470, %concatenate3A_473 : vector<256x128xi1>, vector<256x128xf32>
    %slice3A_482 = vector.extract_strided_slice %select_n3A_467 {offsets = [2, 0], sizes = [254, 128], strides = [1, 1]} : vector<256x128xi32> to vector<254x128xi32>
    %slice3A_483 = vector.extract_strided_slice %select_n3A_467 {offsets = [0, 0], sizes = [2, 128], strides = [1, 1]} : vector<256x128xi32> to vector<2x128xi32>
    %concatenate3A_484 = tpu.concatenate %slice3A_482, %slice3A_483 in 0 : vector<254x128xi32>, vector<2x128xi32> -> vector<256x128xi32>
    %slice3A_485 = vector.extract_strided_slice %select_n3A_467 {offsets = [254, 0], sizes = [2, 128], strides = [1, 1]} : vector<256x128xi32> to vector<2x128xi32>
    %slice3A_486 = vector.extract_strided_slice %select_n3A_467 {offsets = [0, 0], sizes = [254, 128], strides = [1, 1]} : vector<256x128xi32> to vector<254x128xi32>
    %concatenate3A_487 = tpu.concatenate %slice3A_485, %slice3A_486 in 0 : vector<2x128xi32>, vector<254x128xi32> -> vector<256x128xi32>
    %iota3A_488 = tpu.iota {dimensions = array<i32: 0>} : vector<256x128xi32>
    %and3A_489 = arith.constant 2 : i32
    %and3A_490 = vector.broadcast %and3A_489 : i32 to vector<256x128xi32>
    %and3A_491 = arith.andi %iota3A_488, %and3A_490 : vector<256x128xi32>
    %eq3A_492 = arith.constant 0 : i32
    %eq3A_493 = vector.broadcast %eq3A_492 : i32 to vector<256x128xi32>
    %eq3A_494 = arith.cmpi eq, %and3A_491, %eq3A_493 : vector<256x128xi32>
    %select_n3A_495 = arith.select %eq3A_494, %concatenate3A_484, %concatenate3A_487 : vector<256x128xi1>, vector<256x128xi32>
    %lt3A_496 = arith.cmpf olt, %select_n3A_466, %select_n3A_481 : vector<256x128xf32>
    %eq3A_497 = arith.cmpf oeq, %select_n3A_466, %select_n3A_481 : vector<256x128xf32>
    %lt3A_498 = arith.cmpi slt, %select_n3A_467, %select_n3A_495 : vector<256x128xi32>
    %and3A_499 = arith.andi %eq3A_497, %lt3A_498 : vector<256x128xi1>
    %or3A_500 = arith.ori %lt3A_496, %and3A_499 : vector<256x128xi1>
    %and3A_501 = arith.constant 16 : i32
    %and3A_502 = vector.broadcast %and3A_501 : i32 to vector<256x128xi32>
    %and3A_503 = arith.andi %iota3A, %and3A_502 : vector<256x128xi32>
    %eq3A_504 = arith.constant 0 : i32
    %eq3A_505 = vector.broadcast %eq3A_504 : i32 to vector<256x128xi32>
    %eq3A_506 = arith.cmpi eq, %and3A_503, %eq3A_505 : vector<256x128xi32>
    %and3A_507 = arith.constant 2 : i32
    %and3A_508 = vector.broadcast %and3A_507 : i32 to vector<256x128xi32>
    %and3A_509 = arith.andi %iota3A, %and3A_508 : vector<256x128xi32>
    %eq3A_510 = arith.constant 0 : i32
    %eq3A_511 = vector.broadcast %eq3A_510 : i32 to vector<256x128xi32>
    %eq3A_512 = arith.cmpi eq, %and3A_509, %eq3A_511 : vector<256x128xi32>
    %eq3A_513 = arith.xori %eq3A_506, %eq3A_512 : vector<256x128xi1>
    %eq3A_514 = arith.constant dense<true> : vector<256x128xi1>
    %eq3A_515 = arith.xori %eq3A_513, %eq3A_514 : vector<256x128xi1>
    %eq3A_516 = arith.xori %or3A_500, %eq3A_515 : vector<256x128xi1>
    %eq3A_517 = arith.constant dense<true> : vector<256x128xi1>
    %eq3A_518 = arith.xori %eq3A_516, %eq3A_517 : vector<256x128xi1>
    %select_n3A_519 = arith.select %eq3A_518, %select_n3A_466, %select_n3A_481 : vector<256x128xi1>, vector<256x128xf32>
    %select_n3A_520 = arith.select %eq3A_518, %select_n3A_467, %select_n3A_495 : vector<256x128xi1>, vector<256x128xi32>
    %slice3A_521 = vector.extract_strided_slice %select_n3A_519 {offsets = [1, 0], sizes = [255, 128], strides = [1, 1]} : vector<256x128xf32> to vector<255x128xf32>
    %slice3A_522 = vector.extract_strided_slice %select_n3A_519 {offsets = [0, 0], sizes = [1, 128], strides = [1, 1]} : vector<256x128xf32> to vector<1x128xf32>
    %concatenate3A_523 = tpu.concatenate %slice3A_521, %slice3A_522 in 0 : vector<255x128xf32>, vector<1x128xf32> -> vector<256x128xf32>
    %slice3A_524 = vector.extract_strided_slice %select_n3A_519 {offsets = [255, 0], sizes = [1, 128], strides = [1, 1]} : vector<256x128xf32> to vector<1x128xf32>
    %slice3A_525 = vector.extract_strided_slice %select_n3A_519 {offsets = [0, 0], sizes = [255, 128], strides = [1, 1]} : vector<256x128xf32> to vector<255x128xf32>
    %concatenate3A_526 = tpu.concatenate %slice3A_524, %slice3A_525 in 0 : vector<1x128xf32>, vector<255x128xf32> -> vector<256x128xf32>
    %iota3A_527 = tpu.iota {dimensions = array<i32: 0>} : vector<256x128xi32>
    %and3A_528 = arith.constant 1 : i32
    %and3A_529 = vector.broadcast %and3A_528 : i32 to vector<256x128xi32>
    %and3A_530 = arith.andi %iota3A_527, %and3A_529 : vector<256x128xi32>
    %eq3A_531 = arith.constant 0 : i32
    %eq3A_532 = vector.broadcast %eq3A_531 : i32 to vector<256x128xi32>
    %eq3A_533 = arith.cmpi eq, %and3A_530, %eq3A_532 : vector<256x128xi32>
    %select_n3A_534 = arith.select %eq3A_533, %concatenate3A_523, %concatenate3A_526 : vector<256x128xi1>, vector<256x128xf32>
    %slice3A_535 = vector.extract_strided_slice %select_n3A_520 {offsets = [1, 0], sizes = [255, 128], strides = [1, 1]} : vector<256x128xi32> to vector<255x128xi32>
    %slice3A_536 = vector.extract_strided_slice %select_n3A_520 {offsets = [0, 0], sizes = [1, 128], strides = [1, 1]} : vector<256x128xi32> to vector<1x128xi32>
    %concatenate3A_537 = tpu.concatenate %slice3A_535, %slice3A_536 in 0 : vector<255x128xi32>, vector<1x128xi32> -> vector<256x128xi32>
    %slice3A_538 = vector.extract_strided_slice %select_n3A_520 {offsets = [255, 0], sizes = [1, 128], strides = [1, 1]} : vector<256x128xi32> to vector<1x128xi32>
    %slice3A_539 = vector.extract_strided_slice %select_n3A_520 {offsets = [0, 0], sizes = [255, 128], strides = [1, 1]} : vector<256x128xi32> to vector<255x128xi32>
    %concatenate3A_540 = tpu.concatenate %slice3A_538, %slice3A_539 in 0 : vector<1x128xi32>, vector<255x128xi32> -> vector<256x128xi32>
    %iota3A_541 = tpu.iota {dimensions = array<i32: 0>} : vector<256x128xi32>
    %and3A_542 = arith.constant 1 : i32
    %and3A_543 = vector.broadcast %and3A_542 : i32 to vector<256x128xi32>
    %and3A_544 = arith.andi %iota3A_541, %and3A_543 : vector<256x128xi32>
    %eq3A_545 = arith.constant 0 : i32
    %eq3A_546 = vector.broadcast %eq3A_545 : i32 to vector<256x128xi32>
    %eq3A_547 = arith.cmpi eq, %and3A_544, %eq3A_546 : vector<256x128xi32>
    %select_n3A_548 = arith.select %eq3A_547, %concatenate3A_537, %concatenate3A_540 : vector<256x128xi1>, vector<256x128xi32>
    %lt3A_549 = arith.cmpf olt, %select_n3A_519, %select_n3A_534 : vector<256x128xf32>
    %eq3A_550 = arith.cmpf oeq, %select_n3A_519, %select_n3A_534 : vector<256x128xf32>
    %lt3A_551 = arith.cmpi slt, %select_n3A_520, %select_n3A_548 : vector<256x128xi32>
    %and3A_552 = arith.andi %eq3A_550, %lt3A_551 : vector<256x128xi1>
    %or3A_553 = arith.ori %lt3A_549, %and3A_552 : vector<256x128xi1>
    %and3A_554 = arith.constant 16 : i32
    %and3A_555 = vector.broadcast %and3A_554 : i32 to vector<256x128xi32>
    %and3A_556 = arith.andi %iota3A, %and3A_555 : vector<256x128xi32>
    %eq3A_557 = arith.constant 0 : i32
    %eq3A_558 = vector.broadcast %eq3A_557 : i32 to vector<256x128xi32>
    %eq3A_559 = arith.cmpi eq, %and3A_556, %eq3A_558 : vector<256x128xi32>
    %and3A_560 = arith.constant 1 : i32
    %and3A_561 = vector.broadcast %and3A_560 : i32 to vector<256x128xi32>
    %and3A_562 = arith.andi %iota3A, %and3A_561 : vector<256x128xi32>
    %eq3A_563 = arith.constant 0 : i32
    %eq3A_564 = vector.broadcast %eq3A_563 : i32 to vector<256x128xi32>
    %eq3A_565 = arith.cmpi eq, %and3A_562, %eq3A_564 : vector<256x128xi32>
    %eq3A_566 = arith.xori %eq3A_559, %eq3A_565 : vector<256x128xi1>
    %eq3A_567 = arith.constant dense<true> : vector<256x128xi1>
    %eq3A_568 = arith.xori %eq3A_566, %eq3A_567 : vector<256x128xi1>
    %eq3A_569 = arith.xori %or3A_553, %eq3A_568 : vector<256x128xi1>
    %eq3A_570 = arith.constant dense<true> : vector<256x128xi1>
    %eq3A_571 = arith.xori %eq3A_569, %eq3A_570 : vector<256x128xi1>
    %select_n3A_572 = arith.select %eq3A_571, %select_n3A_519, %select_n3A_534 : vector<256x128xi1>, vector<256x128xf32>
    %select_n3A_573 = arith.select %eq3A_571, %select_n3A_520, %select_n3A_548 : vector<256x128xi1>, vector<256x128xi32>
    %slice3A_574 = vector.extract_strided_slice %select_n3A_572 {offsets = [16, 0], sizes = [240, 128], strides = [1, 1]} : vector<256x128xf32> to vector<240x128xf32>
    %slice3A_575 = vector.extract_strided_slice %select_n3A_572 {offsets = [0, 0], sizes = [16, 128], strides = [1, 1]} : vector<256x128xf32> to vector<16x128xf32>
    %concatenate3A_576 = tpu.concatenate %slice3A_574, %slice3A_575 in 0 : vector<240x128xf32>, vector<16x128xf32> -> vector<256x128xf32>
    %slice3A_577 = vector.extract_strided_slice %select_n3A_572 {offsets = [240, 0], sizes = [16, 128], strides = [1, 1]} : vector<256x128xf32> to vector<16x128xf32>
    %slice3A_578 = vector.extract_strided_slice %select_n3A_572 {offsets = [0, 0], sizes = [240, 128], strides = [1, 1]} : vector<256x128xf32> to vector<240x128xf32>
    %concatenate3A_579 = tpu.concatenate %slice3A_577, %slice3A_578 in 0 : vector<16x128xf32>, vector<240x128xf32> -> vector<256x128xf32>
    %iota3A_580 = tpu.iota {dimensions = array<i32: 0>} : vector<256x128xi32>
    %and3A_581 = arith.constant 16 : i32
    %and3A_582 = vector.broadcast %and3A_581 : i32 to vector<256x128xi32>
    %and3A_583 = arith.andi %iota3A_580, %and3A_582 : vector<256x128xi32>
    %eq3A_584 = arith.constant 0 : i32
    %eq3A_585 = vector.broadcast %eq3A_584 : i32 to vector<256x128xi32>
    %eq3A_586 = arith.cmpi eq, %and3A_583, %eq3A_585 : vector<256x128xi32>
    %select_n3A_587 = arith.select %eq3A_586, %concatenate3A_576, %concatenate3A_579 : vector<256x128xi1>, vector<256x128xf32>
    %slice3A_588 = vector.extract_strided_slice %select_n3A_573 {offsets = [16, 0], sizes = [240, 128], strides = [1, 1]} : vector<256x128xi32> to vector<240x128xi32>
    %slice3A_589 = vector.extract_strided_slice %select_n3A_573 {offsets = [0, 0], sizes = [16, 128], strides = [1, 1]} : vector<256x128xi32> to vector<16x128xi32>
    %concatenate3A_590 = tpu.concatenate %slice3A_588, %slice3A_589 in 0 : vector<240x128xi32>, vector<16x128xi32> -> vector<256x128xi32>
    %slice3A_591 = vector.extract_strided_slice %select_n3A_573 {offsets = [240, 0], sizes = [16, 128], strides = [1, 1]} : vector<256x128xi32> to vector<16x128xi32>
    %slice3A_592 = vector.extract_strided_slice %select_n3A_573 {offsets = [0, 0], sizes = [240, 128], strides = [1, 1]} : vector<256x128xi32> to vector<240x128xi32>
    %concatenate3A_593 = tpu.concatenate %slice3A_591, %slice3A_592 in 0 : vector<16x128xi32>, vector<240x128xi32> -> vector<256x128xi32>
    %iota3A_594 = tpu.iota {dimensions = array<i32: 0>} : vector<256x128xi32>
    %and3A_595 = arith.constant 16 : i32
    %and3A_596 = vector.broadcast %and3A_595 : i32 to vector<256x128xi32>
    %and3A_597 = arith.andi %iota3A_594, %and3A_596 : vector<256x128xi32>
    %eq3A_598 = arith.constant 0 : i32
    %eq3A_599 = vector.broadcast %eq3A_598 : i32 to vector<256x128xi32>
    %eq3A_600 = arith.cmpi eq, %and3A_597, %eq3A_599 : vector<256x128xi32>
    %select_n3A_601 = arith.select %eq3A_600, %concatenate3A_590, %concatenate3A_593 : vector<256x128xi1>, vector<256x128xi32>
    %lt3A_602 = arith.cmpf olt, %select_n3A_572, %select_n3A_587 : vector<256x128xf32>
    %eq3A_603 = arith.cmpf oeq, %select_n3A_572, %select_n3A_587 : vector<256x128xf32>
    %lt3A_604 = arith.cmpi slt, %select_n3A_573, %select_n3A_601 : vector<256x128xi32>
    %and3A_605 = arith.andi %eq3A_603, %lt3A_604 : vector<256x128xi1>
    %or3A_606 = arith.ori %lt3A_602, %and3A_605 : vector<256x128xi1>
    %and3A_607 = arith.constant 32 : i32
    %and3A_608 = vector.broadcast %and3A_607 : i32 to vector<256x128xi32>
    %and3A_609 = arith.andi %iota3A, %and3A_608 : vector<256x128xi32>
    %eq3A_610 = arith.constant 0 : i32
    %eq3A_611 = vector.broadcast %eq3A_610 : i32 to vector<256x128xi32>
    %eq3A_612 = arith.cmpi eq, %and3A_609, %eq3A_611 : vector<256x128xi32>
    %and3A_613 = arith.constant 16 : i32
    %and3A_614 = vector.broadcast %and3A_613 : i32 to vector<256x128xi32>
    %and3A_615 = arith.andi %iota3A, %and3A_614 : vector<256x128xi32>
    %eq3A_616 = arith.constant 0 : i32
    %eq3A_617 = vector.broadcast %eq3A_616 : i32 to vector<256x128xi32>
    %eq3A_618 = arith.cmpi eq, %and3A_615, %eq3A_617 : vector<256x128xi32>
    %eq3A_619 = arith.xori %eq3A_612, %eq3A_618 : vector<256x128xi1>
    %eq3A_620 = arith.constant dense<true> : vector<256x128xi1>
    %eq3A_621 = arith.xori %eq3A_619, %eq3A_620 : vector<256x128xi1>
    %eq3A_622 = arith.xori %or3A_606, %eq3A_621 : vector<256x128xi1>
    %eq3A_623 = arith.constant dense<true> : vector<256x128xi1>
    %eq3A_624 = arith.xori %eq3A_622, %eq3A_623 : vector<256x128xi1>
    %select_n3A_625 = arith.select %eq3A_624, %select_n3A_572, %select_n3A_587 : vector<256x128xi1>, vector<256x128xf32>
    %select_n3A_626 = arith.select %eq3A_624, %select_n3A_573, %select_n3A_601 : vector<256x128xi1>, vector<256x128xi32>
    %slice3A_627 = vector.extract_strided_slice %select_n3A_625 {offsets = [8, 0], sizes = [248, 128], strides = [1, 1]} : vector<256x128xf32> to vector<248x128xf32>
    %slice3A_628 = vector.extract_strided_slice %select_n3A_625 {offsets = [0, 0], sizes = [8, 128], strides = [1, 1]} : vector<256x128xf32> to vector<8x128xf32>
    %concatenate3A_629 = tpu.concatenate %slice3A_627, %slice3A_628 in 0 : vector<248x128xf32>, vector<8x128xf32> -> vector<256x128xf32>
    %slice3A_630 = vector.extract_strided_slice %select_n3A_625 {offsets = [248, 0], sizes = [8, 128], strides = [1, 1]} : vector<256x128xf32> to vector<8x128xf32>
    %slice3A_631 = vector.extract_strided_slice %select_n3A_625 {offsets = [0, 0], sizes = [248, 128], strides = [1, 1]} : vector<256x128xf32> to vector<248x128xf32>
    %concatenate3A_632 = tpu.concatenate %slice3A_630, %slice3A_631 in 0 : vector<8x128xf32>, vector<248x128xf32> -> vector<256x128xf32>
    %iota3A_633 = tpu.iota {dimensions = array<i32: 0>} : vector<256x128xi32>
    %and3A_634 = arith.constant 8 : i32
    %and3A_635 = vector.broadcast %and3A_634 : i32 to vector<256x128xi32>
    %and3A_636 = arith.andi %iota3A_633, %and3A_635 : vector<256x128xi32>
    %eq3A_637 = arith.constant 0 : i32
    %eq3A_638 = vector.broadcast %eq3A_637 : i32 to vector<256x128xi32>
    %eq3A_639 = arith.cmpi eq, %and3A_636, %eq3A_638 : vector<256x128xi32>
    %select_n3A_640 = arith.select %eq3A_639, %concatenate3A_629, %concatenate3A_632 : vector<256x128xi1>, vector<256x128xf32>
    %slice3A_641 = vector.extract_strided_slice %select_n3A_626 {offsets = [8, 0], sizes = [248, 128], strides = [1, 1]} : vector<256x128xi32> to vector<248x128xi32>
    %slice3A_642 = vector.extract_strided_slice %select_n3A_626 {offsets = [0, 0], sizes = [8, 128], strides = [1, 1]} : vector<256x128xi32> to vector<8x128xi32>
    %concatenate3A_643 = tpu.concatenate %slice3A_641, %slice3A_642 in 0 : vector<248x128xi32>, vector<8x128xi32> -> vector<256x128xi32>
    %slice3A_644 = vector.extract_strided_slice %select_n3A_626 {offsets = [248, 0], sizes = [8, 128], strides = [1, 1]} : vector<256x128xi32> to vector<8x128xi32>
    %slice3A_645 = vector.extract_strided_slice %select_n3A_626 {offsets = [0, 0], sizes = [248, 128], strides = [1, 1]} : vector<256x128xi32> to vector<248x128xi32>
    %concatenate3A_646 = tpu.concatenate %slice3A_644, %slice3A_645 in 0 : vector<8x128xi32>, vector<248x128xi32> -> vector<256x128xi32>
    %iota3A_647 = tpu.iota {dimensions = array<i32: 0>} : vector<256x128xi32>
    %and3A_648 = arith.constant 8 : i32
    %and3A_649 = vector.broadcast %and3A_648 : i32 to vector<256x128xi32>
    %and3A_650 = arith.andi %iota3A_647, %and3A_649 : vector<256x128xi32>
    %eq3A_651 = arith.constant 0 : i32
    %eq3A_652 = vector.broadcast %eq3A_651 : i32 to vector<256x128xi32>
    %eq3A_653 = arith.cmpi eq, %and3A_650, %eq3A_652 : vector<256x128xi32>
    %select_n3A_654 = arith.select %eq3A_653, %concatenate3A_643, %concatenate3A_646 : vector<256x128xi1>, vector<256x128xi32>
    %lt3A_655 = arith.cmpf olt, %select_n3A_625, %select_n3A_640 : vector<256x128xf32>
    %eq3A_656 = arith.cmpf oeq, %select_n3A_625, %select_n3A_640 : vector<256x128xf32>
    %lt3A_657 = arith.cmpi slt, %select_n3A_626, %select_n3A_654 : vector<256x128xi32>
    %and3A_658 = arith.andi %eq3A_656, %lt3A_657 : vector<256x128xi1>
    %or3A_659 = arith.ori %lt3A_655, %and3A_658 : vector<256x128xi1>
    %and3A_660 = arith.constant 32 : i32
    %and3A_661 = vector.broadcast %and3A_660 : i32 to vector<256x128xi32>
    %and3A_662 = arith.andi %iota3A, %and3A_661 : vector<256x128xi32>
    %eq3A_663 = arith.constant 0 : i32
    %eq3A_664 = vector.broadcast %eq3A_663 : i32 to vector<256x128xi32>
    %eq3A_665 = arith.cmpi eq, %and3A_662, %eq3A_664 : vector<256x128xi32>
    %and3A_666 = arith.constant 8 : i32
    %and3A_667 = vector.broadcast %and3A_666 : i32 to vector<256x128xi32>
    %and3A_668 = arith.andi %iota3A, %and3A_667 : vector<256x128xi32>
    %eq3A_669 = arith.constant 0 : i32
    %eq3A_670 = vector.broadcast %eq3A_669 : i32 to vector<256x128xi32>
    %eq3A_671 = arith.cmpi eq, %and3A_668, %eq3A_670 : vector<256x128xi32>
    %eq3A_672 = arith.xori %eq3A_665, %eq3A_671 : vector<256x128xi1>
    %eq3A_673 = arith.constant dense<true> : vector<256x128xi1>
    %eq3A_674 = arith.xori %eq3A_672, %eq3A_673 : vector<256x128xi1>
    %eq3A_675 = arith.xori %or3A_659, %eq3A_674 : vector<256x128xi1>
    %eq3A_676 = arith.constant dense<true> : vector<256x128xi1>
    %eq3A_677 = arith.xori %eq3A_675, %eq3A_676 : vector<256x128xi1>
    %select_n3A_678 = arith.select %eq3A_677, %select_n3A_625, %select_n3A_640 : vector<256x128xi1>, vector<256x128xf32>
    %select_n3A_679 = arith.select %eq3A_677, %select_n3A_626, %select_n3A_654 : vector<256x128xi1>, vector<256x128xi32>
    %slice3A_680 = vector.extract_strided_slice %select_n3A_678 {offsets = [4, 0], sizes = [252, 128], strides = [1, 1]} : vector<256x128xf32> to vector<252x128xf32>
    %slice3A_681 = vector.extract_strided_slice %select_n3A_678 {offsets = [0, 0], sizes = [4, 128], strides = [1, 1]} : vector<256x128xf32> to vector<4x128xf32>
    %concatenate3A_682 = tpu.concatenate %slice3A_680, %slice3A_681 in 0 : vector<252x128xf32>, vector<4x128xf32> -> vector<256x128xf32>
    %slice3A_683 = vector.extract_strided_slice %select_n3A_678 {offsets = [252, 0], sizes = [4, 128], strides = [1, 1]} : vector<256x128xf32> to vector<4x128xf32>
    %slice3A_684 = vector.extract_strided_slice %select_n3A_678 {offsets = [0, 0], sizes = [252, 128], strides = [1, 1]} : vector<256x128xf32> to vector<252x128xf32>
    %concatenate3A_685 = tpu.concatenate %slice3A_683, %slice3A_684 in 0 : vector<4x128xf32>, vector<252x128xf32> -> vector<256x128xf32>
    %iota3A_686 = tpu.iota {dimensions = array<i32: 0>} : vector<256x128xi32>
    %and3A_687 = arith.constant 4 : i32
    %and3A_688 = vector.broadcast %and3A_687 : i32 to vector<256x128xi32>
    %and3A_689 = arith.andi %iota3A_686, %and3A_688 : vector<256x128xi32>
    %eq3A_690 = arith.constant 0 : i32
    %eq3A_691 = vector.broadcast %eq3A_690 : i32 to vector<256x128xi32>
    %eq3A_692 = arith.cmpi eq, %and3A_689, %eq3A_691 : vector<256x128xi32>
    %select_n3A_693 = arith.select %eq3A_692, %concatenate3A_682, %concatenate3A_685 : vector<256x128xi1>, vector<256x128xf32>
    %slice3A_694 = vector.extract_strided_slice %select_n3A_679 {offsets = [4, 0], sizes = [252, 128], strides = [1, 1]} : vector<256x128xi32> to vector<252x128xi32>
    %slice3A_695 = vector.extract_strided_slice %select_n3A_679 {offsets = [0, 0], sizes = [4, 128], strides = [1, 1]} : vector<256x128xi32> to vector<4x128xi32>
    %concatenate3A_696 = tpu.concatenate %slice3A_694, %slice3A_695 in 0 : vector<252x128xi32>, vector<4x128xi32> -> vector<256x128xi32>
    %slice3A_697 = vector.extract_strided_slice %select_n3A_679 {offsets = [252, 0], sizes = [4, 128], strides = [1, 1]} : vector<256x128xi32> to vector<4x128xi32>
    %slice3A_698 = vector.extract_strided_slice %select_n3A_679 {offsets = [0, 0], sizes = [252, 128], strides = [1, 1]} : vector<256x128xi32> to vector<252x128xi32>
    %concatenate3A_699 = tpu.concatenate %slice3A_697, %slice3A_698 in 0 : vector<4x128xi32>, vector<252x128xi32> -> vector<256x128xi32>
    %iota3A_700 = tpu.iota {dimensions = array<i32: 0>} : vector<256x128xi32>
    %and3A_701 = arith.constant 4 : i32
    %and3A_702 = vector.broadcast %and3A_701 : i32 to vector<256x128xi32>
    %and3A_703 = arith.andi %iota3A_700, %and3A_702 : vector<256x128xi32>
    %eq3A_704 = arith.constant 0 : i32
    %eq3A_705 = vector.broadcast %eq3A_704 : i32 to vector<256x128xi32>
    %eq3A_706 = arith.cmpi eq, %and3A_703, %eq3A_705 : vector<256x128xi32>
    %select_n3A_707 = arith.select %eq3A_706, %concatenate3A_696, %concatenate3A_699 : vector<256x128xi1>, vector<256x128xi32>
    %lt3A_708 = arith.cmpf olt, %select_n3A_678, %select_n3A_693 : vector<256x128xf32>
    %eq3A_709 = arith.cmpf oeq, %select_n3A_678, %select_n3A_693 : vector<256x128xf32>
    %lt3A_710 = arith.cmpi slt, %select_n3A_679, %select_n3A_707 : vector<256x128xi32>
    %and3A_711 = arith.andi %eq3A_709, %lt3A_710 : vector<256x128xi1>
    %or3A_712 = arith.ori %lt3A_708, %and3A_711 : vector<256x128xi1>
    %and3A_713 = arith.constant 32 : i32
    %and3A_714 = vector.broadcast %and3A_713 : i32 to vector<256x128xi32>
    %and3A_715 = arith.andi %iota3A, %and3A_714 : vector<256x128xi32>
    %eq3A_716 = arith.constant 0 : i32
    %eq3A_717 = vector.broadcast %eq3A_716 : i32 to vector<256x128xi32>
    %eq3A_718 = arith.cmpi eq, %and3A_715, %eq3A_717 : vector<256x128xi32>
    %and3A_719 = arith.constant 4 : i32
    %and3A_720 = vector.broadcast %and3A_719 : i32 to vector<256x128xi32>
    %and3A_721 = arith.andi %iota3A, %and3A_720 : vector<256x128xi32>
    %eq3A_722 = arith.constant 0 : i32
    %eq3A_723 = vector.broadcast %eq3A_722 : i32 to vector<256x128xi32>
    %eq3A_724 = arith.cmpi eq, %and3A_721, %eq3A_723 : vector<256x128xi32>
    %eq3A_725 = arith.xori %eq3A_718, %eq3A_724 : vector<256x128xi1>
    %eq3A_726 = arith.constant dense<true> : vector<256x128xi1>
    %eq3A_727 = arith.xori %eq3A_725, %eq3A_726 : vector<256x128xi1>
    %eq3A_728 = arith.xori %or3A_712, %eq3A_727 : vector<256x128xi1>
    %eq3A_729 = arith.constant dense<true> : vector<256x128xi1>
    %eq3A_730 = arith.xori %eq3A_728, %eq3A_729 : vector<256x128xi1>
    %select_n3A_731 = arith.select %eq3A_730, %select_n3A_678, %select_n3A_693 : vector<256x128xi1>, vector<256x128xf32>
    %select_n3A_732 = arith.select %eq3A_730, %select_n3A_679, %select_n3A_707 : vector<256x128xi1>, vector<256x128xi32>
    %slice3A_733 = vector.extract_strided_slice %select_n3A_731 {offsets = [2, 0], sizes = [254, 128], strides = [1, 1]} : vector<256x128xf32> to vector<254x128xf32>
    %slice3A_734 = vector.extract_strided_slice %select_n3A_731 {offsets = [0, 0], sizes = [2, 128], strides = [1, 1]} : vector<256x128xf32> to vector<2x128xf32>
    %concatenate3A_735 = tpu.concatenate %slice3A_733, %slice3A_734 in 0 : vector<254x128xf32>, vector<2x128xf32> -> vector<256x128xf32>
    %slice3A_736 = vector.extract_strided_slice %select_n3A_731 {offsets = [254, 0], sizes = [2, 128], strides = [1, 1]} : vector<256x128xf32> to vector<2x128xf32>
    %slice3A_737 = vector.extract_strided_slice %select_n3A_731 {offsets = [0, 0], sizes = [254, 128], strides = [1, 1]} : vector<256x128xf32> to vector<254x128xf32>
    %concatenate3A_738 = tpu.concatenate %slice3A_736, %slice3A_737 in 0 : vector<2x128xf32>, vector<254x128xf32> -> vector<256x128xf32>
    %iota3A_739 = tpu.iota {dimensions = array<i32: 0>} : vector<256x128xi32>
    %and3A_740 = arith.constant 2 : i32
    %and3A_741 = vector.broadcast %and3A_740 : i32 to vector<256x128xi32>
    %and3A_742 = arith.andi %iota3A_739, %and3A_741 : vector<256x128xi32>
    %eq3A_743 = arith.constant 0 : i32
    %eq3A_744 = vector.broadcast %eq3A_743 : i32 to vector<256x128xi32>
    %eq3A_745 = arith.cmpi eq, %and3A_742, %eq3A_744 : vector<256x128xi32>
    %select_n3A_746 = arith.select %eq3A_745, %concatenate3A_735, %concatenate3A_738 : vector<256x128xi1>, vector<256x128xf32>
    %slice3A_747 = vector.extract_strided_slice %select_n3A_732 {offsets = [2, 0], sizes = [254, 128], strides = [1, 1]} : vector<256x128xi32> to vector<254x128xi32>
    %slice3A_748 = vector.extract_strided_slice %select_n3A_732 {offsets = [0, 0], sizes = [2, 128], strides = [1, 1]} : vector<256x128xi32> to vector<2x128xi32>
    %concatenate3A_749 = tpu.concatenate %slice3A_747, %slice3A_748 in 0 : vector<254x128xi32>, vector<2x128xi32> -> vector<256x128xi32>
    %slice3A_750 = vector.extract_strided_slice %select_n3A_732 {offsets = [254, 0], sizes = [2, 128], strides = [1, 1]} : vector<256x128xi32> to vector<2x128xi32>
    %slice3A_751 = vector.extract_strided_slice %select_n3A_732 {offsets = [0, 0], sizes = [254, 128], strides = [1, 1]} : vector<256x128xi32> to vector<254x128xi32>
    %concatenate3A_752 = tpu.concatenate %slice3A_750, %slice3A_751 in 0 : vector<2x128xi32>, vector<254x128xi32> -> vector<256x128xi32>
    %iota3A_753 = tpu.iota {dimensions = array<i32: 0>} : vector<256x128xi32>
    %and3A_754 = arith.constant 2 : i32
    %and3A_755 = vector.broadcast %and3A_754 : i32 to vector<256x128xi32>
    %and3A_756 = arith.andi %iota3A_753, %and3A_755 : vector<256x128xi32>
    %eq3A_757 = arith.constant 0 : i32
    %eq3A_758 = vector.broadcast %eq3A_757 : i32 to vector<256x128xi32>
    %eq3A_759 = arith.cmpi eq, %and3A_756, %eq3A_758 : vector<256x128xi32>
    %select_n3A_760 = arith.select %eq3A_759, %concatenate3A_749, %concatenate3A_752 : vector<256x128xi1>, vector<256x128xi32>
    %lt3A_761 = arith.cmpf olt, %select_n3A_731, %select_n3A_746 : vector<256x128xf32>
    %eq3A_762 = arith.cmpf oeq, %select_n3A_731, %select_n3A_746 : vector<256x128xf32>
    %lt3A_763 = arith.cmpi slt, %select_n3A_732, %select_n3A_760 : vector<256x128xi32>
    %and3A_764 = arith.andi %eq3A_762, %lt3A_763 : vector<256x128xi1>
    %or3A_765 = arith.ori %lt3A_761, %and3A_764 : vector<256x128xi1>
    %and3A_766 = arith.constant 32 : i32
    %and3A_767 = vector.broadcast %and3A_766 : i32 to vector<256x128xi32>
    %and3A_768 = arith.andi %iota3A, %and3A_767 : vector<256x128xi32>
    %eq3A_769 = arith.constant 0 : i32
    %eq3A_770 = vector.broadcast %eq3A_769 : i32 to vector<256x128xi32>
    %eq3A_771 = arith.cmpi eq, %and3A_768, %eq3A_770 : vector<256x128xi32>
    %and3A_772 = arith.constant 2 : i32
    %and3A_773 = vector.broadcast %and3A_772 : i32 to vector<256x128xi32>
    %and3A_774 = arith.andi %iota3A, %and3A_773 : vector<256x128xi32>
    %eq3A_775 = arith.constant 0 : i32
    %eq3A_776 = vector.broadcast %eq3A_775 : i32 to vector<256x128xi32>
    %eq3A_777 = arith.cmpi eq, %and3A_774, %eq3A_776 : vector<256x128xi32>
    %eq3A_778 = arith.xori %eq3A_771, %eq3A_777 : vector<256x128xi1>
    %eq3A_779 = arith.constant dense<true> : vector<256x128xi1>
    %eq3A_780 = arith.xori %eq3A_778, %eq3A_779 : vector<256x128xi1>
    %eq3A_781 = arith.xori %or3A_765, %eq3A_780 : vector<256x128xi1>
    %eq3A_782 = arith.constant dense<true> : vector<256x128xi1>
    %eq3A_783 = arith.xori %eq3A_781, %eq3A_782 : vector<256x128xi1>
    %select_n3A_784 = arith.select %eq3A_783, %select_n3A_731, %select_n3A_746 : vector<256x128xi1>, vector<256x128xf32>
    %select_n3A_785 = arith.select %eq3A_783, %select_n3A_732, %select_n3A_760 : vector<256x128xi1>, vector<256x128xi32>
    %slice3A_786 = vector.extract_strided_slice %select_n3A_784 {offsets = [1, 0], sizes = [255, 128], strides = [1, 1]} : vector<256x128xf32> to vector<255x128xf32>
    %slice3A_787 = vector.extract_strided_slice %select_n3A_784 {offsets = [0, 0], sizes = [1, 128], strides = [1, 1]} : vector<256x128xf32> to vector<1x128xf32>
    %concatenate3A_788 = tpu.concatenate %slice3A_786, %slice3A_787 in 0 : vector<255x128xf32>, vector<1x128xf32> -> vector<256x128xf32>
    %slice3A_789 = vector.extract_strided_slice %select_n3A_784 {offsets = [255, 0], sizes = [1, 128], strides = [1, 1]} : vector<256x128xf32> to vector<1x128xf32>
    %slice3A_790 = vector.extract_strided_slice %select_n3A_784 {offsets = [0, 0], sizes = [255, 128], strides = [1, 1]} : vector<256x128xf32> to vector<255x128xf32>
    %concatenate3A_791 = tpu.concatenate %slice3A_789, %slice3A_790 in 0 : vector<1x128xf32>, vector<255x128xf32> -> vector<256x128xf32>
    %iota3A_792 = tpu.iota {dimensions = array<i32: 0>} : vector<256x128xi32>
    %and3A_793 = arith.constant 1 : i32
    %and3A_794 = vector.broadcast %and3A_793 : i32 to vector<256x128xi32>
    %and3A_795 = arith.andi %iota3A_792, %and3A_794 : vector<256x128xi32>
    %eq3A_796 = arith.constant 0 : i32
    %eq3A_797 = vector.broadcast %eq3A_796 : i32 to vector<256x128xi32>
    %eq3A_798 = arith.cmpi eq, %and3A_795, %eq3A_797 : vector<256x128xi32>
    %select_n3A_799 = arith.select %eq3A_798, %concatenate3A_788, %concatenate3A_791 : vector<256x128xi1>, vector<256x128xf32>
    %slice3A_800 = vector.extract_strided_slice %select_n3A_785 {offsets = [1, 0], sizes = [255, 128], strides = [1, 1]} : vector<256x128xi32> to vector<255x128xi32>
    %slice3A_801 = vector.extract_strided_slice %select_n3A_785 {offsets = [0, 0], sizes = [1, 128], strides = [1, 1]} : vector<256x128xi32> to vector<1x128xi32>
    %concatenate3A_802 = tpu.concatenate %slice3A_800, %slice3A_801 in 0 : vector<255x128xi32>, vector<1x128xi32> -> vector<256x128xi32>
    %slice3A_803 = vector.extract_strided_slice %select_n3A_785 {offsets = [255, 0], sizes = [1, 128], strides = [1, 1]} : vector<256x128xi32> to vector<1x128xi32>
    %slice3A_804 = vector.extract_strided_slice %select_n3A_785 {offsets = [0, 0], sizes = [255, 128], strides = [1, 1]} : vector<256x128xi32> to vector<255x128xi32>
    %concatenate3A_805 = tpu.concatenate %slice3A_803, %slice3A_804 in 0 : vector<1x128xi32>, vector<255x128xi32> -> vector<256x128xi32>
    %iota3A_806 = tpu.iota {dimensions = array<i32: 0>} : vector<256x128xi32>
    %and3A_807 = arith.constant 1 : i32
    %and3A_808 = vector.broadcast %and3A_807 : i32 to vector<256x128xi32>
    %and3A_809 = arith.andi %iota3A_806, %and3A_808 : vector<256x128xi32>
    %eq3A_810 = arith.constant 0 : i32
    %eq3A_811 = vector.broadcast %eq3A_810 : i32 to vector<256x128xi32>
    %eq3A_812 = arith.cmpi eq, %and3A_809, %eq3A_811 : vector<256x128xi32>
    %select_n3A_813 = arith.select %eq3A_812, %concatenate3A_802, %concatenate3A_805 : vector<256x128xi1>, vector<256x128xi32>
    %lt3A_814 = arith.cmpf olt, %select_n3A_784, %select_n3A_799 : vector<256x128xf32>
    %eq3A_815 = arith.cmpf oeq, %select_n3A_784, %select_n3A_799 : vector<256x128xf32>
    %lt3A_816 = arith.cmpi slt, %select_n3A_785, %select_n3A_813 : vector<256x128xi32>
    %and3A_817 = arith.andi %eq3A_815, %lt3A_816 : vector<256x128xi1>
    %or3A_818 = arith.ori %lt3A_814, %and3A_817 : vector<256x128xi1>
    %and3A_819 = arith.constant 32 : i32
    %and3A_820 = vector.broadcast %and3A_819 : i32 to vector<256x128xi32>
    %and3A_821 = arith.andi %iota3A, %and3A_820 : vector<256x128xi32>
    %eq3A_822 = arith.constant 0 : i32
    %eq3A_823 = vector.broadcast %eq3A_822 : i32 to vector<256x128xi32>
    %eq3A_824 = arith.cmpi eq, %and3A_821, %eq3A_823 : vector<256x128xi32>
    %and3A_825 = arith.constant 1 : i32
    %and3A_826 = vector.broadcast %and3A_825 : i32 to vector<256x128xi32>
    %and3A_827 = arith.andi %iota3A, %and3A_826 : vector<256x128xi32>
    %eq3A_828 = arith.constant 0 : i32
    %eq3A_829 = vector.broadcast %eq3A_828 : i32 to vector<256x128xi32>
    %eq3A_830 = arith.cmpi eq, %and3A_827, %eq3A_829 : vector<256x128xi32>
    %eq3A_831 = arith.xori %eq3A_824, %eq3A_830 : vector<256x128xi1>
    %eq3A_832 = arith.constant dense<true> : vector<256x128xi1>
    %eq3A_833 = arith.xori %eq3A_831, %eq3A_832 : vector<256x128xi1>
    %eq3A_834 = arith.xori %or3A_818, %eq3A_833 : vector<256x128xi1>
    %eq3A_835 = arith.constant dense<true> : vector<256x128xi1>
    %eq3A_836 = arith.xori %eq3A_834, %eq3A_835 : vector<256x128xi1>
    %select_n3A_837 = arith.select %eq3A_836, %select_n3A_784, %select_n3A_799 : vector<256x128xi1>, vector<256x128xf32>
    %select_n3A_838 = arith.select %eq3A_836, %select_n3A_785, %select_n3A_813 : vector<256x128xi1>, vector<256x128xi32>
    %slice3A_839 = vector.extract_strided_slice %select_n3A_837 {offsets = [32, 0], sizes = [224, 128], strides = [1, 1]} : vector<256x128xf32> to vector<224x128xf32>
    %slice3A_840 = vector.extract_strided_slice %select_n3A_837 {offsets = [0, 0], sizes = [32, 128], strides = [1, 1]} : vector<256x128xf32> to vector<32x128xf32>
    %concatenate3A_841 = tpu.concatenate %slice3A_839, %slice3A_840 in 0 : vector<224x128xf32>, vector<32x128xf32> -> vector<256x128xf32>
    %slice3A_842 = vector.extract_strided_slice %select_n3A_837 {offsets = [224, 0], sizes = [32, 128], strides = [1, 1]} : vector<256x128xf32> to vector<32x128xf32>
    %slice3A_843 = vector.extract_strided_slice %select_n3A_837 {offsets = [0, 0], sizes = [224, 128], strides = [1, 1]} : vector<256x128xf32> to vector<224x128xf32>
    %concatenate3A_844 = tpu.concatenate %slice3A_842, %slice3A_843 in 0 : vector<32x128xf32>, vector<224x128xf32> -> vector<256x128xf32>
    %iota3A_845 = tpu.iota {dimensions = array<i32: 0>} : vector<256x128xi32>
    %and3A_846 = arith.constant 32 : i32
    %and3A_847 = vector.broadcast %and3A_846 : i32 to vector<256x128xi32>
    %and3A_848 = arith.andi %iota3A_845, %and3A_847 : vector<256x128xi32>
    %eq3A_849 = arith.constant 0 : i32
    %eq3A_850 = vector.broadcast %eq3A_849 : i32 to vector<256x128xi32>
    %eq3A_851 = arith.cmpi eq, %and3A_848, %eq3A_850 : vector<256x128xi32>
    %select_n3A_852 = arith.select %eq3A_851, %concatenate3A_841, %concatenate3A_844 : vector<256x128xi1>, vector<256x128xf32>
    %slice3A_853 = vector.extract_strided_slice %select_n3A_838 {offsets = [32, 0], sizes = [224, 128], strides = [1, 1]} : vector<256x128xi32> to vector<224x128xi32>
    %slice3A_854 = vector.extract_strided_slice %select_n3A_838 {offsets = [0, 0], sizes = [32, 128], strides = [1, 1]} : vector<256x128xi32> to vector<32x128xi32>
    %concatenate3A_855 = tpu.concatenate %slice3A_853, %slice3A_854 in 0 : vector<224x128xi32>, vector<32x128xi32> -> vector<256x128xi32>
    %slice3A_856 = vector.extract_strided_slice %select_n3A_838 {offsets = [224, 0], sizes = [32, 128], strides = [1, 1]} : vector<256x128xi32> to vector<32x128xi32>
    %slice3A_857 = vector.extract_strided_slice %select_n3A_838 {offsets = [0, 0], sizes = [224, 128], strides = [1, 1]} : vector<256x128xi32> to vector<224x128xi32>
    %concatenate3A_858 = tpu.concatenate %slice3A_856, %slice3A_857 in 0 : vector<32x128xi32>, vector<224x128xi32> -> vector<256x128xi32>
    %iota3A_859 = tpu.iota {dimensions = array<i32: 0>} : vector<256x128xi32>
    %and3A_860 = arith.constant 32 : i32
    %and3A_861 = vector.broadcast %and3A_860 : i32 to vector<256x128xi32>
    %and3A_862 = arith.andi %iota3A_859, %and3A_861 : vector<256x128xi32>
    %eq3A_863 = arith.constant 0 : i32
    %eq3A_864 = vector.broadcast %eq3A_863 : i32 to vector<256x128xi32>
    %eq3A_865 = arith.cmpi eq, %and3A_862, %eq3A_864 : vector<256x128xi32>
    %select_n3A_866 = arith.select %eq3A_865, %concatenate3A_855, %concatenate3A_858 : vector<256x128xi1>, vector<256x128xi32>
    %lt3A_867 = arith.cmpf olt, %select_n3A_837, %select_n3A_852 : vector<256x128xf32>
    %eq3A_868 = arith.cmpf oeq, %select_n3A_837, %select_n3A_852 : vector<256x128xf32>
    %lt3A_869 = arith.cmpi slt, %select_n3A_838, %select_n3A_866 : vector<256x128xi32>
    %and3A_870 = arith.andi %eq3A_868, %lt3A_869 : vector<256x128xi1>
    %or3A_871 = arith.ori %lt3A_867, %and3A_870 : vector<256x128xi1>
    %and3A_872 = arith.constant 64 : i32
    %and3A_873 = vector.broadcast %and3A_872 : i32 to vector<256x128xi32>
    %and3A_874 = arith.andi %iota3A, %and3A_873 : vector<256x128xi32>
    %eq3A_875 = arith.constant 0 : i32
    %eq3A_876 = vector.broadcast %eq3A_875 : i32 to vector<256x128xi32>
    %eq3A_877 = arith.cmpi eq, %and3A_874, %eq3A_876 : vector<256x128xi32>
    %and3A_878 = arith.constant 32 : i32
    %and3A_879 = vector.broadcast %and3A_878 : i32 to vector<256x128xi32>
    %and3A_880 = arith.andi %iota3A, %and3A_879 : vector<256x128xi32>
    %eq3A_881 = arith.constant 0 : i32
    %eq3A_882 = vector.broadcast %eq3A_881 : i32 to vector<256x128xi32>
    %eq3A_883 = arith.cmpi eq, %and3A_880, %eq3A_882 : vector<256x128xi32>
    %eq3A_884 = arith.xori %eq3A_877, %eq3A_883 : vector<256x128xi1>
    %eq3A_885 = arith.constant dense<true> : vector<256x128xi1>
    %eq3A_886 = arith.xori %eq3A_884, %eq3A_885 : vector<256x128xi1>
    %eq3A_887 = arith.xori %or3A_871, %eq3A_886 : vector<256x128xi1>
    %eq3A_888 = arith.constant dense<true> : vector<256x128xi1>
    %eq3A_889 = arith.xori %eq3A_887, %eq3A_888 : vector<256x128xi1>
    %select_n3A_890 = arith.select %eq3A_889, %select_n3A_837, %select_n3A_852 : vector<256x128xi1>, vector<256x128xf32>
    %select_n3A_891 = arith.select %eq3A_889, %select_n3A_838, %select_n3A_866 : vector<256x128xi1>, vector<256x128xi32>
    %slice3A_892 = vector.extract_strided_slice %select_n3A_890 {offsets = [16, 0], sizes = [240, 128], strides = [1, 1]} : vector<256x128xf32> to vector<240x128xf32>
    %slice3A_893 = vector.extract_strided_slice %select_n3A_890 {offsets = [0, 0], sizes = [16, 128], strides = [1, 1]} : vector<256x128xf32> to vector<16x128xf32>
    %concatenate3A_894 = tpu.concatenate %slice3A_892, %slice3A_893 in 0 : vector<240x128xf32>, vector<16x128xf32> -> vector<256x128xf32>
    %slice3A_895 = vector.extract_strided_slice %select_n3A_890 {offsets = [240, 0], sizes = [16, 128], strides = [1, 1]} : vector<256x128xf32> to vector<16x128xf32>
    %slice3A_896 = vector.extract_strided_slice %select_n3A_890 {offsets = [0, 0], sizes = [240, 128], strides = [1, 1]} : vector<256x128xf32> to vector<240x128xf32>
    %concatenate3A_897 = tpu.concatenate %slice3A_895, %slice3A_896 in 0 : vector<16x128xf32>, vector<240x128xf32> -> vector<256x128xf32>
    %iota3A_898 = tpu.iota {dimensions = array<i32: 0>} : vector<256x128xi32>
    %and3A_899 = arith.constant 16 : i32
    %and3A_900 = vector.broadcast %and3A_899 : i32 to vector<256x128xi32>
    %and3A_901 = arith.andi %iota3A_898, %and3A_900 : vector<256x128xi32>
    %eq3A_902 = arith.constant 0 : i32
    %eq3A_903 = vector.broadcast %eq3A_902 : i32 to vector<256x128xi32>
    %eq3A_904 = arith.cmpi eq, %and3A_901, %eq3A_903 : vector<256x128xi32>
    %select_n3A_905 = arith.select %eq3A_904, %concatenate3A_894, %concatenate3A_897 : vector<256x128xi1>, vector<256x128xf32>
    %slice3A_906 = vector.extract_strided_slice %select_n3A_891 {offsets = [16, 0], sizes = [240, 128], strides = [1, 1]} : vector<256x128xi32> to vector<240x128xi32>
    %slice3A_907 = vector.extract_strided_slice %select_n3A_891 {offsets = [0, 0], sizes = [16, 128], strides = [1, 1]} : vector<256x128xi32> to vector<16x128xi32>
    %concatenate3A_908 = tpu.concatenate %slice3A_906, %slice3A_907 in 0 : vector<240x128xi32>, vector<16x128xi32> -> vector<256x128xi32>
    %slice3A_909 = vector.extract_strided_slice %select_n3A_891 {offsets = [240, 0], sizes = [16, 128], strides = [1, 1]} : vector<256x128xi32> to vector<16x128xi32>
    %slice3A_910 = vector.extract_strided_slice %select_n3A_891 {offsets = [0, 0], sizes = [240, 128], strides = [1, 1]} : vector<256x128xi32> to vector<240x128xi32>
    %concatenate3A_911 = tpu.concatenate %slice3A_909, %slice3A_910 in 0 : vector<16x128xi32>, vector<240x128xi32> -> vector<256x128xi32>
    %iota3A_912 = tpu.iota {dimensions = array<i32: 0>} : vector<256x128xi32>
    %and3A_913 = arith.constant 16 : i32
    %and3A_914 = vector.broadcast %and3A_913 : i32 to vector<256x128xi32>
    %and3A_915 = arith.andi %iota3A_912, %and3A_914 : vector<256x128xi32>
    %eq3A_916 = arith.constant 0 : i32
    %eq3A_917 = vector.broadcast %eq3A_916 : i32 to vector<256x128xi32>
    %eq3A_918 = arith.cmpi eq, %and3A_915, %eq3A_917 : vector<256x128xi32>
    %select_n3A_919 = arith.select %eq3A_918, %concatenate3A_908, %concatenate3A_911 : vector<256x128xi1>, vector<256x128xi32>
    %lt3A_920 = arith.cmpf olt, %select_n3A_890, %select_n3A_905 : vector<256x128xf32>
    %eq3A_921 = arith.cmpf oeq, %select_n3A_890, %select_n3A_905 : vector<256x128xf32>
    %lt3A_922 = arith.cmpi slt, %select_n3A_891, %select_n3A_919 : vector<256x128xi32>
    %and3A_923 = arith.andi %eq3A_921, %lt3A_922 : vector<256x128xi1>
    %or3A_924 = arith.ori %lt3A_920, %and3A_923 : vector<256x128xi1>
    %and3A_925 = arith.constant 64 : i32
    %and3A_926 = vector.broadcast %and3A_925 : i32 to vector<256x128xi32>
    %and3A_927 = arith.andi %iota3A, %and3A_926 : vector<256x128xi32>
    %eq3A_928 = arith.constant 0 : i32
    %eq3A_929 = vector.broadcast %eq3A_928 : i32 to vector<256x128xi32>
    %eq3A_930 = arith.cmpi eq, %and3A_927, %eq3A_929 : vector<256x128xi32>
    %and3A_931 = arith.constant 16 : i32
    %and3A_932 = vector.broadcast %and3A_931 : i32 to vector<256x128xi32>
    %and3A_933 = arith.andi %iota3A, %and3A_932 : vector<256x128xi32>
    %eq3A_934 = arith.constant 0 : i32
    %eq3A_935 = vector.broadcast %eq3A_934 : i32 to vector<256x128xi32>
    %eq3A_936 = arith.cmpi eq, %and3A_933, %eq3A_935 : vector<256x128xi32>
    %eq3A_937 = arith.xori %eq3A_930, %eq3A_936 : vector<256x128xi1>
    %eq3A_938 = arith.constant dense<true> : vector<256x128xi1>
    %eq3A_939 = arith.xori %eq3A_937, %eq3A_938 : vector<256x128xi1>
    %eq3A_940 = arith.xori %or3A_924, %eq3A_939 : vector<256x128xi1>
    %eq3A_941 = arith.constant dense<true> : vector<256x128xi1>
    %eq3A_942 = arith.xori %eq3A_940, %eq3A_941 : vector<256x128xi1>
    %select_n3A_943 = arith.select %eq3A_942, %select_n3A_890, %select_n3A_905 : vector<256x128xi1>, vector<256x128xf32>
    %select_n3A_944 = arith.select %eq3A_942, %select_n3A_891, %select_n3A_919 : vector<256x128xi1>, vector<256x128xi32>
    %slice3A_945 = vector.extract_strided_slice %select_n3A_943 {offsets = [8, 0], sizes = [248, 128], strides = [1, 1]} : vector<256x128xf32> to vector<248x128xf32>
    %slice3A_946 = vector.extract_strided_slice %select_n3A_943 {offsets = [0, 0], sizes = [8, 128], strides = [1, 1]} : vector<256x128xf32> to vector<8x128xf32>
    %concatenate3A_947 = tpu.concatenate %slice3A_945, %slice3A_946 in 0 : vector<248x128xf32>, vector<8x128xf32> -> vector<256x128xf32>
    %slice3A_948 = vector.extract_strided_slice %select_n3A_943 {offsets = [248, 0], sizes = [8, 128], strides = [1, 1]} : vector<256x128xf32> to vector<8x128xf32>
    %slice3A_949 = vector.extract_strided_slice %select_n3A_943 {offsets = [0, 0], sizes = [248, 128], strides = [1, 1]} : vector<256x128xf32> to vector<248x128xf32>
    %concatenate3A_950 = tpu.concatenate %slice3A_948, %slice3A_949 in 0 : vector<8x128xf32>, vector<248x128xf32> -> vector<256x128xf32>
    %iota3A_951 = tpu.iota {dimensions = array<i32: 0>} : vector<256x128xi32>
    %and3A_952 = arith.constant 8 : i32
    %and3A_953 = vector.broadcast %and3A_952 : i32 to vector<256x128xi32>
    %and3A_954 = arith.andi %iota3A_951, %and3A_953 : vector<256x128xi32>
    %eq3A_955 = arith.constant 0 : i32
    %eq3A_956 = vector.broadcast %eq3A_955 : i32 to vector<256x128xi32>
    %eq3A_957 = arith.cmpi eq, %and3A_954, %eq3A_956 : vector<256x128xi32>
    %select_n3A_958 = arith.select %eq3A_957, %concatenate3A_947, %concatenate3A_950 : vector<256x128xi1>, vector<256x128xf32>
    %slice3A_959 = vector.extract_strided_slice %select_n3A_944 {offsets = [8, 0], sizes = [248, 128], strides = [1, 1]} : vector<256x128xi32> to vector<248x128xi32>
    %slice3A_960 = vector.extract_strided_slice %select_n3A_944 {offsets = [0, 0], sizes = [8, 128], strides = [1, 1]} : vector<256x128xi32> to vector<8x128xi32>
    %concatenate3A_961 = tpu.concatenate %slice3A_959, %slice3A_960 in 0 : vector<248x128xi32>, vector<8x128xi32> -> vector<256x128xi32>
    %slice3A_962 = vector.extract_strided_slice %select_n3A_944 {offsets = [248, 0], sizes = [8, 128], strides = [1, 1]} : vector<256x128xi32> to vector<8x128xi32>
    %slice3A_963 = vector.extract_strided_slice %select_n3A_944 {offsets = [0, 0], sizes = [248, 128], strides = [1, 1]} : vector<256x128xi32> to vector<248x128xi32>
    %concatenate3A_964 = tpu.concatenate %slice3A_962, %slice3A_963 in 0 : vector<8x128xi32>, vector<248x128xi32> -> vector<256x128xi32>
    %iota3A_965 = tpu.iota {dimensions = array<i32: 0>} : vector<256x128xi32>
    %and3A_966 = arith.constant 8 : i32
    %and3A_967 = vector.broadcast %and3A_966 : i32 to vector<256x128xi32>
    %and3A_968 = arith.andi %iota3A_965, %and3A_967 : vector<256x128xi32>
    %eq3A_969 = arith.constant 0 : i32
    %eq3A_970 = vector.broadcast %eq3A_969 : i32 to vector<256x128xi32>
    %eq3A_971 = arith.cmpi eq, %and3A_968, %eq3A_970 : vector<256x128xi32>
    %select_n3A_972 = arith.select %eq3A_971, %concatenate3A_961, %concatenate3A_964 : vector<256x128xi1>, vector<256x128xi32>
    %lt3A_973 = arith.cmpf olt, %select_n3A_943, %select_n3A_958 : vector<256x128xf32>
    %eq3A_974 = arith.cmpf oeq, %select_n3A_943, %select_n3A_958 : vector<256x128xf32>
    %lt3A_975 = arith.cmpi slt, %select_n3A_944, %select_n3A_972 : vector<256x128xi32>
    %and3A_976 = arith.andi %eq3A_974, %lt3A_975 : vector<256x128xi1>
    %or3A_977 = arith.ori %lt3A_973, %and3A_976 : vector<256x128xi1>
    %and3A_978 = arith.constant 64 : i32
    %and3A_979 = vector.broadcast %and3A_978 : i32 to vector<256x128xi32>
    %and3A_980 = arith.andi %iota3A, %and3A_979 : vector<256x128xi32>
    %eq3A_981 = arith.constant 0 : i32
    %eq3A_982 = vector.broadcast %eq3A_981 : i32 to vector<256x128xi32>
    %eq3A_983 = arith.cmpi eq, %and3A_980, %eq3A_982 : vector<256x128xi32>
    %and3A_984 = arith.constant 8 : i32
    %and3A_985 = vector.broadcast %and3A_984 : i32 to vector<256x128xi32>
    %and3A_986 = arith.andi %iota3A, %and3A_985 : vector<256x128xi32>
    %eq3A_987 = arith.constant 0 : i32
    %eq3A_988 = vector.broadcast %eq3A_987 : i32 to vector<256x128xi32>
    %eq3A_989 = arith.cmpi eq, %and3A_986, %eq3A_988 : vector<256x128xi32>
    %eq3A_990 = arith.xori %eq3A_983, %eq3A_989 : vector<256x128xi1>
    %eq3A_991 = arith.constant dense<true> : vector<256x128xi1>
    %eq3A_992 = arith.xori %eq3A_990, %eq3A_991 : vector<256x128xi1>
    %eq3A_993 = arith.xori %or3A_977, %eq3A_992 : vector<256x128xi1>
    %eq3A_994 = arith.constant dense<true> : vector<256x128xi1>
    %eq3A_995 = arith.xori %eq3A_993, %eq3A_994 : vector<256x128xi1>
    %select_n3A_996 = arith.select %eq3A_995, %select_n3A_943, %select_n3A_958 : vector<256x128xi1>, vector<256x128xf32>
    %select_n3A_997 = arith.select %eq3A_995, %select_n3A_944, %select_n3A_972 : vector<256x128xi1>, vector<256x128xi32>
    %slice3A_998 = vector.extract_strided_slice %select_n3A_996 {offsets = [4, 0], sizes = [252, 128], strides = [1, 1]} : vector<256x128xf32> to vector<252x128xf32>
    %slice3A_999 = vector.extract_strided_slice %select_n3A_996 {offsets = [0, 0], sizes = [4, 128], strides = [1, 1]} : vector<256x128xf32> to vector<4x128xf32>
    %concatenate3A_1000 = tpu.concatenate %slice3A_998, %slice3A_999 in 0 : vector<252x128xf32>, vector<4x128xf32> -> vector<256x128xf32>
    %slice3A_1001 = vector.extract_strided_slice %select_n3A_996 {offsets = [252, 0], sizes = [4, 128], strides = [1, 1]} : vector<256x128xf32> to vector<4x128xf32>
    %slice3A_1002 = vector.extract_strided_slice %select_n3A_996 {offsets = [0, 0], sizes = [252, 128], strides = [1, 1]} : vector<256x128xf32> to vector<252x128xf32>
    %concatenate3A_1003 = tpu.concatenate %slice3A_1001, %slice3A_1002 in 0 : vector<4x128xf32>, vector<252x128xf32> -> vector<256x128xf32>
    %iota3A_1004 = tpu.iota {dimensions = array<i32: 0>} : vector<256x128xi32>
    %and3A_1005 = arith.constant 4 : i32
    %and3A_1006 = vector.broadcast %and3A_1005 : i32 to vector<256x128xi32>
    %and3A_1007 = arith.andi %iota3A_1004, %and3A_1006 : vector<256x128xi32>
    %eq3A_1008 = arith.constant 0 : i32
    %eq3A_1009 = vector.broadcast %eq3A_1008 : i32 to vector<256x128xi32>
    %eq3A_1010 = arith.cmpi eq, %and3A_1007, %eq3A_1009 : vector<256x128xi32>
    %select_n3A_1011 = arith.select %eq3A_1010, %concatenate3A_1000, %concatenate3A_1003 : vector<256x128xi1>, vector<256x128xf32>
    %slice3A_1012 = vector.extract_strided_slice %select_n3A_997 {offsets = [4, 0], sizes = [252, 128], strides = [1, 1]} : vector<256x128xi32> to vector<252x128xi32>
    %slice3A_1013 = vector.extract_strided_slice %select_n3A_997 {offsets = [0, 0], sizes = [4, 128], strides = [1, 1]} : vector<256x128xi32> to vector<4x128xi32>
    %concatenate3A_1014 = tpu.concatenate %slice3A_1012, %slice3A_1013 in 0 : vector<252x128xi32>, vector<4x128xi32> -> vector<256x128xi32>
    %slice3A_1015 = vector.extract_strided_slice %select_n3A_997 {offsets = [252, 0], sizes = [4, 128], strides = [1, 1]} : vector<256x128xi32> to vector<4x128xi32>
    %slice3A_1016 = vector.extract_strided_slice %select_n3A_997 {offsets = [0, 0], sizes = [252, 128], strides = [1, 1]} : vector<256x128xi32> to vector<252x128xi32>
    %concatenate3A_1017 = tpu.concatenate %slice3A_1015, %slice3A_1016 in 0 : vector<4x128xi32>, vector<252x128xi32> -> vector<256x128xi32>
    %iota3A_1018 = tpu.iota {dimensions = array<i32: 0>} : vector<256x128xi32>
    %and3A_1019 = arith.constant 4 : i32
    %and3A_1020 = vector.broadcast %and3A_1019 : i32 to vector<256x128xi32>
    %and3A_1021 = arith.andi %iota3A_1018, %and3A_1020 : vector<256x128xi32>
    %eq3A_1022 = arith.constant 0 : i32
    %eq3A_1023 = vector.broadcast %eq3A_1022 : i32 to vector<256x128xi32>
    %eq3A_1024 = arith.cmpi eq, %and3A_1021, %eq3A_1023 : vector<256x128xi32>
    %select_n3A_1025 = arith.select %eq3A_1024, %concatenate3A_1014, %concatenate3A_1017 : vector<256x128xi1>, vector<256x128xi32>
    %lt3A_1026 = arith.cmpf olt, %select_n3A_996, %select_n3A_1011 : vector<256x128xf32>
    %eq3A_1027 = arith.cmpf oeq, %select_n3A_996, %select_n3A_1011 : vector<256x128xf32>
    %lt3A_1028 = arith.cmpi slt, %select_n3A_997, %select_n3A_1025 : vector<256x128xi32>
    %and3A_1029 = arith.andi %eq3A_1027, %lt3A_1028 : vector<256x128xi1>
    %or3A_1030 = arith.ori %lt3A_1026, %and3A_1029 : vector<256x128xi1>
    %and3A_1031 = arith.constant 64 : i32
    %and3A_1032 = vector.broadcast %and3A_1031 : i32 to vector<256x128xi32>
    %and3A_1033 = arith.andi %iota3A, %and3A_1032 : vector<256x128xi32>
    %eq3A_1034 = arith.constant 0 : i32
    %eq3A_1035 = vector.broadcast %eq3A_1034 : i32 to vector<256x128xi32>
    %eq3A_1036 = arith.cmpi eq, %and3A_1033, %eq3A_1035 : vector<256x128xi32>
    %and3A_1037 = arith.constant 4 : i32
    %and3A_1038 = vector.broadcast %and3A_1037 : i32 to vector<256x128xi32>
    %and3A_1039 = arith.andi %iota3A, %and3A_1038 : vector<256x128xi32>
    %eq3A_1040 = arith.constant 0 : i32
    %eq3A_1041 = vector.broadcast %eq3A_1040 : i32 to vector<256x128xi32>
    %eq3A_1042 = arith.cmpi eq, %and3A_1039, %eq3A_1041 : vector<256x128xi32>
    %eq3A_1043 = arith.xori %eq3A_1036, %eq3A_1042 : vector<256x128xi1>
    %eq3A_1044 = arith.constant dense<true> : vector<256x128xi1>
    %eq3A_1045 = arith.xori %eq3A_1043, %eq3A_1044 : vector<256x128xi1>
    %eq3A_1046 = arith.xori %or3A_1030, %eq3A_1045 : vector<256x128xi1>
    %eq3A_1047 = arith.constant dense<true> : vector<256x128xi1>
    %eq3A_1048 = arith.xori %eq3A_1046, %eq3A_1047 : vector<256x128xi1>
    %select_n3A_1049 = arith.select %eq3A_1048, %select_n3A_996, %select_n3A_1011 : vector<256x128xi1>, vector<256x128xf32>
    %select_n3A_1050 = arith.select %eq3A_1048, %select_n3A_997, %select_n3A_1025 : vector<256x128xi1>, vector<256x128xi32>
    %slice3A_1051 = vector.extract_strided_slice %select_n3A_1049 {offsets = [2, 0], sizes = [254, 128], strides = [1, 1]} : vector<256x128xf32> to vector<254x128xf32>
    %slice3A_1052 = vector.extract_strided_slice %select_n3A_1049 {offsets = [0, 0], sizes = [2, 128], strides = [1, 1]} : vector<256x128xf32> to vector<2x128xf32>
    %concatenate3A_1053 = tpu.concatenate %slice3A_1051, %slice3A_1052 in 0 : vector<254x128xf32>, vector<2x128xf32> -> vector<256x128xf32>
    %slice3A_1054 = vector.extract_strided_slice %select_n3A_1049 {offsets = [254, 0], sizes = [2, 128], strides = [1, 1]} : vector<256x128xf32> to vector<2x128xf32>
    %slice3A_1055 = vector.extract_strided_slice %select_n3A_1049 {offsets = [0, 0], sizes = [254, 128], strides = [1, 1]} : vector<256x128xf32> to vector<254x128xf32>
    %concatenate3A_1056 = tpu.concatenate %slice3A_1054, %slice3A_1055 in 0 : vector<2x128xf32>, vector<254x128xf32> -> vector<256x128xf32>
    %iota3A_1057 = tpu.iota {dimensions = array<i32: 0>} : vector<256x128xi32>
    %and3A_1058 = arith.constant 2 : i32
    %and3A_1059 = vector.broadcast %and3A_1058 : i32 to vector<256x128xi32>
    %and3A_1060 = arith.andi %iota3A_1057, %and3A_1059 : vector<256x128xi32>
    %eq3A_1061 = arith.constant 0 : i32
    %eq3A_1062 = vector.broadcast %eq3A_1061 : i32 to vector<256x128xi32>
    %eq3A_1063 = arith.cmpi eq, %and3A_1060, %eq3A_1062 : vector<256x128xi32>
    %select_n3A_1064 = arith.select %eq3A_1063, %concatenate3A_1053, %concatenate3A_1056 : vector<256x128xi1>, vector<256x128xf32>
    %slice3A_1065 = vector.extract_strided_slice %select_n3A_1050 {offsets = [2, 0], sizes = [254, 128], strides = [1, 1]} : vector<256x128xi32> to vector<254x128xi32>
    %slice3A_1066 = vector.extract_strided_slice %select_n3A_1050 {offsets = [0, 0], sizes = [2, 128], strides = [1, 1]} : vector<256x128xi32> to vector<2x128xi32>
    %concatenate3A_1067 = tpu.concatenate %slice3A_1065, %slice3A_1066 in 0 : vector<254x128xi32>, vector<2x128xi32> -> vector<256x128xi32>
    %slice3A_1068 = vector.extract_strided_slice %select_n3A_1050 {offsets = [254, 0], sizes = [2, 128], strides = [1, 1]} : vector<256x128xi32> to vector<2x128xi32>
    %slice3A_1069 = vector.extract_strided_slice %select_n3A_1050 {offsets = [0, 0], sizes = [254, 128], strides = [1, 1]} : vector<256x128xi32> to vector<254x128xi32>
    %concatenate3A_1070 = tpu.concatenate %slice3A_1068, %slice3A_1069 in 0 : vector<2x128xi32>, vector<254x128xi32> -> vector<256x128xi32>
    %iota3A_1071 = tpu.iota {dimensions = array<i32: 0>} : vector<256x128xi32>
    %and3A_1072 = arith.constant 2 : i32
    %and3A_1073 = vector.broadcast %and3A_1072 : i32 to vector<256x128xi32>
    %and3A_1074 = arith.andi %iota3A_1071, %and3A_1073 : vector<256x128xi32>
    %eq3A_1075 = arith.constant 0 : i32
    %eq3A_1076 = vector.broadcast %eq3A_1075 : i32 to vector<256x128xi32>
    %eq3A_1077 = arith.cmpi eq, %and3A_1074, %eq3A_1076 : vector<256x128xi32>
    %select_n3A_1078 = arith.select %eq3A_1077, %concatenate3A_1067, %concatenate3A_1070 : vector<256x128xi1>, vector<256x128xi32>
    %lt3A_1079 = arith.cmpf olt, %select_n3A_1049, %select_n3A_1064 : vector<256x128xf32>
    %eq3A_1080 = arith.cmpf oeq, %select_n3A_1049, %select_n3A_1064 : vector<256x128xf32>
    %lt3A_1081 = arith.cmpi slt, %select_n3A_1050, %select_n3A_1078 : vector<256x128xi32>
    %and3A_1082 = arith.andi %eq3A_1080, %lt3A_1081 : vector<256x128xi1>
    %or3A_1083 = arith.ori %lt3A_1079, %and3A_1082 : vector<256x128xi1>
    %and3A_1084 = arith.constant 64 : i32
    %and3A_1085 = vector.broadcast %and3A_1084 : i32 to vector<256x128xi32>
    %and3A_1086 = arith.andi %iota3A, %and3A_1085 : vector<256x128xi32>
    %eq3A_1087 = arith.constant 0 : i32
    %eq3A_1088 = vector.broadcast %eq3A_1087 : i32 to vector<256x128xi32>
    %eq3A_1089 = arith.cmpi eq, %and3A_1086, %eq3A_1088 : vector<256x128xi32>
    %and3A_1090 = arith.constant 2 : i32
    %and3A_1091 = vector.broadcast %and3A_1090 : i32 to vector<256x128xi32>
    %and3A_1092 = arith.andi %iota3A, %and3A_1091 : vector<256x128xi32>
    %eq3A_1093 = arith.constant 0 : i32
    %eq3A_1094 = vector.broadcast %eq3A_1093 : i32 to vector<256x128xi32>
    %eq3A_1095 = arith.cmpi eq, %and3A_1092, %eq3A_1094 : vector<256x128xi32>
    %eq3A_1096 = arith.xori %eq3A_1089, %eq3A_1095 : vector<256x128xi1>
    %eq3A_1097 = arith.constant dense<true> : vector<256x128xi1>
    %eq3A_1098 = arith.xori %eq3A_1096, %eq3A_1097 : vector<256x128xi1>
    %eq3A_1099 = arith.xori %or3A_1083, %eq3A_1098 : vector<256x128xi1>
    %eq3A_1100 = arith.constant dense<true> : vector<256x128xi1>
    %eq3A_1101 = arith.xori %eq3A_1099, %eq3A_1100 : vector<256x128xi1>
    %select_n3A_1102 = arith.select %eq3A_1101, %select_n3A_1049, %select_n3A_1064 : vector<256x128xi1>, vector<256x128xf32>
    %select_n3A_1103 = arith.select %eq3A_1101, %select_n3A_1050, %select_n3A_1078 : vector<256x128xi1>, vector<256x128xi32>
    %slice3A_1104 = vector.extract_strided_slice %select_n3A_1102 {offsets = [1, 0], sizes = [255, 128], strides = [1, 1]} : vector<256x128xf32> to vector<255x128xf32>
    %slice3A_1105 = vector.extract_strided_slice %select_n3A_1102 {offsets = [0, 0], sizes = [1, 128], strides = [1, 1]} : vector<256x128xf32> to vector<1x128xf32>
    %concatenate3A_1106 = tpu.concatenate %slice3A_1104, %slice3A_1105 in 0 : vector<255x128xf32>, vector<1x128xf32> -> vector<256x128xf32>
    %slice3A_1107 = vector.extract_strided_slice %select_n3A_1102 {offsets = [255, 0], sizes = [1, 128], strides = [1, 1]} : vector<256x128xf32> to vector<1x128xf32>
    %slice3A_1108 = vector.extract_strided_slice %select_n3A_1102 {offsets = [0, 0], sizes = [255, 128], strides = [1, 1]} : vector<256x128xf32> to vector<255x128xf32>
    %concatenate3A_1109 = tpu.concatenate %slice3A_1107, %slice3A_1108 in 0 : vector<1x128xf32>, vector<255x128xf32> -> vector<256x128xf32>
    %iota3A_1110 = tpu.iota {dimensions = array<i32: 0>} : vector<256x128xi32>
    %and3A_1111 = arith.constant 1 : i32
    %and3A_1112 = vector.broadcast %and3A_1111 : i32 to vector<256x128xi32>
    %and3A_1113 = arith.andi %iota3A_1110, %and3A_1112 : vector<256x128xi32>
    %eq3A_1114 = arith.constant 0 : i32
    %eq3A_1115 = vector.broadcast %eq3A_1114 : i32 to vector<256x128xi32>
    %eq3A_1116 = arith.cmpi eq, %and3A_1113, %eq3A_1115 : vector<256x128xi32>
    %select_n3A_1117 = arith.select %eq3A_1116, %concatenate3A_1106, %concatenate3A_1109 : vector<256x128xi1>, vector<256x128xf32>
    %slice3A_1118 = vector.extract_strided_slice %select_n3A_1103 {offsets = [1, 0], sizes = [255, 128], strides = [1, 1]} : vector<256x128xi32> to vector<255x128xi32>
    %slice3A_1119 = vector.extract_strided_slice %select_n3A_1103 {offsets = [0, 0], sizes = [1, 128], strides = [1, 1]} : vector<256x128xi32> to vector<1x128xi32>
    %concatenate3A_1120 = tpu.concatenate %slice3A_1118, %slice3A_1119 in 0 : vector<255x128xi32>, vector<1x128xi32> -> vector<256x128xi32>
    %slice3A_1121 = vector.extract_strided_slice %select_n3A_1103 {offsets = [255, 0], sizes = [1, 128], strides = [1, 1]} : vector<256x128xi32> to vector<1x128xi32>
    %slice3A_1122 = vector.extract_strided_slice %select_n3A_1103 {offsets = [0, 0], sizes = [255, 128], strides = [1, 1]} : vector<256x128xi32> to vector<255x128xi32>
    %concatenate3A_1123 = tpu.concatenate %slice3A_1121, %slice3A_1122 in 0 : vector<1x128xi32>, vector<255x128xi32> -> vector<256x128xi32>
    %iota3A_1124 = tpu.iota {dimensions = array<i32: 0>} : vector<256x128xi32>
    %and3A_1125 = arith.constant 1 : i32
    %and3A_1126 = vector.broadcast %and3A_1125 : i32 to vector<256x128xi32>
    %and3A_1127 = arith.andi %iota3A_1124, %and3A_1126 : vector<256x128xi32>
    %eq3A_1128 = arith.constant 0 : i32
    %eq3A_1129 = vector.broadcast %eq3A_1128 : i32 to vector<256x128xi32>
    %eq3A_1130 = arith.cmpi eq, %and3A_1127, %eq3A_1129 : vector<256x128xi32>
    %select_n3A_1131 = arith.select %eq3A_1130, %concatenate3A_1120, %concatenate3A_1123 : vector<256x128xi1>, vector<256x128xi32>
    %lt3A_1132 = arith.cmpf olt, %select_n3A_1102, %select_n3A_1117 : vector<256x128xf32>
    %eq3A_1133 = arith.cmpf oeq, %select_n3A_1102, %select_n3A_1117 : vector<256x128xf32>
    %lt3A_1134 = arith.cmpi slt, %select_n3A_1103, %select_n3A_1131 : vector<256x128xi32>
    %and3A_1135 = arith.andi %eq3A_1133, %lt3A_1134 : vector<256x128xi1>
    %or3A_1136 = arith.ori %lt3A_1132, %and3A_1135 : vector<256x128xi1>
    %and3A_1137 = arith.constant 64 : i32
    %and3A_1138 = vector.broadcast %and3A_1137 : i32 to vector<256x128xi32>
    %and3A_1139 = arith.andi %iota3A, %and3A_1138 : vector<256x128xi32>
    %eq3A_1140 = arith.constant 0 : i32
    %eq3A_1141 = vector.broadcast %eq3A_1140 : i32 to vector<256x128xi32>
    %eq3A_1142 = arith.cmpi eq, %and3A_1139, %eq3A_1141 : vector<256x128xi32>
    %and3A_1143 = arith.constant 1 : i32
    %and3A_1144 = vector.broadcast %and3A_1143 : i32 to vector<256x128xi32>
    %and3A_1145 = arith.andi %iota3A, %and3A_1144 : vector<256x128xi32>
    %eq3A_1146 = arith.constant 0 : i32
    %eq3A_1147 = vector.broadcast %eq3A_1146 : i32 to vector<256x128xi32>
    %eq3A_1148 = arith.cmpi eq, %and3A_1145, %eq3A_1147 : vector<256x128xi32>
    %eq3A_1149 = arith.xori %eq3A_1142, %eq3A_1148 : vector<256x128xi1>
    %eq3A_1150 = arith.constant dense<true> : vector<256x128xi1>
    %eq3A_1151 = arith.xori %eq3A_1149, %eq3A_1150 : vector<256x128xi1>
    %eq3A_1152 = arith.xori %or3A_1136, %eq3A_1151 : vector<256x128xi1>
    %eq3A_1153 = arith.constant dense<true> : vector<256x128xi1>
    %eq3A_1154 = arith.xori %eq3A_1152, %eq3A_1153 : vector<256x128xi1>
    %select_n3A_1155 = arith.select %eq3A_1154, %select_n3A_1102, %select_n3A_1117 : vector<256x128xi1>, vector<256x128xf32>
    %select_n3A_1156 = arith.select %eq3A_1154, %select_n3A_1103, %select_n3A_1131 : vector<256x128xi1>, vector<256x128xi32>
    %slice3A_1157 = vector.extract_strided_slice %select_n3A_1155 {offsets = [64, 0], sizes = [192, 128], strides = [1, 1]} : vector<256x128xf32> to vector<192x128xf32>
    %slice3A_1158 = vector.extract_strided_slice %select_n3A_1155 {offsets = [0, 0], sizes = [64, 128], strides = [1, 1]} : vector<256x128xf32> to vector<64x128xf32>
    %concatenate3A_1159 = tpu.concatenate %slice3A_1157, %slice3A_1158 in 0 : vector<192x128xf32>, vector<64x128xf32> -> vector<256x128xf32>
    %slice3A_1160 = vector.extract_strided_slice %select_n3A_1155 {offsets = [192, 0], sizes = [64, 128], strides = [1, 1]} : vector<256x128xf32> to vector<64x128xf32>
    %slice3A_1161 = vector.extract_strided_slice %select_n3A_1155 {offsets = [0, 0], sizes = [192, 128], strides = [1, 1]} : vector<256x128xf32> to vector<192x128xf32>
    %concatenate3A_1162 = tpu.concatenate %slice3A_1160, %slice3A_1161 in 0 : vector<64x128xf32>, vector<192x128xf32> -> vector<256x128xf32>
    %iota3A_1163 = tpu.iota {dimensions = array<i32: 0>} : vector<256x128xi32>
    %and3A_1164 = arith.constant 64 : i32
    %and3A_1165 = vector.broadcast %and3A_1164 : i32 to vector<256x128xi32>
    %and3A_1166 = arith.andi %iota3A_1163, %and3A_1165 : vector<256x128xi32>
    %eq3A_1167 = arith.constant 0 : i32
    %eq3A_1168 = vector.broadcast %eq3A_1167 : i32 to vector<256x128xi32>
    %eq3A_1169 = arith.cmpi eq, %and3A_1166, %eq3A_1168 : vector<256x128xi32>
    %select_n3A_1170 = arith.select %eq3A_1169, %concatenate3A_1159, %concatenate3A_1162 : vector<256x128xi1>, vector<256x128xf32>
    %slice3A_1171 = vector.extract_strided_slice %select_n3A_1156 {offsets = [64, 0], sizes = [192, 128], strides = [1, 1]} : vector<256x128xi32> to vector<192x128xi32>
    %slice3A_1172 = vector.extract_strided_slice %select_n3A_1156 {offsets = [0, 0], sizes = [64, 128], strides = [1, 1]} : vector<256x128xi32> to vector<64x128xi32>
    %concatenate3A_1173 = tpu.concatenate %slice3A_1171, %slice3A_1172 in 0 : vector<192x128xi32>, vector<64x128xi32> -> vector<256x128xi32>
    %slice3A_1174 = vector.extract_strided_slice %select_n3A_1156 {offsets = [192, 0], sizes = [64, 128], strides = [1, 1]} : vector<256x128xi32> to vector<64x128xi32>
    %slice3A_1175 = vector.extract_strided_slice %select_n3A_1156 {offsets = [0, 0], sizes = [192, 128], strides = [1, 1]} : vector<256x128xi32> to vector<192x128xi32>
    %concatenate3A_1176 = tpu.concatenate %slice3A_1174, %slice3A_1175 in 0 : vector<64x128xi32>, vector<192x128xi32> -> vector<256x128xi32>
    %iota3A_1177 = tpu.iota {dimensions = array<i32: 0>} : vector<256x128xi32>
    %and3A_1178 = arith.constant 64 : i32
    %and3A_1179 = vector.broadcast %and3A_1178 : i32 to vector<256x128xi32>
    %and3A_1180 = arith.andi %iota3A_1177, %and3A_1179 : vector<256x128xi32>
    %eq3A_1181 = arith.constant 0 : i32
    %eq3A_1182 = vector.broadcast %eq3A_1181 : i32 to vector<256x128xi32>
    %eq3A_1183 = arith.cmpi eq, %and3A_1180, %eq3A_1182 : vector<256x128xi32>
    %select_n3A_1184 = arith.select %eq3A_1183, %concatenate3A_1173, %concatenate3A_1176 : vector<256x128xi1>, vector<256x128xi32>
    %lt3A_1185 = arith.cmpf olt, %select_n3A_1155, %select_n3A_1170 : vector<256x128xf32>
    %eq3A_1186 = arith.cmpf oeq, %select_n3A_1155, %select_n3A_1170 : vector<256x128xf32>
    %lt3A_1187 = arith.cmpi slt, %select_n3A_1156, %select_n3A_1184 : vector<256x128xi32>
    %and3A_1188 = arith.andi %eq3A_1186, %lt3A_1187 : vector<256x128xi1>
    %or3A_1189 = arith.ori %lt3A_1185, %and3A_1188 : vector<256x128xi1>
    %and3A_1190 = arith.constant 128 : i32
    %and3A_1191 = vector.broadcast %and3A_1190 : i32 to vector<256x128xi32>
    %and3A_1192 = arith.andi %iota3A, %and3A_1191 : vector<256x128xi32>
    %eq3A_1193 = arith.constant 0 : i32
    %eq3A_1194 = vector.broadcast %eq3A_1193 : i32 to vector<256x128xi32>
    %eq3A_1195 = arith.cmpi eq, %and3A_1192, %eq3A_1194 : vector<256x128xi32>
    %and3A_1196 = arith.constant 64 : i32
    %and3A_1197 = vector.broadcast %and3A_1196 : i32 to vector<256x128xi32>
    %and3A_1198 = arith.andi %iota3A, %and3A_1197 : vector<256x128xi32>
    %eq3A_1199 = arith.constant 0 : i32
    %eq3A_1200 = vector.broadcast %eq3A_1199 : i32 to vector<256x128xi32>
    %eq3A_1201 = arith.cmpi eq, %and3A_1198, %eq3A_1200 : vector<256x128xi32>
    %eq3A_1202 = arith.xori %eq3A_1195, %eq3A_1201 : vector<256x128xi1>
    %eq3A_1203 = arith.constant dense<true> : vector<256x128xi1>
    %eq3A_1204 = arith.xori %eq3A_1202, %eq3A_1203 : vector<256x128xi1>
    %eq3A_1205 = arith.xori %or3A_1189, %eq3A_1204 : vector<256x128xi1>
    %eq3A_1206 = arith.constant dense<true> : vector<256x128xi1>
    %eq3A_1207 = arith.xori %eq3A_1205, %eq3A_1206 : vector<256x128xi1>
    %select_n3A_1208 = arith.select %eq3A_1207, %select_n3A_1155, %select_n3A_1170 : vector<256x128xi1>, vector<256x128xf32>
    %select_n3A_1209 = arith.select %eq3A_1207, %select_n3A_1156, %select_n3A_1184 : vector<256x128xi1>, vector<256x128xi32>
    %slice3A_1210 = vector.extract_strided_slice %select_n3A_1208 {offsets = [32, 0], sizes = [224, 128], strides = [1, 1]} : vector<256x128xf32> to vector<224x128xf32>
    %slice3A_1211 = vector.extract_strided_slice %select_n3A_1208 {offsets = [0, 0], sizes = [32, 128], strides = [1, 1]} : vector<256x128xf32> to vector<32x128xf32>
    %concatenate3A_1212 = tpu.concatenate %slice3A_1210, %slice3A_1211 in 0 : vector<224x128xf32>, vector<32x128xf32> -> vector<256x128xf32>
    %slice3A_1213 = vector.extract_strided_slice %select_n3A_1208 {offsets = [224, 0], sizes = [32, 128], strides = [1, 1]} : vector<256x128xf32> to vector<32x128xf32>
    %slice3A_1214 = vector.extract_strided_slice %select_n3A_1208 {offsets = [0, 0], sizes = [224, 128], strides = [1, 1]} : vector<256x128xf32> to vector<224x128xf32>
    %concatenate3A_1215 = tpu.concatenate %slice3A_1213, %slice3A_1214 in 0 : vector<32x128xf32>, vector<224x128xf32> -> vector<256x128xf32>
    %iota3A_1216 = tpu.iota {dimensions = array<i32: 0>} : vector<256x128xi32>
    %and3A_1217 = arith.constant 32 : i32
    %and3A_1218 = vector.broadcast %and3A_1217 : i32 to vector<256x128xi32>
    %and3A_1219 = arith.andi %iota3A_1216, %and3A_1218 : vector<256x128xi32>
    %eq3A_1220 = arith.constant 0 : i32
    %eq3A_1221 = vector.broadcast %eq3A_1220 : i32 to vector<256x128xi32>
    %eq3A_1222 = arith.cmpi eq, %and3A_1219, %eq3A_1221 : vector<256x128xi32>
    %select_n3A_1223 = arith.select %eq3A_1222, %concatenate3A_1212, %concatenate3A_1215 : vector<256x128xi1>, vector<256x128xf32>
    %slice3A_1224 = vector.extract_strided_slice %select_n3A_1209 {offsets = [32, 0], sizes = [224, 128], strides = [1, 1]} : vector<256x128xi32> to vector<224x128xi32>
    %slice3A_1225 = vector.extract_strided_slice %select_n3A_1209 {offsets = [0, 0], sizes = [32, 128], strides = [1, 1]} : vector<256x128xi32> to vector<32x128xi32>
    %concatenate3A_1226 = tpu.concatenate %slice3A_1224, %slice3A_1225 in 0 : vector<224x128xi32>, vector<32x128xi32> -> vector<256x128xi32>
    %slice3A_1227 = vector.extract_strided_slice %select_n3A_1209 {offsets = [224, 0], sizes = [32, 128], strides = [1, 1]} : vector<256x128xi32> to vector<32x128xi32>
    %slice3A_1228 = vector.extract_strided_slice %select_n3A_1209 {offsets = [0, 0], sizes = [224, 128], strides = [1, 1]} : vector<256x128xi32> to vector<224x128xi32>
    %concatenate3A_1229 = tpu.concatenate %slice3A_1227, %slice3A_1228 in 0 : vector<32x128xi32>, vector<224x128xi32> -> vector<256x128xi32>
    %iota3A_1230 = tpu.iota {dimensions = array<i32: 0>} : vector<256x128xi32>
    %and3A_1231 = arith.constant 32 : i32
    %and3A_1232 = vector.broadcast %and3A_1231 : i32 to vector<256x128xi32>
    %and3A_1233 = arith.andi %iota3A_1230, %and3A_1232 : vector<256x128xi32>
    %eq3A_1234 = arith.constant 0 : i32
    %eq3A_1235 = vector.broadcast %eq3A_1234 : i32 to vector<256x128xi32>
    %eq3A_1236 = arith.cmpi eq, %and3A_1233, %eq3A_1235 : vector<256x128xi32>
    %select_n3A_1237 = arith.select %eq3A_1236, %concatenate3A_1226, %concatenate3A_1229 : vector<256x128xi1>, vector<256x128xi32>
    %lt3A_1238 = arith.cmpf olt, %select_n3A_1208, %select_n3A_1223 : vector<256x128xf32>
    %eq3A_1239 = arith.cmpf oeq, %select_n3A_1208, %select_n3A_1223 : vector<256x128xf32>
    %lt3A_1240 = arith.cmpi slt, %select_n3A_1209, %select_n3A_1237 : vector<256x128xi32>
    %and3A_1241 = arith.andi %eq3A_1239, %lt3A_1240 : vector<256x128xi1>
    %or3A_1242 = arith.ori %lt3A_1238, %and3A_1241 : vector<256x128xi1>
    %and3A_1243 = arith.constant 128 : i32
    %and3A_1244 = vector.broadcast %and3A_1243 : i32 to vector<256x128xi32>
    %and3A_1245 = arith.andi %iota3A, %and3A_1244 : vector<256x128xi32>
    %eq3A_1246 = arith.constant 0 : i32
    %eq3A_1247 = vector.broadcast %eq3A_1246 : i32 to vector<256x128xi32>
    %eq3A_1248 = arith.cmpi eq, %and3A_1245, %eq3A_1247 : vector<256x128xi32>
    %and3A_1249 = arith.constant 32 : i32
    %and3A_1250 = vector.broadcast %and3A_1249 : i32 to vector<256x128xi32>
    %and3A_1251 = arith.andi %iota3A, %and3A_1250 : vector<256x128xi32>
    %eq3A_1252 = arith.constant 0 : i32
    %eq3A_1253 = vector.broadcast %eq3A_1252 : i32 to vector<256x128xi32>
    %eq3A_1254 = arith.cmpi eq, %and3A_1251, %eq3A_1253 : vector<256x128xi32>
    %eq3A_1255 = arith.xori %eq3A_1248, %eq3A_1254 : vector<256x128xi1>
    %eq3A_1256 = arith.constant dense<true> : vector<256x128xi1>
    %eq3A_1257 = arith.xori %eq3A_1255, %eq3A_1256 : vector<256x128xi1>
    %eq3A_1258 = arith.xori %or3A_1242, %eq3A_1257 : vector<256x128xi1>
    %eq3A_1259 = arith.constant dense<true> : vector<256x128xi1>
    %eq3A_1260 = arith.xori %eq3A_1258, %eq3A_1259 : vector<256x128xi1>
    %select_n3A_1261 = arith.select %eq3A_1260, %select_n3A_1208, %select_n3A_1223 : vector<256x128xi1>, vector<256x128xf32>
    %select_n3A_1262 = arith.select %eq3A_1260, %select_n3A_1209, %select_n3A_1237 : vector<256x128xi1>, vector<256x128xi32>
    %slice3A_1263 = vector.extract_strided_slice %select_n3A_1261 {offsets = [16, 0], sizes = [240, 128], strides = [1, 1]} : vector<256x128xf32> to vector<240x128xf32>
    %slice3A_1264 = vector.extract_strided_slice %select_n3A_1261 {offsets = [0, 0], sizes = [16, 128], strides = [1, 1]} : vector<256x128xf32> to vector<16x128xf32>
    %concatenate3A_1265 = tpu.concatenate %slice3A_1263, %slice3A_1264 in 0 : vector<240x128xf32>, vector<16x128xf32> -> vector<256x128xf32>
    %slice3A_1266 = vector.extract_strided_slice %select_n3A_1261 {offsets = [240, 0], sizes = [16, 128], strides = [1, 1]} : vector<256x128xf32> to vector<16x128xf32>
    %slice3A_1267 = vector.extract_strided_slice %select_n3A_1261 {offsets = [0, 0], sizes = [240, 128], strides = [1, 1]} : vector<256x128xf32> to vector<240x128xf32>
    %concatenate3A_1268 = tpu.concatenate %slice3A_1266, %slice3A_1267 in 0 : vector<16x128xf32>, vector<240x128xf32> -> vector<256x128xf32>
    %iota3A_1269 = tpu.iota {dimensions = array<i32: 0>} : vector<256x128xi32>
    %and3A_1270 = arith.constant 16 : i32
    %and3A_1271 = vector.broadcast %and3A_1270 : i32 to vector<256x128xi32>
    %and3A_1272 = arith.andi %iota3A_1269, %and3A_1271 : vector<256x128xi32>
    %eq3A_1273 = arith.constant 0 : i32
    %eq3A_1274 = vector.broadcast %eq3A_1273 : i32 to vector<256x128xi32>
    %eq3A_1275 = arith.cmpi eq, %and3A_1272, %eq3A_1274 : vector<256x128xi32>
    %select_n3A_1276 = arith.select %eq3A_1275, %concatenate3A_1265, %concatenate3A_1268 : vector<256x128xi1>, vector<256x128xf32>
    %slice3A_1277 = vector.extract_strided_slice %select_n3A_1262 {offsets = [16, 0], sizes = [240, 128], strides = [1, 1]} : vector<256x128xi32> to vector<240x128xi32>
    %slice3A_1278 = vector.extract_strided_slice %select_n3A_1262 {offsets = [0, 0], sizes = [16, 128], strides = [1, 1]} : vector<256x128xi32> to vector<16x128xi32>
    %concatenate3A_1279 = tpu.concatenate %slice3A_1277, %slice3A_1278 in 0 : vector<240x128xi32>, vector<16x128xi32> -> vector<256x128xi32>
    %slice3A_1280 = vector.extract_strided_slice %select_n3A_1262 {offsets = [240, 0], sizes = [16, 128], strides = [1, 1]} : vector<256x128xi32> to vector<16x128xi32>
    %slice3A_1281 = vector.extract_strided_slice %select_n3A_1262 {offsets = [0, 0], sizes = [240, 128], strides = [1, 1]} : vector<256x128xi32> to vector<240x128xi32>
    %concatenate3A_1282 = tpu.concatenate %slice3A_1280, %slice3A_1281 in 0 : vector<16x128xi32>, vector<240x128xi32> -> vector<256x128xi32>
    %iota3A_1283 = tpu.iota {dimensions = array<i32: 0>} : vector<256x128xi32>
    %and3A_1284 = arith.constant 16 : i32
    %and3A_1285 = vector.broadcast %and3A_1284 : i32 to vector<256x128xi32>
    %and3A_1286 = arith.andi %iota3A_1283, %and3A_1285 : vector<256x128xi32>
    %eq3A_1287 = arith.constant 0 : i32
    %eq3A_1288 = vector.broadcast %eq3A_1287 : i32 to vector<256x128xi32>
    %eq3A_1289 = arith.cmpi eq, %and3A_1286, %eq3A_1288 : vector<256x128xi32>
    %select_n3A_1290 = arith.select %eq3A_1289, %concatenate3A_1279, %concatenate3A_1282 : vector<256x128xi1>, vector<256x128xi32>
    %lt3A_1291 = arith.cmpf olt, %select_n3A_1261, %select_n3A_1276 : vector<256x128xf32>
    %eq3A_1292 = arith.cmpf oeq, %select_n3A_1261, %select_n3A_1276 : vector<256x128xf32>
    %lt3A_1293 = arith.cmpi slt, %select_n3A_1262, %select_n3A_1290 : vector<256x128xi32>
    %and3A_1294 = arith.andi %eq3A_1292, %lt3A_1293 : vector<256x128xi1>
    %or3A_1295 = arith.ori %lt3A_1291, %and3A_1294 : vector<256x128xi1>
    %and3A_1296 = arith.constant 128 : i32
    %and3A_1297 = vector.broadcast %and3A_1296 : i32 to vector<256x128xi32>
    %and3A_1298 = arith.andi %iota3A, %and3A_1297 : vector<256x128xi32>
    %eq3A_1299 = arith.constant 0 : i32
    %eq3A_1300 = vector.broadcast %eq3A_1299 : i32 to vector<256x128xi32>
    %eq3A_1301 = arith.cmpi eq, %and3A_1298, %eq3A_1300 : vector<256x128xi32>
    %and3A_1302 = arith.constant 16 : i32
    %and3A_1303 = vector.broadcast %and3A_1302 : i32 to vector<256x128xi32>
    %and3A_1304 = arith.andi %iota3A, %and3A_1303 : vector<256x128xi32>
    %eq3A_1305 = arith.constant 0 : i32
    %eq3A_1306 = vector.broadcast %eq3A_1305 : i32 to vector<256x128xi32>
    %eq3A_1307 = arith.cmpi eq, %and3A_1304, %eq3A_1306 : vector<256x128xi32>
    %eq3A_1308 = arith.xori %eq3A_1301, %eq3A_1307 : vector<256x128xi1>
    %eq3A_1309 = arith.constant dense<true> : vector<256x128xi1>
    %eq3A_1310 = arith.xori %eq3A_1308, %eq3A_1309 : vector<256x128xi1>
    %eq3A_1311 = arith.xori %or3A_1295, %eq3A_1310 : vector<256x128xi1>
    %eq3A_1312 = arith.constant dense<true> : vector<256x128xi1>
    %eq3A_1313 = arith.xori %eq3A_1311, %eq3A_1312 : vector<256x128xi1>
    %select_n3A_1314 = arith.select %eq3A_1313, %select_n3A_1261, %select_n3A_1276 : vector<256x128xi1>, vector<256x128xf32>
    %select_n3A_1315 = arith.select %eq3A_1313, %select_n3A_1262, %select_n3A_1290 : vector<256x128xi1>, vector<256x128xi32>
    %slice3A_1316 = vector.extract_strided_slice %select_n3A_1314 {offsets = [8, 0], sizes = [248, 128], strides = [1, 1]} : vector<256x128xf32> to vector<248x128xf32>
    %slice3A_1317 = vector.extract_strided_slice %select_n3A_1314 {offsets = [0, 0], sizes = [8, 128], strides = [1, 1]} : vector<256x128xf32> to vector<8x128xf32>
    %concatenate3A_1318 = tpu.concatenate %slice3A_1316, %slice3A_1317 in 0 : vector<248x128xf32>, vector<8x128xf32> -> vector<256x128xf32>
    %slice3A_1319 = vector.extract_strided_slice %select_n3A_1314 {offsets = [248, 0], sizes = [8, 128], strides = [1, 1]} : vector<256x128xf32> to vector<8x128xf32>
    %slice3A_1320 = vector.extract_strided_slice %select_n3A_1314 {offsets = [0, 0], sizes = [248, 128], strides = [1, 1]} : vector<256x128xf32> to vector<248x128xf32>
    %concatenate3A_1321 = tpu.concatenate %slice3A_1319, %slice3A_1320 in 0 : vector<8x128xf32>, vector<248x128xf32> -> vector<256x128xf32>
    %iota3A_1322 = tpu.iota {dimensions = array<i32: 0>} : vector<256x128xi32>
    %and3A_1323 = arith.constant 8 : i32
    %and3A_1324 = vector.broadcast %and3A_1323 : i32 to vector<256x128xi32>
    %and3A_1325 = arith.andi %iota3A_1322, %and3A_1324 : vector<256x128xi32>
    %eq3A_1326 = arith.constant 0 : i32
    %eq3A_1327 = vector.broadcast %eq3A_1326 : i32 to vector<256x128xi32>
    %eq3A_1328 = arith.cmpi eq, %and3A_1325, %eq3A_1327 : vector<256x128xi32>
    %select_n3A_1329 = arith.select %eq3A_1328, %concatenate3A_1318, %concatenate3A_1321 : vector<256x128xi1>, vector<256x128xf32>
    %slice3A_1330 = vector.extract_strided_slice %select_n3A_1315 {offsets = [8, 0], sizes = [248, 128], strides = [1, 1]} : vector<256x128xi32> to vector<248x128xi32>
    %slice3A_1331 = vector.extract_strided_slice %select_n3A_1315 {offsets = [0, 0], sizes = [8, 128], strides = [1, 1]} : vector<256x128xi32> to vector<8x128xi32>
    %concatenate3A_1332 = tpu.concatenate %slice3A_1330, %slice3A_1331 in 0 : vector<248x128xi32>, vector<8x128xi32> -> vector<256x128xi32>
    %slice3A_1333 = vector.extract_strided_slice %select_n3A_1315 {offsets = [248, 0], sizes = [8, 128], strides = [1, 1]} : vector<256x128xi32> to vector<8x128xi32>
    %slice3A_1334 = vector.extract_strided_slice %select_n3A_1315 {offsets = [0, 0], sizes = [248, 128], strides = [1, 1]} : vector<256x128xi32> to vector<248x128xi32>
    %concatenate3A_1335 = tpu.concatenate %slice3A_1333, %slice3A_1334 in 0 : vector<8x128xi32>, vector<248x128xi32> -> vector<256x128xi32>
    %iota3A_1336 = tpu.iota {dimensions = array<i32: 0>} : vector<256x128xi32>
    %and3A_1337 = arith.constant 8 : i32
    %and3A_1338 = vector.broadcast %and3A_1337 : i32 to vector<256x128xi32>
    %and3A_1339 = arith.andi %iota3A_1336, %and3A_1338 : vector<256x128xi32>
    %eq3A_1340 = arith.constant 0 : i32
    %eq3A_1341 = vector.broadcast %eq3A_1340 : i32 to vector<256x128xi32>
    %eq3A_1342 = arith.cmpi eq, %and3A_1339, %eq3A_1341 : vector<256x128xi32>
    %select_n3A_1343 = arith.select %eq3A_1342, %concatenate3A_1332, %concatenate3A_1335 : vector<256x128xi1>, vector<256x128xi32>
    %lt3A_1344 = arith.cmpf olt, %select_n3A_1314, %select_n3A_1329 : vector<256x128xf32>
    %eq3A_1345 = arith.cmpf oeq, %select_n3A_1314, %select_n3A_1329 : vector<256x128xf32>
    %lt3A_1346 = arith.cmpi slt, %select_n3A_1315, %select_n3A_1343 : vector<256x128xi32>
    %and3A_1347 = arith.andi %eq3A_1345, %lt3A_1346 : vector<256x128xi1>
    %or3A_1348 = arith.ori %lt3A_1344, %and3A_1347 : vector<256x128xi1>
    %and3A_1349 = arith.constant 128 : i32
    %and3A_1350 = vector.broadcast %and3A_1349 : i32 to vector<256x128xi32>
    %and3A_1351 = arith.andi %iota3A, %and3A_1350 : vector<256x128xi32>
    %eq3A_1352 = arith.constant 0 : i32
    %eq3A_1353 = vector.broadcast %eq3A_1352 : i32 to vector<256x128xi32>
    %eq3A_1354 = arith.cmpi eq, %and3A_1351, %eq3A_1353 : vector<256x128xi32>
    %and3A_1355 = arith.constant 8 : i32
    %and3A_1356 = vector.broadcast %and3A_1355 : i32 to vector<256x128xi32>
    %and3A_1357 = arith.andi %iota3A, %and3A_1356 : vector<256x128xi32>
    %eq3A_1358 = arith.constant 0 : i32
    %eq3A_1359 = vector.broadcast %eq3A_1358 : i32 to vector<256x128xi32>
    %eq3A_1360 = arith.cmpi eq, %and3A_1357, %eq3A_1359 : vector<256x128xi32>
    %eq3A_1361 = arith.xori %eq3A_1354, %eq3A_1360 : vector<256x128xi1>
    %eq3A_1362 = arith.constant dense<true> : vector<256x128xi1>
    %eq3A_1363 = arith.xori %eq3A_1361, %eq3A_1362 : vector<256x128xi1>
    %eq3A_1364 = arith.xori %or3A_1348, %eq3A_1363 : vector<256x128xi1>
    %eq3A_1365 = arith.constant dense<true> : vector<256x128xi1>
    %eq3A_1366 = arith.xori %eq3A_1364, %eq3A_1365 : vector<256x128xi1>
    %select_n3A_1367 = arith.select %eq3A_1366, %select_n3A_1314, %select_n3A_1329 : vector<256x128xi1>, vector<256x128xf32>
    %select_n3A_1368 = arith.select %eq3A_1366, %select_n3A_1315, %select_n3A_1343 : vector<256x128xi1>, vector<256x128xi32>
    %slice3A_1369 = vector.extract_strided_slice %select_n3A_1367 {offsets = [4, 0], sizes = [252, 128], strides = [1, 1]} : vector<256x128xf32> to vector<252x128xf32>
    %slice3A_1370 = vector.extract_strided_slice %select_n3A_1367 {offsets = [0, 0], sizes = [4, 128], strides = [1, 1]} : vector<256x128xf32> to vector<4x128xf32>
    %concatenate3A_1371 = tpu.concatenate %slice3A_1369, %slice3A_1370 in 0 : vector<252x128xf32>, vector<4x128xf32> -> vector<256x128xf32>
    %slice3A_1372 = vector.extract_strided_slice %select_n3A_1367 {offsets = [252, 0], sizes = [4, 128], strides = [1, 1]} : vector<256x128xf32> to vector<4x128xf32>
    %slice3A_1373 = vector.extract_strided_slice %select_n3A_1367 {offsets = [0, 0], sizes = [252, 128], strides = [1, 1]} : vector<256x128xf32> to vector<252x128xf32>
    %concatenate3A_1374 = tpu.concatenate %slice3A_1372, %slice3A_1373 in 0 : vector<4x128xf32>, vector<252x128xf32> -> vector<256x128xf32>
    %iota3A_1375 = tpu.iota {dimensions = array<i32: 0>} : vector<256x128xi32>
    %and3A_1376 = arith.constant 4 : i32
    %and3A_1377 = vector.broadcast %and3A_1376 : i32 to vector<256x128xi32>
    %and3A_1378 = arith.andi %iota3A_1375, %and3A_1377 : vector<256x128xi32>
    %eq3A_1379 = arith.constant 0 : i32
    %eq3A_1380 = vector.broadcast %eq3A_1379 : i32 to vector<256x128xi32>
    %eq3A_1381 = arith.cmpi eq, %and3A_1378, %eq3A_1380 : vector<256x128xi32>
    %select_n3A_1382 = arith.select %eq3A_1381, %concatenate3A_1371, %concatenate3A_1374 : vector<256x128xi1>, vector<256x128xf32>
    %slice3A_1383 = vector.extract_strided_slice %select_n3A_1368 {offsets = [4, 0], sizes = [252, 128], strides = [1, 1]} : vector<256x128xi32> to vector<252x128xi32>
    %slice3A_1384 = vector.extract_strided_slice %select_n3A_1368 {offsets = [0, 0], sizes = [4, 128], strides = [1, 1]} : vector<256x128xi32> to vector<4x128xi32>
    %concatenate3A_1385 = tpu.concatenate %slice3A_1383, %slice3A_1384 in 0 : vector<252x128xi32>, vector<4x128xi32> -> vector<256x128xi32>
    %slice3A_1386 = vector.extract_strided_slice %select_n3A_1368 {offsets = [252, 0], sizes = [4, 128], strides = [1, 1]} : vector<256x128xi32> to vector<4x128xi32>
    %slice3A_1387 = vector.extract_strided_slice %select_n3A_1368 {offsets = [0, 0], sizes = [252, 128], strides = [1, 1]} : vector<256x128xi32> to vector<252x128xi32>
    %concatenate3A_1388 = tpu.concatenate %slice3A_1386, %slice3A_1387 in 0 : vector<4x128xi32>, vector<252x128xi32> -> vector<256x128xi32>
    %iota3A_1389 = tpu.iota {dimensions = array<i32: 0>} : vector<256x128xi32>
    %and3A_1390 = arith.constant 4 : i32
    %and3A_1391 = vector.broadcast %and3A_1390 : i32 to vector<256x128xi32>
    %and3A_1392 = arith.andi %iota3A_1389, %and3A_1391 : vector<256x128xi32>
    %eq3A_1393 = arith.constant 0 : i32
    %eq3A_1394 = vector.broadcast %eq3A_1393 : i32 to vector<256x128xi32>
    %eq3A_1395 = arith.cmpi eq, %and3A_1392, %eq3A_1394 : vector<256x128xi32>
    %select_n3A_1396 = arith.select %eq3A_1395, %concatenate3A_1385, %concatenate3A_1388 : vector<256x128xi1>, vector<256x128xi32>
    %lt3A_1397 = arith.cmpf olt, %select_n3A_1367, %select_n3A_1382 : vector<256x128xf32>
    %eq3A_1398 = arith.cmpf oeq, %select_n3A_1367, %select_n3A_1382 : vector<256x128xf32>
    %lt3A_1399 = arith.cmpi slt, %select_n3A_1368, %select_n3A_1396 : vector<256x128xi32>
    %and3A_1400 = arith.andi %eq3A_1398, %lt3A_1399 : vector<256x128xi1>
    %or3A_1401 = arith.ori %lt3A_1397, %and3A_1400 : vector<256x128xi1>
    %and3A_1402 = arith.constant 128 : i32
    %and3A_1403 = vector.broadcast %and3A_1402 : i32 to vector<256x128xi32>
    %and3A_1404 = arith.andi %iota3A, %and3A_1403 : vector<256x128xi32>
    %eq3A_1405 = arith.constant 0 : i32
    %eq3A_1406 = vector.broadcast %eq3A_1405 : i32 to vector<256x128xi32>
    %eq3A_1407 = arith.cmpi eq, %and3A_1404, %eq3A_1406 : vector<256x128xi32>
    %and3A_1408 = arith.constant 4 : i32
    %and3A_1409 = vector.broadcast %and3A_1408 : i32 to vector<256x128xi32>
    %and3A_1410 = arith.andi %iota3A, %and3A_1409 : vector<256x128xi32>
    %eq3A_1411 = arith.constant 0 : i32
    %eq3A_1412 = vector.broadcast %eq3A_1411 : i32 to vector<256x128xi32>
    %eq3A_1413 = arith.cmpi eq, %and3A_1410, %eq3A_1412 : vector<256x128xi32>
    %eq3A_1414 = arith.xori %eq3A_1407, %eq3A_1413 : vector<256x128xi1>
    %eq3A_1415 = arith.constant dense<true> : vector<256x128xi1>
    %eq3A_1416 = arith.xori %eq3A_1414, %eq3A_1415 : vector<256x128xi1>
    %eq3A_1417 = arith.xori %or3A_1401, %eq3A_1416 : vector<256x128xi1>
    %eq3A_1418 = arith.constant dense<true> : vector<256x128xi1>
    %eq3A_1419 = arith.xori %eq3A_1417, %eq3A_1418 : vector<256x128xi1>
    %select_n3A_1420 = arith.select %eq3A_1419, %select_n3A_1367, %select_n3A_1382 : vector<256x128xi1>, vector<256x128xf32>
    %select_n3A_1421 = arith.select %eq3A_1419, %select_n3A_1368, %select_n3A_1396 : vector<256x128xi1>, vector<256x128xi32>
    %slice3A_1422 = vector.extract_strided_slice %select_n3A_1420 {offsets = [2, 0], sizes = [254, 128], strides = [1, 1]} : vector<256x128xf32> to vector<254x128xf32>
    %slice3A_1423 = vector.extract_strided_slice %select_n3A_1420 {offsets = [0, 0], sizes = [2, 128], strides = [1, 1]} : vector<256x128xf32> to vector<2x128xf32>
    %concatenate3A_1424 = tpu.concatenate %slice3A_1422, %slice3A_1423 in 0 : vector<254x128xf32>, vector<2x128xf32> -> vector<256x128xf32>
    %slice3A_1425 = vector.extract_strided_slice %select_n3A_1420 {offsets = [254, 0], sizes = [2, 128], strides = [1, 1]} : vector<256x128xf32> to vector<2x128xf32>
    %slice3A_1426 = vector.extract_strided_slice %select_n3A_1420 {offsets = [0, 0], sizes = [254, 128], strides = [1, 1]} : vector<256x128xf32> to vector<254x128xf32>
    %concatenate3A_1427 = tpu.concatenate %slice3A_1425, %slice3A_1426 in 0 : vector<2x128xf32>, vector<254x128xf32> -> vector<256x128xf32>
    %iota3A_1428 = tpu.iota {dimensions = array<i32: 0>} : vector<256x128xi32>
    %and3A_1429 = arith.constant 2 : i32
    %and3A_1430 = vector.broadcast %and3A_1429 : i32 to vector<256x128xi32>
    %and3A_1431 = arith.andi %iota3A_1428, %and3A_1430 : vector<256x128xi32>
    %eq3A_1432 = arith.constant 0 : i32
    %eq3A_1433 = vector.broadcast %eq3A_1432 : i32 to vector<256x128xi32>
    %eq3A_1434 = arith.cmpi eq, %and3A_1431, %eq3A_1433 : vector<256x128xi32>
    %select_n3A_1435 = arith.select %eq3A_1434, %concatenate3A_1424, %concatenate3A_1427 : vector<256x128xi1>, vector<256x128xf32>
    %slice3A_1436 = vector.extract_strided_slice %select_n3A_1421 {offsets = [2, 0], sizes = [254, 128], strides = [1, 1]} : vector<256x128xi32> to vector<254x128xi32>
    %slice3A_1437 = vector.extract_strided_slice %select_n3A_1421 {offsets = [0, 0], sizes = [2, 128], strides = [1, 1]} : vector<256x128xi32> to vector<2x128xi32>
    %concatenate3A_1438 = tpu.concatenate %slice3A_1436, %slice3A_1437 in 0 : vector<254x128xi32>, vector<2x128xi32> -> vector<256x128xi32>
    %slice3A_1439 = vector.extract_strided_slice %select_n3A_1421 {offsets = [254, 0], sizes = [2, 128], strides = [1, 1]} : vector<256x128xi32> to vector<2x128xi32>
    %slice3A_1440 = vector.extract_strided_slice %select_n3A_1421 {offsets = [0, 0], sizes = [254, 128], strides = [1, 1]} : vector<256x128xi32> to vector<254x128xi32>
    %concatenate3A_1441 = tpu.concatenate %slice3A_1439, %slice3A_1440 in 0 : vector<2x128xi32>, vector<254x128xi32> -> vector<256x128xi32>
    %iota3A_1442 = tpu.iota {dimensions = array<i32: 0>} : vector<256x128xi32>
    %and3A_1443 = arith.constant 2 : i32
    %and3A_1444 = vector.broadcast %and3A_1443 : i32 to vector<256x128xi32>
    %and3A_1445 = arith.andi %iota3A_1442, %and3A_1444 : vector<256x128xi32>
    %eq3A_1446 = arith.constant 0 : i32
    %eq3A_1447 = vector.broadcast %eq3A_1446 : i32 to vector<256x128xi32>
    %eq3A_1448 = arith.cmpi eq, %and3A_1445, %eq3A_1447 : vector<256x128xi32>
    %select_n3A_1449 = arith.select %eq3A_1448, %concatenate3A_1438, %concatenate3A_1441 : vector<256x128xi1>, vector<256x128xi32>
    %lt3A_1450 = arith.cmpf olt, %select_n3A_1420, %select_n3A_1435 : vector<256x128xf32>
    %eq3A_1451 = arith.cmpf oeq, %select_n3A_1420, %select_n3A_1435 : vector<256x128xf32>
    %lt3A_1452 = arith.cmpi slt, %select_n3A_1421, %select_n3A_1449 : vector<256x128xi32>
    %and3A_1453 = arith.andi %eq3A_1451, %lt3A_1452 : vector<256x128xi1>
    %or3A_1454 = arith.ori %lt3A_1450, %and3A_1453 : vector<256x128xi1>
    %and3A_1455 = arith.constant 128 : i32
    %and3A_1456 = vector.broadcast %and3A_1455 : i32 to vector<256x128xi32>
    %and3A_1457 = arith.andi %iota3A, %and3A_1456 : vector<256x128xi32>
    %eq3A_1458 = arith.constant 0 : i32
    %eq3A_1459 = vector.broadcast %eq3A_1458 : i32 to vector<256x128xi32>
    %eq3A_1460 = arith.cmpi eq, %and3A_1457, %eq3A_1459 : vector<256x128xi32>
    %and3A_1461 = arith.constant 2 : i32
    %and3A_1462 = vector.broadcast %and3A_1461 : i32 to vector<256x128xi32>
    %and3A_1463 = arith.andi %iota3A, %and3A_1462 : vector<256x128xi32>
    %eq3A_1464 = arith.constant 0 : i32
    %eq3A_1465 = vector.broadcast %eq3A_1464 : i32 to vector<256x128xi32>
    %eq3A_1466 = arith.cmpi eq, %and3A_1463, %eq3A_1465 : vector<256x128xi32>
    %eq3A_1467 = arith.xori %eq3A_1460, %eq3A_1466 : vector<256x128xi1>
    %eq3A_1468 = arith.constant dense<true> : vector<256x128xi1>
    %eq3A_1469 = arith.xori %eq3A_1467, %eq3A_1468 : vector<256x128xi1>
    %eq3A_1470 = arith.xori %or3A_1454, %eq3A_1469 : vector<256x128xi1>
    %eq3A_1471 = arith.constant dense<true> : vector<256x128xi1>
    %eq3A_1472 = arith.xori %eq3A_1470, %eq3A_1471 : vector<256x128xi1>
    %select_n3A_1473 = arith.select %eq3A_1472, %select_n3A_1420, %select_n3A_1435 : vector<256x128xi1>, vector<256x128xf32>
    %select_n3A_1474 = arith.select %eq3A_1472, %select_n3A_1421, %select_n3A_1449 : vector<256x128xi1>, vector<256x128xi32>
    %slice3A_1475 = vector.extract_strided_slice %select_n3A_1473 {offsets = [1, 0], sizes = [255, 128], strides = [1, 1]} : vector<256x128xf32> to vector<255x128xf32>
    %slice3A_1476 = vector.extract_strided_slice %select_n3A_1473 {offsets = [0, 0], sizes = [1, 128], strides = [1, 1]} : vector<256x128xf32> to vector<1x128xf32>
    %concatenate3A_1477 = tpu.concatenate %slice3A_1475, %slice3A_1476 in 0 : vector<255x128xf32>, vector<1x128xf32> -> vector<256x128xf32>
    %slice3A_1478 = vector.extract_strided_slice %select_n3A_1473 {offsets = [255, 0], sizes = [1, 128], strides = [1, 1]} : vector<256x128xf32> to vector<1x128xf32>
    %slice3A_1479 = vector.extract_strided_slice %select_n3A_1473 {offsets = [0, 0], sizes = [255, 128], strides = [1, 1]} : vector<256x128xf32> to vector<255x128xf32>
    %concatenate3A_1480 = tpu.concatenate %slice3A_1478, %slice3A_1479 in 0 : vector<1x128xf32>, vector<255x128xf32> -> vector<256x128xf32>
    %iota3A_1481 = tpu.iota {dimensions = array<i32: 0>} : vector<256x128xi32>
    %and3A_1482 = arith.constant 1 : i32
    %and3A_1483 = vector.broadcast %and3A_1482 : i32 to vector<256x128xi32>
    %and3A_1484 = arith.andi %iota3A_1481, %and3A_1483 : vector<256x128xi32>
    %eq3A_1485 = arith.constant 0 : i32
    %eq3A_1486 = vector.broadcast %eq3A_1485 : i32 to vector<256x128xi32>
    %eq3A_1487 = arith.cmpi eq, %and3A_1484, %eq3A_1486 : vector<256x128xi32>
    %select_n3A_1488 = arith.select %eq3A_1487, %concatenate3A_1477, %concatenate3A_1480 : vector<256x128xi1>, vector<256x128xf32>
    %slice3A_1489 = vector.extract_strided_slice %select_n3A_1474 {offsets = [1, 0], sizes = [255, 128], strides = [1, 1]} : vector<256x128xi32> to vector<255x128xi32>
    %slice3A_1490 = vector.extract_strided_slice %select_n3A_1474 {offsets = [0, 0], sizes = [1, 128], strides = [1, 1]} : vector<256x128xi32> to vector<1x128xi32>
    %concatenate3A_1491 = tpu.concatenate %slice3A_1489, %slice3A_1490 in 0 : vector<255x128xi32>, vector<1x128xi32> -> vector<256x128xi32>
    %slice3A_1492 = vector.extract_strided_slice %select_n3A_1474 {offsets = [255, 0], sizes = [1, 128], strides = [1, 1]} : vector<256x128xi32> to vector<1x128xi32>
    %slice3A_1493 = vector.extract_strided_slice %select_n3A_1474 {offsets = [0, 0], sizes = [255, 128], strides = [1, 1]} : vector<256x128xi32> to vector<255x128xi32>
    %concatenate3A_1494 = tpu.concatenate %slice3A_1492, %slice3A_1493 in 0 : vector<1x128xi32>, vector<255x128xi32> -> vector<256x128xi32>
    %iota3A_1495 = tpu.iota {dimensions = array<i32: 0>} : vector<256x128xi32>
    %and3A_1496 = arith.constant 1 : i32
    %and3A_1497 = vector.broadcast %and3A_1496 : i32 to vector<256x128xi32>
    %and3A_1498 = arith.andi %iota3A_1495, %and3A_1497 : vector<256x128xi32>
    %eq3A_1499 = arith.constant 0 : i32
    %eq3A_1500 = vector.broadcast %eq3A_1499 : i32 to vector<256x128xi32>
    %eq3A_1501 = arith.cmpi eq, %and3A_1498, %eq3A_1500 : vector<256x128xi32>
    %select_n3A_1502 = arith.select %eq3A_1501, %concatenate3A_1491, %concatenate3A_1494 : vector<256x128xi1>, vector<256x128xi32>
    %lt3A_1503 = arith.cmpf olt, %select_n3A_1473, %select_n3A_1488 : vector<256x128xf32>
    %eq3A_1504 = arith.cmpf oeq, %select_n3A_1473, %select_n3A_1488 : vector<256x128xf32>
    %lt3A_1505 = arith.cmpi slt, %select_n3A_1474, %select_n3A_1502 : vector<256x128xi32>
    %and3A_1506 = arith.andi %eq3A_1504, %lt3A_1505 : vector<256x128xi1>
    %or3A_1507 = arith.ori %lt3A_1503, %and3A_1506 : vector<256x128xi1>
    %and3A_1508 = arith.constant 128 : i32
    %and3A_1509 = vector.broadcast %and3A_1508 : i32 to vector<256x128xi32>
    %and3A_1510 = arith.andi %iota3A, %and3A_1509 : vector<256x128xi32>
    %eq3A_1511 = arith.constant 0 : i32
    %eq3A_1512 = vector.broadcast %eq3A_1511 : i32 to vector<256x128xi32>
    %eq3A_1513 = arith.cmpi eq, %and3A_1510, %eq3A_1512 : vector<256x128xi32>
    %and3A_1514 = arith.constant 1 : i32
    %and3A_1515 = vector.broadcast %and3A_1514 : i32 to vector<256x128xi32>
    %and3A_1516 = arith.andi %iota3A, %and3A_1515 : vector<256x128xi32>
    %eq3A_1517 = arith.constant 0 : i32
    %eq3A_1518 = vector.broadcast %eq3A_1517 : i32 to vector<256x128xi32>
    %eq3A_1519 = arith.cmpi eq, %and3A_1516, %eq3A_1518 : vector<256x128xi32>
    %eq3A_1520 = arith.xori %eq3A_1513, %eq3A_1519 : vector<256x128xi1>
    %eq3A_1521 = arith.constant dense<true> : vector<256x128xi1>
    %eq3A_1522 = arith.xori %eq3A_1520, %eq3A_1521 : vector<256x128xi1>
    %eq3A_1523 = arith.xori %or3A_1507, %eq3A_1522 : vector<256x128xi1>
    %eq3A_1524 = arith.constant dense<true> : vector<256x128xi1>
    %eq3A_1525 = arith.xori %eq3A_1523, %eq3A_1524 : vector<256x128xi1>
    %select_n3A_1526 = arith.select %eq3A_1525, %select_n3A_1473, %select_n3A_1488 : vector<256x128xi1>, vector<256x128xf32>
    %select_n3A_1527 = arith.select %eq3A_1525, %select_n3A_1474, %select_n3A_1502 : vector<256x128xi1>, vector<256x128xi32>
    %slice3A_1528 = vector.extract_strided_slice %select_n3A_1526 {offsets = [128, 0], sizes = [128, 128], strides = [1, 1]} : vector<256x128xf32> to vector<128x128xf32>
    %slice3A_1529 = vector.extract_strided_slice %select_n3A_1526 {offsets = [0, 0], sizes = [128, 128], strides = [1, 1]} : vector<256x128xf32> to vector<128x128xf32>
    %concatenate3A_1530 = tpu.concatenate %slice3A_1528, %slice3A_1529 in 0 : vector<128x128xf32>, vector<128x128xf32> -> vector<256x128xf32>
    %slice3A_1531 = vector.extract_strided_slice %select_n3A_1526 {offsets = [128, 0], sizes = [128, 128], strides = [1, 1]} : vector<256x128xf32> to vector<128x128xf32>
    %slice3A_1532 = vector.extract_strided_slice %select_n3A_1526 {offsets = [0, 0], sizes = [128, 128], strides = [1, 1]} : vector<256x128xf32> to vector<128x128xf32>
    %concatenate3A_1533 = tpu.concatenate %slice3A_1531, %slice3A_1532 in 0 : vector<128x128xf32>, vector<128x128xf32> -> vector<256x128xf32>
    %iota3A_1534 = tpu.iota {dimensions = array<i32: 0>} : vector<256x128xi32>
    %and3A_1535 = arith.constant 128 : i32
    %and3A_1536 = vector.broadcast %and3A_1535 : i32 to vector<256x128xi32>
    %and3A_1537 = arith.andi %iota3A_1534, %and3A_1536 : vector<256x128xi32>
    %eq3A_1538 = arith.constant 0 : i32
    %eq3A_1539 = vector.broadcast %eq3A_1538 : i32 to vector<256x128xi32>
    %eq3A_1540 = arith.cmpi eq, %and3A_1537, %eq3A_1539 : vector<256x128xi32>
    %select_n3A_1541 = arith.select %eq3A_1540, %concatenate3A_1530, %concatenate3A_1533 : vector<256x128xi1>, vector<256x128xf32>
    %slice3A_1542 = vector.extract_strided_slice %select_n3A_1527 {offsets = [128, 0], sizes = [128, 128], strides = [1, 1]} : vector<256x128xi32> to vector<128x128xi32>
    %slice3A_1543 = vector.extract_strided_slice %select_n3A_1527 {offsets = [0, 0], sizes = [128, 128], strides = [1, 1]} : vector<256x128xi32> to vector<128x128xi32>
    %concatenate3A_1544 = tpu.concatenate %slice3A_1542, %slice3A_1543 in 0 : vector<128x128xi32>, vector<128x128xi32> -> vector<256x128xi32>
    %slice3A_1545 = vector.extract_strided_slice %select_n3A_1527 {offsets = [128, 0], sizes = [128, 128], strides = [1, 1]} : vector<256x128xi32> to vector<128x128xi32>
    %slice3A_1546 = vector.extract_strided_slice %select_n3A_1527 {offsets = [0, 0], sizes = [128, 128], strides = [1, 1]} : vector<256x128xi32> to vector<128x128xi32>
    %concatenate3A_1547 = tpu.concatenate %slice3A_1545, %slice3A_1546 in 0 : vector<128x128xi32>, vector<128x128xi32> -> vector<256x128xi32>
    %iota3A_1548 = tpu.iota {dimensions = array<i32: 0>} : vector<256x128xi32>
    %and3A_1549 = arith.constant 128 : i32
    %and3A_1550 = vector.broadcast %and3A_1549 : i32 to vector<256x128xi32>
    %and3A_1551 = arith.andi %iota3A_1548, %and3A_1550 : vector<256x128xi32>
    %eq3A_1552 = arith.constant 0 : i32
    %eq3A_1553 = vector.broadcast %eq3A_1552 : i32 to vector<256x128xi32>
    %eq3A_1554 = arith.cmpi eq, %and3A_1551, %eq3A_1553 : vector<256x128xi32>
    %select_n3A_1555 = arith.select %eq3A_1554, %concatenate3A_1544, %concatenate3A_1547 : vector<256x128xi1>, vector<256x128xi32>
    %lt3A_1556 = arith.cmpf olt, %select_n3A_1526, %select_n3A_1541 : vector<256x128xf32>
    %eq3A_1557 = arith.cmpf oeq, %select_n3A_1526, %select_n3A_1541 : vector<256x128xf32>
    %lt3A_1558 = arith.cmpi slt, %select_n3A_1527, %select_n3A_1555 : vector<256x128xi32>
    %and3A_1559 = arith.andi %eq3A_1557, %lt3A_1558 : vector<256x128xi1>
    %or3A_1560 = arith.ori %lt3A_1556, %and3A_1559 : vector<256x128xi1>
    %and3A_1561 = arith.constant 256 : i32
    %and3A_1562 = vector.broadcast %and3A_1561 : i32 to vector<256x128xi32>
    %and3A_1563 = arith.andi %iota3A, %and3A_1562 : vector<256x128xi32>
    %eq3A_1564 = arith.constant 0 : i32
    %eq3A_1565 = vector.broadcast %eq3A_1564 : i32 to vector<256x128xi32>
    %eq3A_1566 = arith.cmpi eq, %and3A_1563, %eq3A_1565 : vector<256x128xi32>
    %and3A_1567 = arith.constant 128 : i32
    %and3A_1568 = vector.broadcast %and3A_1567 : i32 to vector<256x128xi32>
    %and3A_1569 = arith.andi %iota3A, %and3A_1568 : vector<256x128xi32>
    %eq3A_1570 = arith.constant 0 : i32
    %eq3A_1571 = vector.broadcast %eq3A_1570 : i32 to vector<256x128xi32>
    %eq3A_1572 = arith.cmpi eq, %and3A_1569, %eq3A_1571 : vector<256x128xi32>
    %eq3A_1573 = arith.xori %eq3A_1566, %eq3A_1572 : vector<256x128xi1>
    %eq3A_1574 = arith.constant dense<true> : vector<256x128xi1>
    %eq3A_1575 = arith.xori %eq3A_1573, %eq3A_1574 : vector<256x128xi1>
    %eq3A_1576 = arith.xori %or3A_1560, %eq3A_1575 : vector<256x128xi1>
    %eq3A_1577 = arith.constant dense<true> : vector<256x128xi1>
    %eq3A_1578 = arith.xori %eq3A_1576, %eq3A_1577 : vector<256x128xi1>
    %select_n3A_1579 = arith.select %eq3A_1578, %select_n3A_1526, %select_n3A_1541 : vector<256x128xi1>, vector<256x128xf32>
    %select_n3A_1580 = arith.select %eq3A_1578, %select_n3A_1527, %select_n3A_1555 : vector<256x128xi1>, vector<256x128xi32>
    %slice3A_1581 = vector.extract_strided_slice %select_n3A_1579 {offsets = [64, 0], sizes = [192, 128], strides = [1, 1]} : vector<256x128xf32> to vector<192x128xf32>
    %slice3A_1582 = vector.extract_strided_slice %select_n3A_1579 {offsets = [0, 0], sizes = [64, 128], strides = [1, 1]} : vector<256x128xf32> to vector<64x128xf32>
    %concatenate3A_1583 = tpu.concatenate %slice3A_1581, %slice3A_1582 in 0 : vector<192x128xf32>, vector<64x128xf32> -> vector<256x128xf32>
    %slice3A_1584 = vector.extract_strided_slice %select_n3A_1579 {offsets = [192, 0], sizes = [64, 128], strides = [1, 1]} : vector<256x128xf32> to vector<64x128xf32>
    %slice3A_1585 = vector.extract_strided_slice %select_n3A_1579 {offsets = [0, 0], sizes = [192, 128], strides = [1, 1]} : vector<256x128xf32> to vector<192x128xf32>
    %concatenate3A_1586 = tpu.concatenate %slice3A_1584, %slice3A_1585 in 0 : vector<64x128xf32>, vector<192x128xf32> -> vector<256x128xf32>
    %iota3A_1587 = tpu.iota {dimensions = array<i32: 0>} : vector<256x128xi32>
    %and3A_1588 = arith.constant 64 : i32
    %and3A_1589 = vector.broadcast %and3A_1588 : i32 to vector<256x128xi32>
    %and3A_1590 = arith.andi %iota3A_1587, %and3A_1589 : vector<256x128xi32>
    %eq3A_1591 = arith.constant 0 : i32
    %eq3A_1592 = vector.broadcast %eq3A_1591 : i32 to vector<256x128xi32>
    %eq3A_1593 = arith.cmpi eq, %and3A_1590, %eq3A_1592 : vector<256x128xi32>
    %select_n3A_1594 = arith.select %eq3A_1593, %concatenate3A_1583, %concatenate3A_1586 : vector<256x128xi1>, vector<256x128xf32>
    %slice3A_1595 = vector.extract_strided_slice %select_n3A_1580 {offsets = [64, 0], sizes = [192, 128], strides = [1, 1]} : vector<256x128xi32> to vector<192x128xi32>
    %slice3A_1596 = vector.extract_strided_slice %select_n3A_1580 {offsets = [0, 0], sizes = [64, 128], strides = [1, 1]} : vector<256x128xi32> to vector<64x128xi32>
    %concatenate3A_1597 = tpu.concatenate %slice3A_1595, %slice3A_1596 in 0 : vector<192x128xi32>, vector<64x128xi32> -> vector<256x128xi32>
    %slice3A_1598 = vector.extract_strided_slice %select_n3A_1580 {offsets = [192, 0], sizes = [64, 128], strides = [1, 1]} : vector<256x128xi32> to vector<64x128xi32>
    %slice3A_1599 = vector.extract_strided_slice %select_n3A_1580 {offsets = [0, 0], sizes = [192, 128], strides = [1, 1]} : vector<256x128xi32> to vector<192x128xi32>
    %concatenate3A_1600 = tpu.concatenate %slice3A_1598, %slice3A_1599 in 0 : vector<64x128xi32>, vector<192x128xi32> -> vector<256x128xi32>
    %iota3A_1601 = tpu.iota {dimensions = array<i32: 0>} : vector<256x128xi32>
    %and3A_1602 = arith.constant 64 : i32
    %and3A_1603 = vector.broadcast %and3A_1602 : i32 to vector<256x128xi32>
    %and3A_1604 = arith.andi %iota3A_1601, %and3A_1603 : vector<256x128xi32>
    %eq3A_1605 = arith.constant 0 : i32
    %eq3A_1606 = vector.broadcast %eq3A_1605 : i32 to vector<256x128xi32>
    %eq3A_1607 = arith.cmpi eq, %and3A_1604, %eq3A_1606 : vector<256x128xi32>
    %select_n3A_1608 = arith.select %eq3A_1607, %concatenate3A_1597, %concatenate3A_1600 : vector<256x128xi1>, vector<256x128xi32>
    %lt3A_1609 = arith.cmpf olt, %select_n3A_1579, %select_n3A_1594 : vector<256x128xf32>
    %eq3A_1610 = arith.cmpf oeq, %select_n3A_1579, %select_n3A_1594 : vector<256x128xf32>
    %lt3A_1611 = arith.cmpi slt, %select_n3A_1580, %select_n3A_1608 : vector<256x128xi32>
    %and3A_1612 = arith.andi %eq3A_1610, %lt3A_1611 : vector<256x128xi1>
    %or3A_1613 = arith.ori %lt3A_1609, %and3A_1612 : vector<256x128xi1>
    %and3A_1614 = arith.constant 256 : i32
    %and3A_1615 = vector.broadcast %and3A_1614 : i32 to vector<256x128xi32>
    %and3A_1616 = arith.andi %iota3A, %and3A_1615 : vector<256x128xi32>
    %eq3A_1617 = arith.constant 0 : i32
    %eq3A_1618 = vector.broadcast %eq3A_1617 : i32 to vector<256x128xi32>
    %eq3A_1619 = arith.cmpi eq, %and3A_1616, %eq3A_1618 : vector<256x128xi32>
    %and3A_1620 = arith.constant 64 : i32
    %and3A_1621 = vector.broadcast %and3A_1620 : i32 to vector<256x128xi32>
    %and3A_1622 = arith.andi %iota3A, %and3A_1621 : vector<256x128xi32>
    %eq3A_1623 = arith.constant 0 : i32
    %eq3A_1624 = vector.broadcast %eq3A_1623 : i32 to vector<256x128xi32>
    %eq3A_1625 = arith.cmpi eq, %and3A_1622, %eq3A_1624 : vector<256x128xi32>
    %eq3A_1626 = arith.xori %eq3A_1619, %eq3A_1625 : vector<256x128xi1>
    %eq3A_1627 = arith.constant dense<true> : vector<256x128xi1>
    %eq3A_1628 = arith.xori %eq3A_1626, %eq3A_1627 : vector<256x128xi1>
    %eq3A_1629 = arith.xori %or3A_1613, %eq3A_1628 : vector<256x128xi1>
    %eq3A_1630 = arith.constant dense<true> : vector<256x128xi1>
    %eq3A_1631 = arith.xori %eq3A_1629, %eq3A_1630 : vector<256x128xi1>
    %select_n3A_1632 = arith.select %eq3A_1631, %select_n3A_1579, %select_n3A_1594 : vector<256x128xi1>, vector<256x128xf32>
    %select_n3A_1633 = arith.select %eq3A_1631, %select_n3A_1580, %select_n3A_1608 : vector<256x128xi1>, vector<256x128xi32>
    %slice3A_1634 = vector.extract_strided_slice %select_n3A_1632 {offsets = [32, 0], sizes = [224, 128], strides = [1, 1]} : vector<256x128xf32> to vector<224x128xf32>
    %slice3A_1635 = vector.extract_strided_slice %select_n3A_1632 {offsets = [0, 0], sizes = [32, 128], strides = [1, 1]} : vector<256x128xf32> to vector<32x128xf32>
    %concatenate3A_1636 = tpu.concatenate %slice3A_1634, %slice3A_1635 in 0 : vector<224x128xf32>, vector<32x128xf32> -> vector<256x128xf32>
    %slice3A_1637 = vector.extract_strided_slice %select_n3A_1632 {offsets = [224, 0], sizes = [32, 128], strides = [1, 1]} : vector<256x128xf32> to vector<32x128xf32>
    %slice3A_1638 = vector.extract_strided_slice %select_n3A_1632 {offsets = [0, 0], sizes = [224, 128], strides = [1, 1]} : vector<256x128xf32> to vector<224x128xf32>
    %concatenate3A_1639 = tpu.concatenate %slice3A_1637, %slice3A_1638 in 0 : vector<32x128xf32>, vector<224x128xf32> -> vector<256x128xf32>
    %iota3A_1640 = tpu.iota {dimensions = array<i32: 0>} : vector<256x128xi32>
    %and3A_1641 = arith.constant 32 : i32
    %and3A_1642 = vector.broadcast %and3A_1641 : i32 to vector<256x128xi32>
    %and3A_1643 = arith.andi %iota3A_1640, %and3A_1642 : vector<256x128xi32>
    %eq3A_1644 = arith.constant 0 : i32
    %eq3A_1645 = vector.broadcast %eq3A_1644 : i32 to vector<256x128xi32>
    %eq3A_1646 = arith.cmpi eq, %and3A_1643, %eq3A_1645 : vector<256x128xi32>
    %select_n3A_1647 = arith.select %eq3A_1646, %concatenate3A_1636, %concatenate3A_1639 : vector<256x128xi1>, vector<256x128xf32>
    %slice3A_1648 = vector.extract_strided_slice %select_n3A_1633 {offsets = [32, 0], sizes = [224, 128], strides = [1, 1]} : vector<256x128xi32> to vector<224x128xi32>
    %slice3A_1649 = vector.extract_strided_slice %select_n3A_1633 {offsets = [0, 0], sizes = [32, 128], strides = [1, 1]} : vector<256x128xi32> to vector<32x128xi32>
    %concatenate3A_1650 = tpu.concatenate %slice3A_1648, %slice3A_1649 in 0 : vector<224x128xi32>, vector<32x128xi32> -> vector<256x128xi32>
    %slice3A_1651 = vector.extract_strided_slice %select_n3A_1633 {offsets = [224, 0], sizes = [32, 128], strides = [1, 1]} : vector<256x128xi32> to vector<32x128xi32>
    %slice3A_1652 = vector.extract_strided_slice %select_n3A_1633 {offsets = [0, 0], sizes = [224, 128], strides = [1, 1]} : vector<256x128xi32> to vector<224x128xi32>
    %concatenate3A_1653 = tpu.concatenate %slice3A_1651, %slice3A_1652 in 0 : vector<32x128xi32>, vector<224x128xi32> -> vector<256x128xi32>
    %iota3A_1654 = tpu.iota {dimensions = array<i32: 0>} : vector<256x128xi32>
    %and3A_1655 = arith.constant 32 : i32
    %and3A_1656 = vector.broadcast %and3A_1655 : i32 to vector<256x128xi32>
    %and3A_1657 = arith.andi %iota3A_1654, %and3A_1656 : vector<256x128xi32>
    %eq3A_1658 = arith.constant 0 : i32
    %eq3A_1659 = vector.broadcast %eq3A_1658 : i32 to vector<256x128xi32>
    %eq3A_1660 = arith.cmpi eq, %and3A_1657, %eq3A_1659 : vector<256x128xi32>
    %select_n3A_1661 = arith.select %eq3A_1660, %concatenate3A_1650, %concatenate3A_1653 : vector<256x128xi1>, vector<256x128xi32>
    %lt3A_1662 = arith.cmpf olt, %select_n3A_1632, %select_n3A_1647 : vector<256x128xf32>
    %eq3A_1663 = arith.cmpf oeq, %select_n3A_1632, %select_n3A_1647 : vector<256x128xf32>
    %lt3A_1664 = arith.cmpi slt, %select_n3A_1633, %select_n3A_1661 : vector<256x128xi32>
    %and3A_1665 = arith.andi %eq3A_1663, %lt3A_1664 : vector<256x128xi1>
    %or3A_1666 = arith.ori %lt3A_1662, %and3A_1665 : vector<256x128xi1>
    %and3A_1667 = arith.constant 256 : i32
    %and3A_1668 = vector.broadcast %and3A_1667 : i32 to vector<256x128xi32>
    %and3A_1669 = arith.andi %iota3A, %and3A_1668 : vector<256x128xi32>
    %eq3A_1670 = arith.constant 0 : i32
    %eq3A_1671 = vector.broadcast %eq3A_1670 : i32 to vector<256x128xi32>
    %eq3A_1672 = arith.cmpi eq, %and3A_1669, %eq3A_1671 : vector<256x128xi32>
    %and3A_1673 = arith.constant 32 : i32
    %and3A_1674 = vector.broadcast %and3A_1673 : i32 to vector<256x128xi32>
    %and3A_1675 = arith.andi %iota3A, %and3A_1674 : vector<256x128xi32>
    %eq3A_1676 = arith.constant 0 : i32
    %eq3A_1677 = vector.broadcast %eq3A_1676 : i32 to vector<256x128xi32>
    %eq3A_1678 = arith.cmpi eq, %and3A_1675, %eq3A_1677 : vector<256x128xi32>
    %eq3A_1679 = arith.xori %eq3A_1672, %eq3A_1678 : vector<256x128xi1>
    %eq3A_1680 = arith.constant dense<true> : vector<256x128xi1>
    %eq3A_1681 = arith.xori %eq3A_1679, %eq3A_1680 : vector<256x128xi1>
    %eq3A_1682 = arith.xori %or3A_1666, %eq3A_1681 : vector<256x128xi1>
    %eq3A_1683 = arith.constant dense<true> : vector<256x128xi1>
    %eq3A_1684 = arith.xori %eq3A_1682, %eq3A_1683 : vector<256x128xi1>
    %select_n3A_1685 = arith.select %eq3A_1684, %select_n3A_1632, %select_n3A_1647 : vector<256x128xi1>, vector<256x128xf32>
    %select_n3A_1686 = arith.select %eq3A_1684, %select_n3A_1633, %select_n3A_1661 : vector<256x128xi1>, vector<256x128xi32>
    %slice3A_1687 = vector.extract_strided_slice %select_n3A_1685 {offsets = [16, 0], sizes = [240, 128], strides = [1, 1]} : vector<256x128xf32> to vector<240x128xf32>
    %slice3A_1688 = vector.extract_strided_slice %select_n3A_1685 {offsets = [0, 0], sizes = [16, 128], strides = [1, 1]} : vector<256x128xf32> to vector<16x128xf32>
    %concatenate3A_1689 = tpu.concatenate %slice3A_1687, %slice3A_1688 in 0 : vector<240x128xf32>, vector<16x128xf32> -> vector<256x128xf32>
    %slice3A_1690 = vector.extract_strided_slice %select_n3A_1685 {offsets = [240, 0], sizes = [16, 128], strides = [1, 1]} : vector<256x128xf32> to vector<16x128xf32>
    %slice3A_1691 = vector.extract_strided_slice %select_n3A_1685 {offsets = [0, 0], sizes = [240, 128], strides = [1, 1]} : vector<256x128xf32> to vector<240x128xf32>
    %concatenate3A_1692 = tpu.concatenate %slice3A_1690, %slice3A_1691 in 0 : vector<16x128xf32>, vector<240x128xf32> -> vector<256x128xf32>
    %iota3A_1693 = tpu.iota {dimensions = array<i32: 0>} : vector<256x128xi32>
    %and3A_1694 = arith.constant 16 : i32
    %and3A_1695 = vector.broadcast %and3A_1694 : i32 to vector<256x128xi32>
    %and3A_1696 = arith.andi %iota3A_1693, %and3A_1695 : vector<256x128xi32>
    %eq3A_1697 = arith.constant 0 : i32
    %eq3A_1698 = vector.broadcast %eq3A_1697 : i32 to vector<256x128xi32>
    %eq3A_1699 = arith.cmpi eq, %and3A_1696, %eq3A_1698 : vector<256x128xi32>
    %select_n3A_1700 = arith.select %eq3A_1699, %concatenate3A_1689, %concatenate3A_1692 : vector<256x128xi1>, vector<256x128xf32>
    %slice3A_1701 = vector.extract_strided_slice %select_n3A_1686 {offsets = [16, 0], sizes = [240, 128], strides = [1, 1]} : vector<256x128xi32> to vector<240x128xi32>
    %slice3A_1702 = vector.extract_strided_slice %select_n3A_1686 {offsets = [0, 0], sizes = [16, 128], strides = [1, 1]} : vector<256x128xi32> to vector<16x128xi32>
    %concatenate3A_1703 = tpu.concatenate %slice3A_1701, %slice3A_1702 in 0 : vector<240x128xi32>, vector<16x128xi32> -> vector<256x128xi32>
    %slice3A_1704 = vector.extract_strided_slice %select_n3A_1686 {offsets = [240, 0], sizes = [16, 128], strides = [1, 1]} : vector<256x128xi32> to vector<16x128xi32>
    %slice3A_1705 = vector.extract_strided_slice %select_n3A_1686 {offsets = [0, 0], sizes = [240, 128], strides = [1, 1]} : vector<256x128xi32> to vector<240x128xi32>
    %concatenate3A_1706 = tpu.concatenate %slice3A_1704, %slice3A_1705 in 0 : vector<16x128xi32>, vector<240x128xi32> -> vector<256x128xi32>
    %iota3A_1707 = tpu.iota {dimensions = array<i32: 0>} : vector<256x128xi32>
    %and3A_1708 = arith.constant 16 : i32
    %and3A_1709 = vector.broadcast %and3A_1708 : i32 to vector<256x128xi32>
    %and3A_1710 = arith.andi %iota3A_1707, %and3A_1709 : vector<256x128xi32>
    %eq3A_1711 = arith.constant 0 : i32
    %eq3A_1712 = vector.broadcast %eq3A_1711 : i32 to vector<256x128xi32>
    %eq3A_1713 = arith.cmpi eq, %and3A_1710, %eq3A_1712 : vector<256x128xi32>
    %select_n3A_1714 = arith.select %eq3A_1713, %concatenate3A_1703, %concatenate3A_1706 : vector<256x128xi1>, vector<256x128xi32>
    %lt3A_1715 = arith.cmpf olt, %select_n3A_1685, %select_n3A_1700 : vector<256x128xf32>
    %eq3A_1716 = arith.cmpf oeq, %select_n3A_1685, %select_n3A_1700 : vector<256x128xf32>
    %lt3A_1717 = arith.cmpi slt, %select_n3A_1686, %select_n3A_1714 : vector<256x128xi32>
    %and3A_1718 = arith.andi %eq3A_1716, %lt3A_1717 : vector<256x128xi1>
    %or3A_1719 = arith.ori %lt3A_1715, %and3A_1718 : vector<256x128xi1>
    %and3A_1720 = arith.constant 256 : i32
    %and3A_1721 = vector.broadcast %and3A_1720 : i32 to vector<256x128xi32>
    %and3A_1722 = arith.andi %iota3A, %and3A_1721 : vector<256x128xi32>
    %eq3A_1723 = arith.constant 0 : i32
    %eq3A_1724 = vector.broadcast %eq3A_1723 : i32 to vector<256x128xi32>
    %eq3A_1725 = arith.cmpi eq, %and3A_1722, %eq3A_1724 : vector<256x128xi32>
    %and3A_1726 = arith.constant 16 : i32
    %and3A_1727 = vector.broadcast %and3A_1726 : i32 to vector<256x128xi32>
    %and3A_1728 = arith.andi %iota3A, %and3A_1727 : vector<256x128xi32>
    %eq3A_1729 = arith.constant 0 : i32
    %eq3A_1730 = vector.broadcast %eq3A_1729 : i32 to vector<256x128xi32>
    %eq3A_1731 = arith.cmpi eq, %and3A_1728, %eq3A_1730 : vector<256x128xi32>
    %eq3A_1732 = arith.xori %eq3A_1725, %eq3A_1731 : vector<256x128xi1>
    %eq3A_1733 = arith.constant dense<true> : vector<256x128xi1>
    %eq3A_1734 = arith.xori %eq3A_1732, %eq3A_1733 : vector<256x128xi1>
    %eq3A_1735 = arith.xori %or3A_1719, %eq3A_1734 : vector<256x128xi1>
    %eq3A_1736 = arith.constant dense<true> : vector<256x128xi1>
    %eq3A_1737 = arith.xori %eq3A_1735, %eq3A_1736 : vector<256x128xi1>
    %select_n3A_1738 = arith.select %eq3A_1737, %select_n3A_1685, %select_n3A_1700 : vector<256x128xi1>, vector<256x128xf32>
    %select_n3A_1739 = arith.select %eq3A_1737, %select_n3A_1686, %select_n3A_1714 : vector<256x128xi1>, vector<256x128xi32>
    %slice3A_1740 = vector.extract_strided_slice %select_n3A_1738 {offsets = [8, 0], sizes = [248, 128], strides = [1, 1]} : vector<256x128xf32> to vector<248x128xf32>
    %slice3A_1741 = vector.extract_strided_slice %select_n3A_1738 {offsets = [0, 0], sizes = [8, 128], strides = [1, 1]} : vector<256x128xf32> to vector<8x128xf32>
    %concatenate3A_1742 = tpu.concatenate %slice3A_1740, %slice3A_1741 in 0 : vector<248x128xf32>, vector<8x128xf32> -> vector<256x128xf32>
    %slice3A_1743 = vector.extract_strided_slice %select_n3A_1738 {offsets = [248, 0], sizes = [8, 128], strides = [1, 1]} : vector<256x128xf32> to vector<8x128xf32>
    %slice3A_1744 = vector.extract_strided_slice %select_n3A_1738 {offsets = [0, 0], sizes = [248, 128], strides = [1, 1]} : vector<256x128xf32> to vector<248x128xf32>
    %concatenate3A_1745 = tpu.concatenate %slice3A_1743, %slice3A_1744 in 0 : vector<8x128xf32>, vector<248x128xf32> -> vector<256x128xf32>
    %iota3A_1746 = tpu.iota {dimensions = array<i32: 0>} : vector<256x128xi32>
    %and3A_1747 = arith.constant 8 : i32
    %and3A_1748 = vector.broadcast %and3A_1747 : i32 to vector<256x128xi32>
    %and3A_1749 = arith.andi %iota3A_1746, %and3A_1748 : vector<256x128xi32>
    %eq3A_1750 = arith.constant 0 : i32
    %eq3A_1751 = vector.broadcast %eq3A_1750 : i32 to vector<256x128xi32>
    %eq3A_1752 = arith.cmpi eq, %and3A_1749, %eq3A_1751 : vector<256x128xi32>
    %select_n3A_1753 = arith.select %eq3A_1752, %concatenate3A_1742, %concatenate3A_1745 : vector<256x128xi1>, vector<256x128xf32>
    %slice3A_1754 = vector.extract_strided_slice %select_n3A_1739 {offsets = [8, 0], sizes = [248, 128], strides = [1, 1]} : vector<256x128xi32> to vector<248x128xi32>
    %slice3A_1755 = vector.extract_strided_slice %select_n3A_1739 {offsets = [0, 0], sizes = [8, 128], strides = [1, 1]} : vector<256x128xi32> to vector<8x128xi32>
    %concatenate3A_1756 = tpu.concatenate %slice3A_1754, %slice3A_1755 in 0 : vector<248x128xi32>, vector<8x128xi32> -> vector<256x128xi32>
    %slice3A_1757 = vector.extract_strided_slice %select_n3A_1739 {offsets = [248, 0], sizes = [8, 128], strides = [1, 1]} : vector<256x128xi32> to vector<8x128xi32>
    %slice3A_1758 = vector.extract_strided_slice %select_n3A_1739 {offsets = [0, 0], sizes = [248, 128], strides = [1, 1]} : vector<256x128xi32> to vector<248x128xi32>
    %concatenate3A_1759 = tpu.concatenate %slice3A_1757, %slice3A_1758 in 0 : vector<8x128xi32>, vector<248x128xi32> -> vector<256x128xi32>
    %iota3A_1760 = tpu.iota {dimensions = array<i32: 0>} : vector<256x128xi32>
    %and3A_1761 = arith.constant 8 : i32
    %and3A_1762 = vector.broadcast %and3A_1761 : i32 to vector<256x128xi32>
    %and3A_1763 = arith.andi %iota3A_1760, %and3A_1762 : vector<256x128xi32>
    %eq3A_1764 = arith.constant 0 : i32
    %eq3A_1765 = vector.broadcast %eq3A_1764 : i32 to vector<256x128xi32>
    %eq3A_1766 = arith.cmpi eq, %and3A_1763, %eq3A_1765 : vector<256x128xi32>
    %select_n3A_1767 = arith.select %eq3A_1766, %concatenate3A_1756, %concatenate3A_1759 : vector<256x128xi1>, vector<256x128xi32>
    %lt3A_1768 = arith.cmpf olt, %select_n3A_1738, %select_n3A_1753 : vector<256x128xf32>
    %eq3A_1769 = arith.cmpf oeq, %select_n3A_1738, %select_n3A_1753 : vector<256x128xf32>
    %lt3A_1770 = arith.cmpi slt, %select_n3A_1739, %select_n3A_1767 : vector<256x128xi32>
    %and3A_1771 = arith.andi %eq3A_1769, %lt3A_1770 : vector<256x128xi1>
    %or3A_1772 = arith.ori %lt3A_1768, %and3A_1771 : vector<256x128xi1>
    %and3A_1773 = arith.constant 256 : i32
    %and3A_1774 = vector.broadcast %and3A_1773 : i32 to vector<256x128xi32>
    %and3A_1775 = arith.andi %iota3A, %and3A_1774 : vector<256x128xi32>
    %eq3A_1776 = arith.constant 0 : i32
    %eq3A_1777 = vector.broadcast %eq3A_1776 : i32 to vector<256x128xi32>
    %eq3A_1778 = arith.cmpi eq, %and3A_1775, %eq3A_1777 : vector<256x128xi32>
    %and3A_1779 = arith.constant 8 : i32
    %and3A_1780 = vector.broadcast %and3A_1779 : i32 to vector<256x128xi32>
    %and3A_1781 = arith.andi %iota3A, %and3A_1780 : vector<256x128xi32>
    %eq3A_1782 = arith.constant 0 : i32
    %eq3A_1783 = vector.broadcast %eq3A_1782 : i32 to vector<256x128xi32>
    %eq3A_1784 = arith.cmpi eq, %and3A_1781, %eq3A_1783 : vector<256x128xi32>
    %eq3A_1785 = arith.xori %eq3A_1778, %eq3A_1784 : vector<256x128xi1>
    %eq3A_1786 = arith.constant dense<true> : vector<256x128xi1>
    %eq3A_1787 = arith.xori %eq3A_1785, %eq3A_1786 : vector<256x128xi1>
    %eq3A_1788 = arith.xori %or3A_1772, %eq3A_1787 : vector<256x128xi1>
    %eq3A_1789 = arith.constant dense<true> : vector<256x128xi1>
    %eq3A_1790 = arith.xori %eq3A_1788, %eq3A_1789 : vector<256x128xi1>
    %select_n3A_1791 = arith.select %eq3A_1790, %select_n3A_1738, %select_n3A_1753 : vector<256x128xi1>, vector<256x128xf32>
    %select_n3A_1792 = arith.select %eq3A_1790, %select_n3A_1739, %select_n3A_1767 : vector<256x128xi1>, vector<256x128xi32>
    %slice3A_1793 = vector.extract_strided_slice %select_n3A_1791 {offsets = [4, 0], sizes = [252, 128], strides = [1, 1]} : vector<256x128xf32> to vector<252x128xf32>
    %slice3A_1794 = vector.extract_strided_slice %select_n3A_1791 {offsets = [0, 0], sizes = [4, 128], strides = [1, 1]} : vector<256x128xf32> to vector<4x128xf32>
    %concatenate3A_1795 = tpu.concatenate %slice3A_1793, %slice3A_1794 in 0 : vector<252x128xf32>, vector<4x128xf32> -> vector<256x128xf32>
    %slice3A_1796 = vector.extract_strided_slice %select_n3A_1791 {offsets = [252, 0], sizes = [4, 128], strides = [1, 1]} : vector<256x128xf32> to vector<4x128xf32>
    %slice3A_1797 = vector.extract_strided_slice %select_n3A_1791 {offsets = [0, 0], sizes = [252, 128], strides = [1, 1]} : vector<256x128xf32> to vector<252x128xf32>
    %concatenate3A_1798 = tpu.concatenate %slice3A_1796, %slice3A_1797 in 0 : vector<4x128xf32>, vector<252x128xf32> -> vector<256x128xf32>
    %iota3A_1799 = tpu.iota {dimensions = array<i32: 0>} : vector<256x128xi32>
    %and3A_1800 = arith.constant 4 : i32
    %and3A_1801 = vector.broadcast %and3A_1800 : i32 to vector<256x128xi32>
    %and3A_1802 = arith.andi %iota3A_1799, %and3A_1801 : vector<256x128xi32>
    %eq3A_1803 = arith.constant 0 : i32
    %eq3A_1804 = vector.broadcast %eq3A_1803 : i32 to vector<256x128xi32>
    %eq3A_1805 = arith.cmpi eq, %and3A_1802, %eq3A_1804 : vector<256x128xi32>
    %select_n3A_1806 = arith.select %eq3A_1805, %concatenate3A_1795, %concatenate3A_1798 : vector<256x128xi1>, vector<256x128xf32>
    %slice3A_1807 = vector.extract_strided_slice %select_n3A_1792 {offsets = [4, 0], sizes = [252, 128], strides = [1, 1]} : vector<256x128xi32> to vector<252x128xi32>
    %slice3A_1808 = vector.extract_strided_slice %select_n3A_1792 {offsets = [0, 0], sizes = [4, 128], strides = [1, 1]} : vector<256x128xi32> to vector<4x128xi32>
    %concatenate3A_1809 = tpu.concatenate %slice3A_1807, %slice3A_1808 in 0 : vector<252x128xi32>, vector<4x128xi32> -> vector<256x128xi32>
    %slice3A_1810 = vector.extract_strided_slice %select_n3A_1792 {offsets = [252, 0], sizes = [4, 128], strides = [1, 1]} : vector<256x128xi32> to vector<4x128xi32>
    %slice3A_1811 = vector.extract_strided_slice %select_n3A_1792 {offsets = [0, 0], sizes = [252, 128], strides = [1, 1]} : vector<256x128xi32> to vector<252x128xi32>
    %concatenate3A_1812 = tpu.concatenate %slice3A_1810, %slice3A_1811 in 0 : vector<4x128xi32>, vector<252x128xi32> -> vector<256x128xi32>
    %iota3A_1813 = tpu.iota {dimensions = array<i32: 0>} : vector<256x128xi32>
    %and3A_1814 = arith.constant 4 : i32
    %and3A_1815 = vector.broadcast %and3A_1814 : i32 to vector<256x128xi32>
    %and3A_1816 = arith.andi %iota3A_1813, %and3A_1815 : vector<256x128xi32>
    %eq3A_1817 = arith.constant 0 : i32
    %eq3A_1818 = vector.broadcast %eq3A_1817 : i32 to vector<256x128xi32>
    %eq3A_1819 = arith.cmpi eq, %and3A_1816, %eq3A_1818 : vector<256x128xi32>
    %select_n3A_1820 = arith.select %eq3A_1819, %concatenate3A_1809, %concatenate3A_1812 : vector<256x128xi1>, vector<256x128xi32>
    %lt3A_1821 = arith.cmpf olt, %select_n3A_1791, %select_n3A_1806 : vector<256x128xf32>
    %eq3A_1822 = arith.cmpf oeq, %select_n3A_1791, %select_n3A_1806 : vector<256x128xf32>
    %lt3A_1823 = arith.cmpi slt, %select_n3A_1792, %select_n3A_1820 : vector<256x128xi32>
    %and3A_1824 = arith.andi %eq3A_1822, %lt3A_1823 : vector<256x128xi1>
    %or3A_1825 = arith.ori %lt3A_1821, %and3A_1824 : vector<256x128xi1>
    %and3A_1826 = arith.constant 256 : i32
    %and3A_1827 = vector.broadcast %and3A_1826 : i32 to vector<256x128xi32>
    %and3A_1828 = arith.andi %iota3A, %and3A_1827 : vector<256x128xi32>
    %eq3A_1829 = arith.constant 0 : i32
    %eq3A_1830 = vector.broadcast %eq3A_1829 : i32 to vector<256x128xi32>
    %eq3A_1831 = arith.cmpi eq, %and3A_1828, %eq3A_1830 : vector<256x128xi32>
    %and3A_1832 = arith.constant 4 : i32
    %and3A_1833 = vector.broadcast %and3A_1832 : i32 to vector<256x128xi32>
    %and3A_1834 = arith.andi %iota3A, %and3A_1833 : vector<256x128xi32>
    %eq3A_1835 = arith.constant 0 : i32
    %eq3A_1836 = vector.broadcast %eq3A_1835 : i32 to vector<256x128xi32>
    %eq3A_1837 = arith.cmpi eq, %and3A_1834, %eq3A_1836 : vector<256x128xi32>
    %eq3A_1838 = arith.xori %eq3A_1831, %eq3A_1837 : vector<256x128xi1>
    %eq3A_1839 = arith.constant dense<true> : vector<256x128xi1>
    %eq3A_1840 = arith.xori %eq3A_1838, %eq3A_1839 : vector<256x128xi1>
    %eq3A_1841 = arith.xori %or3A_1825, %eq3A_1840 : vector<256x128xi1>
    %eq3A_1842 = arith.constant dense<true> : vector<256x128xi1>
    %eq3A_1843 = arith.xori %eq3A_1841, %eq3A_1842 : vector<256x128xi1>
    %select_n3A_1844 = arith.select %eq3A_1843, %select_n3A_1791, %select_n3A_1806 : vector<256x128xi1>, vector<256x128xf32>
    %select_n3A_1845 = arith.select %eq3A_1843, %select_n3A_1792, %select_n3A_1820 : vector<256x128xi1>, vector<256x128xi32>
    %slice3A_1846 = vector.extract_strided_slice %select_n3A_1844 {offsets = [2, 0], sizes = [254, 128], strides = [1, 1]} : vector<256x128xf32> to vector<254x128xf32>
    %slice3A_1847 = vector.extract_strided_slice %select_n3A_1844 {offsets = [0, 0], sizes = [2, 128], strides = [1, 1]} : vector<256x128xf32> to vector<2x128xf32>
    %concatenate3A_1848 = tpu.concatenate %slice3A_1846, %slice3A_1847 in 0 : vector<254x128xf32>, vector<2x128xf32> -> vector<256x128xf32>
    %slice3A_1849 = vector.extract_strided_slice %select_n3A_1844 {offsets = [254, 0], sizes = [2, 128], strides = [1, 1]} : vector<256x128xf32> to vector<2x128xf32>
    %slice3A_1850 = vector.extract_strided_slice %select_n3A_1844 {offsets = [0, 0], sizes = [254, 128], strides = [1, 1]} : vector<256x128xf32> to vector<254x128xf32>
    %concatenate3A_1851 = tpu.concatenate %slice3A_1849, %slice3A_1850 in 0 : vector<2x128xf32>, vector<254x128xf32> -> vector<256x128xf32>
    %iota3A_1852 = tpu.iota {dimensions = array<i32: 0>} : vector<256x128xi32>
    %and3A_1853 = arith.constant 2 : i32
    %and3A_1854 = vector.broadcast %and3A_1853 : i32 to vector<256x128xi32>
    %and3A_1855 = arith.andi %iota3A_1852, %and3A_1854 : vector<256x128xi32>
    %eq3A_1856 = arith.constant 0 : i32
    %eq3A_1857 = vector.broadcast %eq3A_1856 : i32 to vector<256x128xi32>
    %eq3A_1858 = arith.cmpi eq, %and3A_1855, %eq3A_1857 : vector<256x128xi32>
    %select_n3A_1859 = arith.select %eq3A_1858, %concatenate3A_1848, %concatenate3A_1851 : vector<256x128xi1>, vector<256x128xf32>
    %slice3A_1860 = vector.extract_strided_slice %select_n3A_1845 {offsets = [2, 0], sizes = [254, 128], strides = [1, 1]} : vector<256x128xi32> to vector<254x128xi32>
    %slice3A_1861 = vector.extract_strided_slice %select_n3A_1845 {offsets = [0, 0], sizes = [2, 128], strides = [1, 1]} : vector<256x128xi32> to vector<2x128xi32>
    %concatenate3A_1862 = tpu.concatenate %slice3A_1860, %slice3A_1861 in 0 : vector<254x128xi32>, vector<2x128xi32> -> vector<256x128xi32>
    %slice3A_1863 = vector.extract_strided_slice %select_n3A_1845 {offsets = [254, 0], sizes = [2, 128], strides = [1, 1]} : vector<256x128xi32> to vector<2x128xi32>
    %slice3A_1864 = vector.extract_strided_slice %select_n3A_1845 {offsets = [0, 0], sizes = [254, 128], strides = [1, 1]} : vector<256x128xi32> to vector<254x128xi32>
    %concatenate3A_1865 = tpu.concatenate %slice3A_1863, %slice3A_1864 in 0 : vector<2x128xi32>, vector<254x128xi32> -> vector<256x128xi32>
    %iota3A_1866 = tpu.iota {dimensions = array<i32: 0>} : vector<256x128xi32>
    %and3A_1867 = arith.constant 2 : i32
    %and3A_1868 = vector.broadcast %and3A_1867 : i32 to vector<256x128xi32>
    %and3A_1869 = arith.andi %iota3A_1866, %and3A_1868 : vector<256x128xi32>
    %eq3A_1870 = arith.constant 0 : i32
    %eq3A_1871 = vector.broadcast %eq3A_1870 : i32 to vector<256x128xi32>
    %eq3A_1872 = arith.cmpi eq, %and3A_1869, %eq3A_1871 : vector<256x128xi32>
    %select_n3A_1873 = arith.select %eq3A_1872, %concatenate3A_1862, %concatenate3A_1865 : vector<256x128xi1>, vector<256x128xi32>
    %lt3A_1874 = arith.cmpf olt, %select_n3A_1844, %select_n3A_1859 : vector<256x128xf32>
    %eq3A_1875 = arith.cmpf oeq, %select_n3A_1844, %select_n3A_1859 : vector<256x128xf32>
    %lt3A_1876 = arith.cmpi slt, %select_n3A_1845, %select_n3A_1873 : vector<256x128xi32>
    %and3A_1877 = arith.andi %eq3A_1875, %lt3A_1876 : vector<256x128xi1>
    %or3A_1878 = arith.ori %lt3A_1874, %and3A_1877 : vector<256x128xi1>
    %and3A_1879 = arith.constant 256 : i32
    %and3A_1880 = vector.broadcast %and3A_1879 : i32 to vector<256x128xi32>
    %and3A_1881 = arith.andi %iota3A, %and3A_1880 : vector<256x128xi32>
    %eq3A_1882 = arith.constant 0 : i32
    %eq3A_1883 = vector.broadcast %eq3A_1882 : i32 to vector<256x128xi32>
    %eq3A_1884 = arith.cmpi eq, %and3A_1881, %eq3A_1883 : vector<256x128xi32>
    %and3A_1885 = arith.constant 2 : i32
    %and3A_1886 = vector.broadcast %and3A_1885 : i32 to vector<256x128xi32>
    %and3A_1887 = arith.andi %iota3A, %and3A_1886 : vector<256x128xi32>
    %eq3A_1888 = arith.constant 0 : i32
    %eq3A_1889 = vector.broadcast %eq3A_1888 : i32 to vector<256x128xi32>
    %eq3A_1890 = arith.cmpi eq, %and3A_1887, %eq3A_1889 : vector<256x128xi32>
    %eq3A_1891 = arith.xori %eq3A_1884, %eq3A_1890 : vector<256x128xi1>
    %eq3A_1892 = arith.constant dense<true> : vector<256x128xi1>
    %eq3A_1893 = arith.xori %eq3A_1891, %eq3A_1892 : vector<256x128xi1>
    %eq3A_1894 = arith.xori %or3A_1878, %eq3A_1893 : vector<256x128xi1>
    %eq3A_1895 = arith.constant dense<true> : vector<256x128xi1>
    %eq3A_1896 = arith.xori %eq3A_1894, %eq3A_1895 : vector<256x128xi1>
    %select_n3A_1897 = arith.select %eq3A_1896, %select_n3A_1844, %select_n3A_1859 : vector<256x128xi1>, vector<256x128xf32>
    %select_n3A_1898 = arith.select %eq3A_1896, %select_n3A_1845, %select_n3A_1873 : vector<256x128xi1>, vector<256x128xi32>
    %slice3A_1899 = vector.extract_strided_slice %select_n3A_1897 {offsets = [1, 0], sizes = [255, 128], strides = [1, 1]} : vector<256x128xf32> to vector<255x128xf32>
    %slice3A_1900 = vector.extract_strided_slice %select_n3A_1897 {offsets = [0, 0], sizes = [1, 128], strides = [1, 1]} : vector<256x128xf32> to vector<1x128xf32>
    %concatenate3A_1901 = tpu.concatenate %slice3A_1899, %slice3A_1900 in 0 : vector<255x128xf32>, vector<1x128xf32> -> vector<256x128xf32>
    %slice3A_1902 = vector.extract_strided_slice %select_n3A_1897 {offsets = [255, 0], sizes = [1, 128], strides = [1, 1]} : vector<256x128xf32> to vector<1x128xf32>
    %slice3A_1903 = vector.extract_strided_slice %select_n3A_1897 {offsets = [0, 0], sizes = [255, 128], strides = [1, 1]} : vector<256x128xf32> to vector<255x128xf32>
    %concatenate3A_1904 = tpu.concatenate %slice3A_1902, %slice3A_1903 in 0 : vector<1x128xf32>, vector<255x128xf32> -> vector<256x128xf32>
    %iota3A_1905 = tpu.iota {dimensions = array<i32: 0>} : vector<256x128xi32>
    %and3A_1906 = arith.constant 1 : i32
    %and3A_1907 = vector.broadcast %and3A_1906 : i32 to vector<256x128xi32>
    %and3A_1908 = arith.andi %iota3A_1905, %and3A_1907 : vector<256x128xi32>
    %eq3A_1909 = arith.constant 0 : i32
    %eq3A_1910 = vector.broadcast %eq3A_1909 : i32 to vector<256x128xi32>
    %eq3A_1911 = arith.cmpi eq, %and3A_1908, %eq3A_1910 : vector<256x128xi32>
    %select_n3A_1912 = arith.select %eq3A_1911, %concatenate3A_1901, %concatenate3A_1904 : vector<256x128xi1>, vector<256x128xf32>
    %slice3A_1913 = vector.extract_strided_slice %select_n3A_1898 {offsets = [1, 0], sizes = [255, 128], strides = [1, 1]} : vector<256x128xi32> to vector<255x128xi32>
    %slice3A_1914 = vector.extract_strided_slice %select_n3A_1898 {offsets = [0, 0], sizes = [1, 128], strides = [1, 1]} : vector<256x128xi32> to vector<1x128xi32>
    %concatenate3A_1915 = tpu.concatenate %slice3A_1913, %slice3A_1914 in 0 : vector<255x128xi32>, vector<1x128xi32> -> vector<256x128xi32>
    %slice3A_1916 = vector.extract_strided_slice %select_n3A_1898 {offsets = [255, 0], sizes = [1, 128], strides = [1, 1]} : vector<256x128xi32> to vector<1x128xi32>
    %slice3A_1917 = vector.extract_strided_slice %select_n3A_1898 {offsets = [0, 0], sizes = [255, 128], strides = [1, 1]} : vector<256x128xi32> to vector<255x128xi32>
    %concatenate3A_1918 = tpu.concatenate %slice3A_1916, %slice3A_1917 in 0 : vector<1x128xi32>, vector<255x128xi32> -> vector<256x128xi32>
    %iota3A_1919 = tpu.iota {dimensions = array<i32: 0>} : vector<256x128xi32>
    %and3A_1920 = arith.constant 1 : i32
    %and3A_1921 = vector.broadcast %and3A_1920 : i32 to vector<256x128xi32>
    %and3A_1922 = arith.andi %iota3A_1919, %and3A_1921 : vector<256x128xi32>
    %eq3A_1923 = arith.constant 0 : i32
    %eq3A_1924 = vector.broadcast %eq3A_1923 : i32 to vector<256x128xi32>
    %eq3A_1925 = arith.cmpi eq, %and3A_1922, %eq3A_1924 : vector<256x128xi32>
    %select_n3A_1926 = arith.select %eq3A_1925, %concatenate3A_1915, %concatenate3A_1918 : vector<256x128xi1>, vector<256x128xi32>
    %lt3A_1927 = arith.cmpf olt, %select_n3A_1897, %select_n3A_1912 : vector<256x128xf32>
    %eq3A_1928 = arith.cmpf oeq, %select_n3A_1897, %select_n3A_1912 : vector<256x128xf32>
    %lt3A_1929 = arith.cmpi slt, %select_n3A_1898, %select_n3A_1926 : vector<256x128xi32>
    %and3A_1930 = arith.andi %eq3A_1928, %lt3A_1929 : vector<256x128xi1>
    %or3A_1931 = arith.ori %lt3A_1927, %and3A_1930 : vector<256x128xi1>
    %and3A_1932 = arith.constant 256 : i32
    %and3A_1933 = vector.broadcast %and3A_1932 : i32 to vector<256x128xi32>
    %and3A_1934 = arith.andi %iota3A, %and3A_1933 : vector<256x128xi32>
    %eq3A_1935 = arith.constant 0 : i32
    %eq3A_1936 = vector.broadcast %eq3A_1935 : i32 to vector<256x128xi32>
    %eq3A_1937 = arith.cmpi eq, %and3A_1934, %eq3A_1936 : vector<256x128xi32>
    %and3A_1938 = arith.constant 1 : i32
    %and3A_1939 = vector.broadcast %and3A_1938 : i32 to vector<256x128xi32>
    %and3A_1940 = arith.andi %iota3A, %and3A_1939 : vector<256x128xi32>
    %eq3A_1941 = arith.constant 0 : i32
    %eq3A_1942 = vector.broadcast %eq3A_1941 : i32 to vector<256x128xi32>
    %eq3A_1943 = arith.cmpi eq, %and3A_1940, %eq3A_1942 : vector<256x128xi32>
    %eq3A_1944 = arith.xori %eq3A_1937, %eq3A_1943 : vector<256x128xi1>
    %eq3A_1945 = arith.constant dense<true> : vector<256x128xi1>
    %eq3A_1946 = arith.xori %eq3A_1944, %eq3A_1945 : vector<256x128xi1>
    %eq3A_1947 = arith.xori %or3A_1931, %eq3A_1946 : vector<256x128xi1>
    %eq3A_1948 = arith.constant dense<true> : vector<256x128xi1>
    %eq3A_1949 = arith.xori %eq3A_1947, %eq3A_1948 : vector<256x128xi1>
    %select_n3A_1950 = arith.select %eq3A_1949, %select_n3A_1897, %select_n3A_1912 : vector<256x128xi1>, vector<256x128xf32>
    %select_n3A_1951 = arith.select %eq3A_1949, %select_n3A_1898, %select_n3A_1926 : vector<256x128xi1>, vector<256x128xi32>
    %slice3A_1952 = vector.extract_strided_slice %select_n3A_1950 {offsets = [0, 0], sizes = [32, 128], strides = [1, 1]} : vector<256x128xf32> to vector<32x128xf32>
    %lt3A_1953 = arith.constant 7.000000e+00 : f32
    %lt3A_1954 = vector.broadcast %lt3A_1953 : f32 to vector<32x128xf32>
    %lt3A_1955 = arith.cmpf olt, %slice3A_1952, %lt3A_1954 : vector<32x128xf32>
    %jit3A_1956 = arith.constant 0.000000e+00 : f32
    %broadcast_in_dim3A_1957 = vector.broadcast %jit3A_1956 : f32 to vector<32x128xf32>
    %select_n3A_1958 = arith.select %lt3A_1955, %slice3A_1952, %broadcast_in_dim3A_1957 : vector<32x128xi1>, vector<32x128xf32>
    %swap3A = arith.constant 0 : index
    %swap3A_1959 = arith.constant 0 : index
    %swap3A_1960 = vector.load %arg7[%swap3A, %swap3A_1959] : memref<32x128xf32, #tpu.memory_space<vmem>>, vector<32x128xf32>
    tpu.vector_store %arg7[%swap3A, %swap3A_1959], %select_n3A_1958 {strides = array<i32>} : memref<32x128xf32, #tpu.memory_space<vmem>>, vector<32x128xf32>,
    %slice3A_1961 = vector.extract_strided_slice %select_n3A_1951 {offsets = [0, 0], sizes = [32, 128], strides = [1, 1]} : vector<256x128xi32> to vector<32x128xi32>
    %jit3A_1962 = arith.constant -1 : i32
    %broadcast_in_dim3A_1963 = vector.broadcast %jit3A_1962 : i32 to vector<32x128xi32>
    %select_n3A_1964 = arith.select %lt3A_1955, %slice3A_1961, %broadcast_in_dim3A_1963 : vector<32x128xi1>, vector<32x128xi32>
    %swap3A_1965 = arith.constant 0 : index
    %swap3A_1966 = arith.constant 0 : index
    %swap3A_1967 = vector.load %arg8[%swap3A_1965, %swap3A_1966] : memref<32x128xi32, #tpu.memory_space<vmem>>, vector<32x128xi32>
    tpu.vector_store %arg8[%swap3A_1965, %swap3A_1966], %select_n3A_1964 {strides = array<i32>} : memref<32x128xi32, #tpu.memory_space<vmem>>, vector<32x128xi32>,
    return
  }
  func.func @transform_0(%arg0: i32) -> (i32, i32) {
    %c0_i32 = arith.constant 0 : i32
    %c0_i32_0 = arith.constant 0 : i32
    return %c0_i32, %arg0 : i32, i32
  }
  func.func @transform_1(%arg0: i32) -> (i32, i32) {
    %add3A = arith.constant 1 : i32
    %add3A_0 = arith.addi %arg0, %add3A : i32
    %c0_i32 = arith.constant 0 : i32
    %c0_i32_1 = arith.constant 0 : i32
    return %c0_i32, %add3A_0 : i32, i32
  }
  func.func @transform_2(%arg0: i32) -> (i32, i32) {
    %c0_i32 = arith.constant 0 : i32
    %c0_i32_0 = arith.constant 0 : i32
    return %c0_i32, %arg0 : i32, i32
  }
  func.func @transform_3(%arg0: i32) -> (i32, i32) {
    %add3A = arith.constant 1 : i32
    %add3A_0 = arith.addi %arg0, %add3A : i32
    %c0_i32 = arith.constant 0 : i32
    %c0_i32_1 = arith.constant 0 : i32
    return %c0_i32, %add3A_0 : i32, i32
  }
  func.func @transform_4(%arg0: i32) -> (i32, i32) {
    %c0_i32 = arith.constant 0 : i32
    %c0_i32_0 = arith.constant 0 : i32
    return %arg0, %c0_i32 : i32, i32
  }
  func.func @transform_5(%arg0: i32) -> (i32, i32) {
    %add3A = arith.constant 1 : i32
    %add3A_0 = arith.addi %arg0, %add3A : i32
    %c0_i32 = arith.constant 0 : i32
    %c0_i32_1 = arith.constant 0 : i32
    return %add3A_0, %c0_i32 : i32, i32
  }
  func.func @transform_6(%arg0: i32) -> (i32, i32) {
    %c0_i32 = arith.constant 0 : i32
    %c0_i32_0 = arith.constant 0 : i32
    return %arg0, %c0_i32 : i32, i32
  }
  func.func @transform_7(%arg0: i32) -> (i32, i32) {
    %c0_i32 = arith.constant 0 : i32
    %c0_i32_0 = arith.constant 0 : i32
    return %arg0, %c0_i32 : i32, i32
  }
}

module attributes {stable_mosaic.version = 14 : i64} {
  func.func @_tab_kernel(%arg0: i32, %arg1: memref<1x50x256xf32, #tpu.memory_space<vmem>>, %arg2: memref<1x1x256xf32, #tpu.memory_space<vmem>>, %arg3: memref<1x256x256xf32, #tpu.memory_space<vmem>>, %arg4: memref<1x1x256xf32, #tpu.memory_space<vmem>>, %arg5: memref<1x256x256xf32, #tpu.memory_space<vmem>>) attributes {dimension_semantics = [#tpu.dimension_semantics<arbitrary>], iteration_bounds = array<i64: 3>, scalar_prefetch = 0 : i64, scratch_operands = 0 : i64, tpu.core_type = #tpu.core_type<tc>, window_params = [{transform_indices = @transform_0, window_bounds = array<i64: 1, 50, 256>}, {transform_indices = @transform_1, window_bounds = array<i64: 1, 1, 256>}, {transform_indices = @transform_2, window_bounds = array<i64: 1, 256, 256>}, {transform_indices = @transform_3, window_bounds = array<i64: 1, 1, 256>}, {transform_indices = @transform_4, window_bounds = array<i64: 1, 256, 256>}]} {
    %iota3A = tpu.iota {dimensions = array<i32: 0>} : vector<256x1xi32>
    %convert_element_type3A = arith.sitofp %iota3A : vector<256x1xi32> to vector<256x1xf32>
    %mul3A = arith.constant 0.0274509806 : f32
    %mul3A_0 = vector.broadcast %mul3A : f32 to vector<256x1xf32>
    %mul3A_1 = arith.mulf %convert_element_type3A, %mul3A_0 : vector<256x1xf32>
    %iota3A_2 = tpu.iota {dimensions = array<i32: 1>} : vector<256x50xi32>
    %convert_element_type3A_3 = arith.sitofp %iota3A_2 : vector<256x50xi32> to vector<256x50xf32>
    %mul3A_4 = arith.constant 0.142857149 : f32
    %mul3A_5 = vector.broadcast %mul3A_4 : f32 to vector<256x50xf32>
    %mul3A_6 = arith.mulf %convert_element_type3A_3, %mul3A_5 : vector<256x50xf32>
    %sub3A = vector.broadcast %mul3A_1 : vector<256x1xf32> to vector<256x50xf32>
    %sub3A_7 = arith.subf %sub3A, %mul3A_6 : vector<256x50xf32>
    %integer_pow3A = arith.mulf %sub3A_7, %sub3A_7 : vector<256x50xf32>
    %mul3A_8 = arith.constant -2.450000e+01 : f32
    %mul3A_9 = vector.broadcast %mul3A_8 : f32 to vector<256x50xf32>
    %mul3A_10 = arith.mulf %mul3A_9, %integer_pow3A : vector<256x50xf32>
    %exp3A = math.exp %mul3A_10 : vector<256x50xf32>
    %get3A = arith.constant 0 : index
    %get3A_11 = arith.constant 0 : index
    %get3A_12 = arith.constant 0 : index
    %get3A_13 = vector.load %arg1[%get3A, %get3A_11, %get3A_12] : memref<1x50x256xf32, #tpu.memory_space<vmem>>, vector<1x50x256xf32>
    %get3A_14 = vector.shape_cast %get3A_13 : vector<1x50x256xf32> to vector<50x256xf32>
    %dot_general3A = arith.constant dense<0.000000e+00> : vector<256x256xf32>
    %dot_general3A_15 = tpu.matmul %exp3A, %get3A_14, %dot_general3A {dimension_numbers = #tpu.dot_dimension_numbers<[1], [0], [0], [1], [0, 0, 1, 1], [], []>, transpose_lhs_hint = false} : vector<256x50xf32>, vector<50x256xf32>, vector<256x256xf32> -> vector<256x256xf32>
    %get3A_16 = arith.constant 0 : index
    %get3A_17 = arith.constant 0 : index
    %get3A_18 = arith.constant 0 : index
    %get3A_19 = vector.load %arg2[%get3A_16, %get3A_17, %get3A_18] : memref<1x1x256xf32, #tpu.memory_space<vmem>>, vector<1x1x256xf32>
    %get3A_20 = vector.shape_cast %get3A_19 : vector<1x1x256xf32> to vector<1x256xf32>
    %add3A = vector.broadcast %get3A_20 : vector<1x256xf32> to vector<256x256xf32>
    %add3A_21 = arith.addf %dot_general3A_15, %add3A : vector<256x256xf32>
    %custom_jvp_call3A = arith.constant 0.000000e+00 : f32
    %max3A = vector.broadcast %custom_jvp_call3A : f32 to vector<256x256xf32>
    %max3A_22 = arith.maximumf %add3A_21, %max3A : vector<256x256xf32>
    %sub3A_23 = vector.broadcast %custom_jvp_call3A : f32 to vector<256x256xf32>
    %sub3A_24 = arith.subf %add3A_21, %sub3A_23 : vector<256x256xf32>
    %ne3A = arith.cmpf one, %sub3A_24, %sub3A_24 : vector<256x256xf32>
    %add3A_25 = vector.broadcast %custom_jvp_call3A : f32 to vector<256x256xf32>
    %add3A_26 = arith.addf %add3A_21, %add3A_25 : vector<256x256xf32>
    %abs3A = math.absf %sub3A_24 : vector<256x256xf32>
    %neg3A = arith.constant 0.000000e+00 : f32
    %neg3A_27 = vector.broadcast %neg3A : f32 to vector<256x256xf32>
    %neg3A_28 = arith.subf %neg3A_27, %abs3A : vector<256x256xf32>
    %exp3A_29 = math.exp %neg3A_28 : vector<256x256xf32>
    %log1p3A = math.log1p %exp3A_29 : vector<256x256xf32>
    %add3A_30 = arith.addf %max3A_22, %log1p3A : vector<256x256xf32>
    %select_n3A = arith.select %ne3A, %add3A_26, %add3A_30 : vector<256x256xi1>, vector<256x256xf32>
    %log3A = arith.constant 2.000000e+00 : f32
    %log3A_31 = math.log %log3A : f32
    %sub3A_32 = vector.broadcast %log3A_31 : f32 to vector<256x256xf32>
    %sub3A_33 = arith.subf %select_n3A, %sub3A_32 : vector<256x256xf32>
    %get3A_34 = arith.constant 0 : index
    %get3A_35 = arith.constant 0 : index
    %get3A_36 = arith.constant 0 : index
    %get3A_37 = vector.load %arg3[%get3A_34, %get3A_35, %get3A_36] : memref<1x256x256xf32, #tpu.memory_space<vmem>>, vector<1x256x256xf32>
    %get3A_38 = vector.shape_cast %get3A_37 : vector<1x256x256xf32> to vector<256x256xf32>
    %dot_general3A_39 = arith.constant dense<0.000000e+00> : vector<256x256xf32>
    %dot_general3A_40 = tpu.matmul %sub3A_33, %get3A_38, %dot_general3A_39 {dimension_numbers = #tpu.dot_dimension_numbers<[1], [0], [0], [1], [0, 0, 1, 1], [], []>, transpose_lhs_hint = false} : vector<256x256xf32>, vector<256x256xf32>, vector<256x256xf32> -> vector<256x256xf32>
    %get3A_41 = arith.constant 0 : index
    %get3A_42 = arith.constant 0 : index
    %get3A_43 = arith.constant 0 : index
    %get3A_44 = vector.load %arg4[%get3A_41, %get3A_42, %get3A_43] : memref<1x1x256xf32, #tpu.memory_space<vmem>>, vector<1x1x256xf32>
    %get3A_45 = vector.shape_cast %get3A_44 : vector<1x1x256xf32> to vector<1x256xf32>
    %add3A_46 = vector.broadcast %get3A_45 : vector<1x256xf32> to vector<256x256xf32>
    %add3A_47 = arith.addf %dot_general3A_40, %add3A_46 : vector<256x256xf32>
    %mul3A_48 = arith.constant 0.448798954 : f32
    %mul3A_49 = vector.broadcast %mul3A_48 : f32 to vector<256x1xf32>
    %mul3A_50 = arith.mulf %mul3A_1, %mul3A_49 : vector<256x1xf32>
    %cos3A = math.cos %mul3A_50 : vector<256x1xf32>
    %add3A_51 = arith.constant 1.000000e+00 : f32
    %add3A_52 = vector.broadcast %add3A_51 : f32 to vector<256x1xf32>
    %add3A_53 = arith.addf %cos3A, %add3A_52 : vector<256x1xf32>
    %mul3A_54 = arith.constant 5.000000e-01 : f32
    %mul3A_55 = vector.broadcast %mul3A_54 : f32 to vector<256x1xf32>
    %mul3A_56 = arith.mulf %mul3A_55, %add3A_53 : vector<256x1xf32>
    %mul3A_57 = vector.broadcast %mul3A_56 : vector<256x1xf32> to vector<256x256xf32>
    %mul3A_58 = arith.mulf %add3A_47, %mul3A_57 : vector<256x256xf32>
    %swap3A = arith.constant 0 : index
    %swap3A_59 = arith.constant 0 : index
    %swap3A_60 = arith.constant 0 : index
    %swap3A_61 = vector.load %arg5[%swap3A, %swap3A_59, %swap3A_60] : memref<1x256x256xf32, #tpu.memory_space<vmem>>, vector<1x256x256xf32>
    %swap3A_62 = vector.shape_cast %swap3A_61 : vector<1x256x256xf32> to vector<256x256xf32>
    %swap3A_63 = vector.shape_cast %mul3A_58 : vector<256x256xf32> to vector<1x256x256xf32>
    tpu.vector_store %arg5[%swap3A, %swap3A_59, %swap3A_60], %swap3A_63 {strides = array<i32>} : memref<1x256x256xf32, #tpu.memory_space<vmem>>, vector<1x256x256xf32>,
    return
  }
  func.func @transform_0(%arg0: i32) -> (i32, i32, i32) {
    %c0_i32 = arith.constant 0 : i32
    %c0_i32_0 = arith.constant 0 : i32
    %c0_i32_1 = arith.constant 0 : i32
    return %arg0, %c0_i32, %c0_i32_0 : i32, i32, i32
  }
  func.func @transform_1(%arg0: i32) -> (i32, i32, i32) {
    %c0_i32 = arith.constant 0 : i32
    %c0_i32_0 = arith.constant 0 : i32
    %c0_i32_1 = arith.constant 0 : i32
    return %arg0, %c0_i32, %c0_i32_0 : i32, i32, i32
  }
  func.func @transform_2(%arg0: i32) -> (i32, i32, i32) {
    %c0_i32 = arith.constant 0 : i32
    %c0_i32_0 = arith.constant 0 : i32
    %c0_i32_1 = arith.constant 0 : i32
    return %arg0, %c0_i32, %c0_i32_0 : i32, i32, i32
  }
  func.func @transform_3(%arg0: i32) -> (i32, i32, i32) {
    %c0_i32 = arith.constant 0 : i32
    %c0_i32_0 = arith.constant 0 : i32
    %c0_i32_1 = arith.constant 0 : i32
    return %arg0, %c0_i32, %c0_i32_0 : i32, i32, i32
  }
  func.func @transform_4(%arg0: i32) -> (i32, i32, i32) {
    %c0_i32 = arith.constant 0 : i32
    %c0_i32_0 = arith.constant 0 : i32
    %c0_i32_1 = arith.constant 0 : i32
    return %arg0, %c0_i32, %c0_i32_0 : i32, i32, i32
  }
}

module attributes {stable_mosaic.version = 14 : i64} {
  func.func @_pre_kernel(%arg0: i32, %arg1: memref<128x256xf32, #tpu.memory_space<vmem>>, %arg2: memref<256x256xf32, #tpu.memory_space<vmem>>, %arg3: memref<128x256xf32, #tpu.memory_space<vmem>>) attributes {dimension_semantics = [#tpu.dimension_semantics<arbitrary>], iteration_bounds = array<i64: 79>, scalar_prefetch = 0 : i64, scratch_operands = 0 : i64, tpu.core_type = #tpu.core_type<tc>, window_params = [{transform_indices = @transform_0, window_bounds = array<i64: 128, 256>}, {pipeline_mode = #tpu.pipeline_mode<synchronous>, transform_indices = @transform_1, window_bounds = array<i64: 256, 256>}, {transform_indices = @transform_2, window_bounds = array<i64: 128, 256>}]} {
    %get3A = arith.constant 0 : index
    %get3A_0 = arith.constant 0 : index
    %get3A_1 = vector.load %arg1[%get3A, %get3A_0] : memref<128x256xf32, #tpu.memory_space<vmem>>, vector<128x256xf32>
    %get3A_2 = arith.constant 0 : index
    %get3A_3 = arith.constant 0 : index
    %get3A_4 = vector.load %arg2[%get3A_2, %get3A_3] : memref<256x256xf32, #tpu.memory_space<vmem>>, vector<256x256xf32>
    %dot_general3A = arith.constant dense<0.000000e+00> : vector<128x256xf32>
    %dot_general3A_5 = tpu.matmul %get3A_1, %get3A_4, %dot_general3A {dimension_numbers = #tpu.dot_dimension_numbers<[1], [0], [0], [1], [0, 0, 1, 1], [], []>, transpose_lhs_hint = false} : vector<128x256xf32>, vector<256x256xf32>, vector<128x256xf32> -> vector<128x256xf32>
    %swap3A = arith.constant 0 : index
    %swap3A_6 = arith.constant 0 : index
    %swap3A_7 = vector.load %arg3[%swap3A, %swap3A_6] : memref<128x256xf32, #tpu.memory_space<vmem>>, vector<128x256xf32>
    tpu.vector_store %arg3[%swap3A, %swap3A_6], %dot_general3A_5 {strides = array<i32>} : memref<128x256xf32, #tpu.memory_space<vmem>>, vector<128x256xf32>,
    return
  }
  func.func @transform_0(%arg0: i32) -> (i32, i32) {
    %c0_i32 = arith.constant 0 : i32
    %c0_i32_0 = arith.constant 0 : i32
    return %arg0, %c0_i32 : i32, i32
  }
  func.func @transform_1(%arg0: i32) -> (i32, i32) {
    %c0_i32 = arith.constant 0 : i32
    %c0_i32_0 = arith.constant 0 : i32
    %c0_i32_1 = arith.constant 0 : i32
    return %c0_i32, %c0_i32_0 : i32, i32
  }
  func.func @transform_2(%arg0: i32) -> (i32, i32) {
    %c0_i32 = arith.constant 0 : i32
    %c0_i32_0 = arith.constant 0 : i32
    return %arg0, %c0_i32 : i32, i32
  }
}

module attributes {stable_mosaic.version = 14 : i64} {
  func.func @_msg_kernel(%arg0: i32, %arg1: memref<4096x1xf32, #tpu.memory_space<vmem>>, %arg2: memref<4096x1xi32, #tpu.memory_space<vmem>>, %arg3: memref<10240x256xf32, #tpu.memory_space<vmem>>, %arg4: memref<256x256xf32, #tpu.memory_space<vmem>>, %arg5: memref<128x256xf32, #tpu.memory_space<vmem>>) attributes {dimension_semantics = [#tpu.dimension_semantics<arbitrary>], iteration_bounds = array<i64: 79>, scalar_prefetch = 0 : i64, scratch_operands = 0 : i64, tpu.core_type = #tpu.core_type<tc>, window_params = [{transform_indices = @transform_0, window_bounds = array<i64: 4096, 1>}, {transform_indices = @transform_1, window_bounds = array<i64: 4096, 1>}, {pipeline_mode = #tpu.pipeline_mode<synchronous>, transform_indices = @transform_2, window_bounds = array<i64: 10240, 256>}, {pipeline_mode = #tpu.pipeline_mode<synchronous>, transform_indices = @transform_3, window_bounds = array<i64: 256, 256>}, {transform_indices = @transform_4, window_bounds = array<i64: 128, 256>}]} {
    %get3A = arith.constant 0 : index
    %get3A_0 = arith.constant 0 : index
    %get3A_1 = vector.load %arg1[%get3A, %get3A_0] : memref<4096x1xf32, #tpu.memory_space<vmem>>, vector<4096x1xf32>
    %mul3A = arith.constant 36.4285698 : f32
    %mul3A_2 = vector.broadcast %mul3A : f32 to vector<4096x1xf32>
    %mul3A_3 = arith.mulf %get3A_1, %mul3A_2 : vector<4096x1xf32>
    %iota3A = tpu.iota {dimensions = array<i32: 1>} : vector<4096x256xi32>
    %convert_element_type3A = arith.sitofp %iota3A : vector<4096x256xi32> to vector<4096x256xf32>
    %sub3A = vector.broadcast %mul3A_3 : vector<4096x1xf32> to vector<4096x256xf32>
    %sub3A_4 = arith.subf %sub3A, %convert_element_type3A : vector<4096x256xf32>
    %abs3A = math.absf %sub3A_4 : vector<4096x256xf32>
    %sub3A_5 = arith.constant 1.000000e+00 : f32
    %sub3A_6 = vector.broadcast %sub3A_5 : f32 to vector<4096x256xf32>
    %sub3A_7 = arith.subf %sub3A_6, %abs3A : vector<4096x256xf32>
    %max3A = arith.constant 0.000000e+00 : f32
    %max3A_8 = vector.broadcast %max3A : f32 to vector<4096x256xf32>
    %max3A_9 = arith.maximumf %sub3A_7, %max3A_8 : vector<4096x256xf32>
    %get3A_10 = arith.constant 0 : index
    %get3A_11 = arith.constant 0 : index
    %get3A_12 = vector.load %arg4[%get3A_10, %get3A_11] : memref<256x256xf32, #tpu.memory_space<vmem>>, vector<256x256xf32>
    %dot_general3A = arith.constant dense<0.000000e+00> : vector<4096x256xf32>
    %dot_general3A_13 = tpu.matmul %max3A_9, %get3A_12, %dot_general3A {dimension_numbers = #tpu.dot_dimension_numbers<[1], [0], [0], [1], [0, 0, 1, 1], [], []>, transpose_lhs_hint = false} : vector<4096x256xf32>, vector<256x256xf32>, vector<4096x256xf32> -> vector<4096x256xf32>
    %iota3A_14 = tpu.iota {dimensions = array<i32: 1>} : vector<4096x256xi32>
    %get3A_15 = arith.constant 0 : index
    %get3A_16 = arith.constant 0 : index
    %get3A_17 = vector.load %arg2[%get3A_15, %get3A_16] : memref<4096x1xi32, #tpu.memory_space<vmem>>, vector<4096x1xi32>
    %eq3A = vector.broadcast %get3A_17 : vector<4096x1xi32> to vector<4096x256xi32>
    %eq3A_18 = arith.cmpi eq, %iota3A_14, %eq3A : vector<4096x256xi32>
    %convert_element_type3A_19 = arith.extui %eq3A_18 : vector<4096x256xi1> to vector<4096x256xi32>
    %convert_element_type3A_20 = arith.sitofp %convert_element_type3A_19 : vector<4096x256xi32> to vector<4096x256xf32>
    %mul3A_21 = arith.constant 128 : i32
    %mul3A_22 = arith.muli %arg0, %mul3A_21 : i32
    %get3A_23 = arith.index_cast %mul3A_22 : i32 to index
    %get3A_24 = arith.constant 0 : index
    %get3A_25 = vector.load %arg3[%get3A_23, %get3A_24] : memref<10240x256xf32, #tpu.memory_space<vmem>>, vector<256x256xf32>
    %dot_general3A_26 = arith.constant dense<0.000000e+00> : vector<4096x256xf32>
    %dot_general3A_27 = tpu.matmul %convert_element_type3A_20, %get3A_25, %dot_general3A_26 {dimension_numbers = #tpu.dot_dimension_numbers<[1], [0], [0], [1], [0, 0, 1, 1], [], []>, transpose_lhs_hint = false} : vector<4096x256xf32>, vector<256x256xf32>, vector<4096x256xf32> -> vector<4096x256xf32>
    %mul3A_28 = arith.mulf %dot_general3A_27, %dot_general3A_13 : vector<4096x256xf32>
    %reshape3A = vector.shape_cast %mul3A_28 : vector<4096x256xf32> to vector<128x32x256xf32>
    %reduce_sum3A = arith.constant dense<0.000000e+00> : vector<128x256xf32>
    %reduce_sum3A_29 = vector.multi_reduction <add>, %reshape3A, %reduce_sum3A [1] : vector<128x32x256xf32> to vector<128x256xf32>
    %swap3A = arith.constant 0 : index
    %swap3A_30 = arith.constant 0 : index
    %swap3A_31 = vector.load %arg5[%swap3A, %swap3A_30] : memref<128x256xf32, #tpu.memory_space<vmem>>, vector<128x256xf32>
    tpu.vector_store %arg5[%swap3A, %swap3A_30], %reduce_sum3A_29 {strides = array<i32>} : memref<128x256xf32, #tpu.memory_space<vmem>>, vector<128x256xf32>,
    return
  }
  func.func @transform_0(%arg0: i32) -> (i32, i32) {
    %c0_i32 = arith.constant 0 : i32
    %c0_i32_0 = arith.constant 0 : i32
    return %arg0, %c0_i32 : i32, i32
  }
  func.func @transform_1(%arg0: i32) -> (i32, i32) {
    %c0_i32 = arith.constant 0 : i32
    %c0_i32_0 = arith.constant 0 : i32
    return %arg0, %c0_i32 : i32, i32
  }
  func.func @transform_2(%arg0: i32) -> (i32, i32) {
    %c0_i32 = arith.constant 0 : i32
    %c0_i32_0 = arith.constant 0 : i32
    %c0_i32_1 = arith.constant 0 : i32
    return %c0_i32, %c0_i32_0 : i32, i32
  }
  func.func @transform_3(%arg0: i32) -> (i32, i32) {
    %c0_i32 = arith.constant 0 : i32
    %c0_i32_0 = arith.constant 0 : i32
    %c0_i32_1 = arith.constant 0 : i32
    return %c0_i32, %c0_i32_0 : i32, i32
  }
  func.func @transform_4(%arg0: i32) -> (i32, i32) {
    %c0_i32 = arith.constant 0 : i32
    %c0_i32_0 = arith.constant 0 : i32
    return %arg0, %c0_i32 : i32, i32
  }
}

module attributes {stable_mosaic.version = 14 : i64} {
  func.func @_dense_kernel(%arg0: i32, %arg1: memref<128x256xf32, #tpu.memory_space<vmem>>, %arg2: memref<128x256xf32, #tpu.memory_space<vmem>>, %arg3: memref<256x256xf32, #tpu.memory_space<vmem>>, %arg4: memref<1x256xf32, #tpu.memory_space<vmem>>, %arg5: memref<256x256xf32, #tpu.memory_space<vmem>>, %arg6: memref<1x256xf32, #tpu.memory_space<vmem>>, %arg7: memref<256x256xf32, #tpu.memory_space<vmem>>, %arg8: memref<128x256xf32, #tpu.memory_space<vmem>>, %arg9: memref<128x256xf32, #tpu.memory_space<vmem>>) attributes {dimension_semantics = [#tpu.dimension_semantics<arbitrary>], iteration_bounds = array<i64: 79>, scalar_prefetch = 0 : i64, scratch_operands = 0 : i64, tpu.core_type = #tpu.core_type<tc>, window_params = [{transform_indices = @transform_0, window_bounds = array<i64: 128, 256>}, {transform_indices = @transform_1, window_bounds = array<i64: 128, 256>}, {pipeline_mode = #tpu.pipeline_mode<synchronous>, transform_indices = @transform_2, window_bounds = array<i64: 256, 256>}, {pipeline_mode = #tpu.pipeline_mode<synchronous>, transform_indices = @transform_3, window_bounds = array<i64: 1, 256>}, {pipeline_mode = #tpu.pipeline_mode<synchronous>, transform_indices = @transform_4, window_bounds = array<i64: 256, 256>}, {pipeline_mode = #tpu.pipeline_mode<synchronous>, transform_indices = @transform_5, window_bounds = array<i64: 1, 256>}, {pipeline_mode = #tpu.pipeline_mode<synchronous>, transform_indices = @transform_6, window_bounds = array<i64: 256, 256>}, {transform_indices = @transform_7, window_bounds = array<i64: 128, 256>}, {transform_indices = @transform_8, window_bounds = array<i64: 128, 256>}]} {
    %get3A = arith.constant 0 : index
    %get3A_0 = arith.constant 0 : index
    %get3A_1 = vector.load %arg2[%get3A, %get3A_0] : memref<128x256xf32, #tpu.memory_space<vmem>>, vector<128x256xf32>
    %get3A_2 = arith.constant 0 : index
    %get3A_3 = arith.constant 0 : index
    %get3A_4 = vector.load %arg3[%get3A_2, %get3A_3] : memref<256x256xf32, #tpu.memory_space<vmem>>, vector<256x256xf32>
    %dot_general3A = arith.constant dense<0.000000e+00> : vector<128x256xf32>
    %dot_general3A_5 = tpu.matmul %get3A_1, %get3A_4, %dot_general3A {dimension_numbers = #tpu.dot_dimension_numbers<[1], [0], [0], [1], [0, 0, 1, 1], [], []>, transpose_lhs_hint = false} : vector<128x256xf32>, vector<256x256xf32>, vector<128x256xf32> -> vector<128x256xf32>
    %get3A_6 = arith.constant 0 : index
    %get3A_7 = arith.constant 0 : index
    %get3A_8 = vector.load %arg4[%get3A_6, %get3A_7] : memref<1x256xf32, #tpu.memory_space<vmem>>, vector<1x256xf32>
    %add3A = vector.broadcast %get3A_8 : vector<1x256xf32> to vector<128x256xf32>
    %add3A_9 = arith.addf %dot_general3A_5, %add3A : vector<128x256xf32>
    %custom_jvp_call3A = arith.constant 0.000000e+00 : f32
    %max3A = vector.broadcast %custom_jvp_call3A : f32 to vector<128x256xf32>
    %max3A_10 = arith.maximumf %add3A_9, %max3A : vector<128x256xf32>
    %sub3A = vector.broadcast %custom_jvp_call3A : f32 to vector<128x256xf32>
    %sub3A_11 = arith.subf %add3A_9, %sub3A : vector<128x256xf32>
    %ne3A = arith.cmpf one, %sub3A_11, %sub3A_11 : vector<128x256xf32>
    %add3A_12 = vector.broadcast %custom_jvp_call3A : f32 to vector<128x256xf32>
    %add3A_13 = arith.addf %add3A_9, %add3A_12 : vector<128x256xf32>
    %abs3A = math.absf %sub3A_11 : vector<128x256xf32>
    %neg3A = arith.constant 0.000000e+00 : f32
    %neg3A_14 = vector.broadcast %neg3A : f32 to vector<128x256xf32>
    %neg3A_15 = arith.subf %neg3A_14, %abs3A : vector<128x256xf32>
    %exp3A = math.exp %neg3A_15 : vector<128x256xf32>
    %log1p3A = math.log1p %exp3A : vector<128x256xf32>
    %add3A_16 = arith.addf %max3A_10, %log1p3A : vector<128x256xf32>
    %select_n3A = arith.select %ne3A, %add3A_13, %add3A_16 : vector<128x256xi1>, vector<128x256xf32>
    %log3A = arith.constant 2.000000e+00 : f32
    %log3A_17 = math.log %log3A : f32
    %sub3A_18 = vector.broadcast %log3A_17 : f32 to vector<128x256xf32>
    %sub3A_19 = arith.subf %select_n3A, %sub3A_18 : vector<128x256xf32>
    %get3A_20 = arith.constant 0 : index
    %get3A_21 = arith.constant 0 : index
    %get3A_22 = vector.load %arg5[%get3A_20, %get3A_21] : memref<256x256xf32, #tpu.memory_space<vmem>>, vector<256x256xf32>
    %dot_general3A_23 = arith.constant dense<0.000000e+00> : vector<128x256xf32>
    %dot_general3A_24 = tpu.matmul %sub3A_19, %get3A_22, %dot_general3A_23 {dimension_numbers = #tpu.dot_dimension_numbers<[1], [0], [0], [1], [0, 0, 1, 1], [], []>, transpose_lhs_hint = false} : vector<128x256xf32>, vector<256x256xf32>, vector<128x256xf32> -> vector<128x256xf32>
    %get3A_25 = arith.constant 0 : index
    %get3A_26 = arith.constant 0 : index
    %get3A_27 = vector.load %arg6[%get3A_25, %get3A_26] : memref<1x256xf32, #tpu.memory_space<vmem>>, vector<1x256xf32>
    %add3A_28 = vector.broadcast %get3A_27 : vector<1x256xf32> to vector<128x256xf32>
    %add3A_29 = arith.addf %dot_general3A_24, %add3A_28 : vector<128x256xf32>
    %get3A_30 = arith.constant 0 : index
    %get3A_31 = arith.constant 0 : index
    %get3A_32 = vector.load %arg1[%get3A_30, %get3A_31] : memref<128x256xf32, #tpu.memory_space<vmem>>, vector<128x256xf32>
    %add3A_33 = arith.addf %get3A_32, %add3A_29 : vector<128x256xf32>
    %swap3A = arith.constant 0 : index
    %swap3A_34 = arith.constant 0 : index
    %swap3A_35 = vector.load %arg8[%swap3A, %swap3A_34] : memref<128x256xf32, #tpu.memory_space<vmem>>, vector<128x256xf32>
    tpu.vector_store %arg8[%swap3A, %swap3A_34], %add3A_33 {strides = array<i32>} : memref<128x256xf32, #tpu.memory_space<vmem>>, vector<128x256xf32>,
    %get3A_36 = arith.constant 0 : index
    %get3A_37 = arith.constant 0 : index
    %get3A_38 = vector.load %arg7[%get3A_36, %get3A_37] : memref<256x256xf32, #tpu.memory_space<vmem>>, vector<256x256xf32>
    %dot_general3A_39 = arith.constant dense<0.000000e+00> : vector<128x256xf32>
    %dot_general3A_40 = tpu.matmul %add3A_33, %get3A_38, %dot_general3A_39 {dimension_numbers = #tpu.dot_dimension_numbers<[1], [0], [0], [1], [0, 0, 1, 1], [], []>, transpose_lhs_hint = false} : vector<128x256xf32>, vector<256x256xf32>, vector<128x256xf32> -> vector<128x256xf32>
    %swap3A_41 = arith.constant 0 : index
    %swap3A_42 = arith.constant 0 : index
    %swap3A_43 = vector.load %arg9[%swap3A_41, %swap3A_42] : memref<128x256xf32, #tpu.memory_space<vmem>>, vector<128x256xf32>
    tpu.vector_store %arg9[%swap3A_41, %swap3A_42], %dot_general3A_40 {strides = array<i32>} : memref<128x256xf32, #tpu.memory_space<vmem>>, vector<128x256xf32>,
    return
  }
  func.func @transform_0(%arg0: i32) -> (i32, i32) {
    %c0_i32 = arith.constant 0 : i32
    %c0_i32_0 = arith.constant 0 : i32
    return %arg0, %c0_i32 : i32, i32
  }
  func.func @transform_1(%arg0: i32) -> (i32, i32) {
    %c0_i32 = arith.constant 0 : i32
    %c0_i32_0 = arith.constant 0 : i32
    return %arg0, %c0_i32 : i32, i32
  }
  func.func @transform_2(%arg0: i32) -> (i32, i32) {
    %c0_i32 = arith.constant 0 : i32
    %c0_i32_0 = arith.constant 0 : i32
    %c0_i32_1 = arith.constant 0 : i32
    return %c0_i32, %c0_i32_0 : i32, i32
  }
  func.func @transform_3(%arg0: i32) -> (i32, i32) {
    %c0_i32 = arith.constant 0 : i32
    %c0_i32_0 = arith.constant 0 : i32
    %c0_i32_1 = arith.constant 0 : i32
    return %c0_i32, %c0_i32_0 : i32, i32
  }
  func.func @transform_4(%arg0: i32) -> (i32, i32) {
    %c0_i32 = arith.constant 0 : i32
    %c0_i32_0 = arith.constant 0 : i32
    %c0_i32_1 = arith.constant 0 : i32
    return %c0_i32, %c0_i32_0 : i32, i32
  }
  func.func @transform_5(%arg0: i32) -> (i32, i32) {
    %c0_i32 = arith.constant 0 : i32
    %c0_i32_0 = arith.constant 0 : i32
    %c0_i32_1 = arith.constant 0 : i32
    return %c0_i32, %c0_i32_0 : i32, i32
  }
  func.func @transform_6(%arg0: i32) -> (i32, i32) {
    %c0_i32 = arith.constant 0 : i32
    %c0_i32_0 = arith.constant 0 : i32
    %c0_i32_1 = arith.constant 0 : i32
    return %c0_i32, %c0_i32_0 : i32, i32
  }
  func.func @transform_7(%arg0: i32) -> (i32, i32) {
    %c0_i32 = arith.constant 0 : i32
    %c0_i32_0 = arith.constant 0 : i32
    return %arg0, %c0_i32 : i32, i32
  }
  func.func @transform_8(%arg0: i32) -> (i32, i32) {
    %c0_i32 = arith.constant 0 : i32
    %c0_i32_0 = arith.constant 0 : i32
    return %arg0, %c0_i32 : i32, i32
  }
}

module attributes {stable_mosaic.version = 14 : i64} {
  func.func @_dense_kernel(%arg0: i32, %arg1: memref<128x256xf32, #tpu.memory_space<vmem>>, %arg2: memref<128x256xf32, #tpu.memory_space<vmem>>, %arg3: memref<256x256xf32, #tpu.memory_space<vmem>>, %arg4: memref<1x256xf32, #tpu.memory_space<vmem>>, %arg5: memref<256x256xf32, #tpu.memory_space<vmem>>, %arg6: memref<1x256xf32, #tpu.memory_space<vmem>>, %arg7: memref<256x256xf32, #tpu.memory_space<vmem>>, %arg8: memref<128x256xf32, #tpu.memory_space<vmem>>, %arg9: memref<128x256xf32, #tpu.memory_space<vmem>>) attributes {dimension_semantics = [#tpu.dimension_semantics<arbitrary>], iteration_bounds = array<i64: 79>, scalar_prefetch = 0 : i64, scratch_operands = 0 : i64, tpu.core_type = #tpu.core_type<tc>, window_params = [{transform_indices = @transform_0, window_bounds = array<i64: 128, 256>}, {transform_indices = @transform_1, window_bounds = array<i64: 128, 256>}, {pipeline_mode = #tpu.pipeline_mode<synchronous>, transform_indices = @transform_2, window_bounds = array<i64: 256, 256>}, {pipeline_mode = #tpu.pipeline_mode<synchronous>, transform_indices = @transform_3, window_bounds = array<i64: 1, 256>}, {pipeline_mode = #tpu.pipeline_mode<synchronous>, transform_indices = @transform_4, window_bounds = array<i64: 256, 256>}, {pipeline_mode = #tpu.pipeline_mode<synchronous>, transform_indices = @transform_5, window_bounds = array<i64: 1, 256>}, {pipeline_mode = #tpu.pipeline_mode<synchronous>, transform_indices = @transform_6, window_bounds = array<i64: 256, 256>}, {transform_indices = @transform_7, window_bounds = array<i64: 128, 256>}, {transform_indices = @transform_8, window_bounds = array<i64: 128, 256>}]} {
    %get3A = arith.constant 0 : index
    %get3A_0 = arith.constant 0 : index
    %get3A_1 = vector.load %arg2[%get3A, %get3A_0] : memref<128x256xf32, #tpu.memory_space<vmem>>, vector<128x256xf32>
    %get3A_2 = arith.constant 0 : index
    %get3A_3 = arith.constant 0 : index
    %get3A_4 = vector.load %arg3[%get3A_2, %get3A_3] : memref<256x256xf32, #tpu.memory_space<vmem>>, vector<256x256xf32>
    %dot_general3A = arith.constant dense<0.000000e+00> : vector<128x256xf32>
    %dot_general3A_5 = tpu.matmul %get3A_1, %get3A_4, %dot_general3A {dimension_numbers = #tpu.dot_dimension_numbers<[1], [0], [0], [1], [0, 0, 1, 1], [], []>, transpose_lhs_hint = false} : vector<128x256xf32>, vector<256x256xf32>, vector<128x256xf32> -> vector<128x256xf32>
    %get3A_6 = arith.constant 0 : index
    %get3A_7 = arith.constant 0 : index
    %get3A_8 = vector.load %arg4[%get3A_6, %get3A_7] : memref<1x256xf32, #tpu.memory_space<vmem>>, vector<1x256xf32>
    %add3A = vector.broadcast %get3A_8 : vector<1x256xf32> to vector<128x256xf32>
    %add3A_9 = arith.addf %dot_general3A_5, %add3A : vector<128x256xf32>
    %custom_jvp_call3A = arith.constant 0.000000e+00 : f32
    %max3A = vector.broadcast %custom_jvp_call3A : f32 to vector<128x256xf32>
    %max3A_10 = arith.maximumf %add3A_9, %max3A : vector<128x256xf32>
    %sub3A = vector.broadcast %custom_jvp_call3A : f32 to vector<128x256xf32>
    %sub3A_11 = arith.subf %add3A_9, %sub3A : vector<128x256xf32>
    %ne3A = arith.cmpf one, %sub3A_11, %sub3A_11 : vector<128x256xf32>
    %add3A_12 = vector.broadcast %custom_jvp_call3A : f32 to vector<128x256xf32>
    %add3A_13 = arith.addf %add3A_9, %add3A_12 : vector<128x256xf32>
    %abs3A = math.absf %sub3A_11 : vector<128x256xf32>
    %neg3A = arith.constant 0.000000e+00 : f32
    %neg3A_14 = vector.broadcast %neg3A : f32 to vector<128x256xf32>
    %neg3A_15 = arith.subf %neg3A_14, %abs3A : vector<128x256xf32>
    %exp3A = math.exp %neg3A_15 : vector<128x256xf32>
    %log1p3A = math.log1p %exp3A : vector<128x256xf32>
    %add3A_16 = arith.addf %max3A_10, %log1p3A : vector<128x256xf32>
    %select_n3A = arith.select %ne3A, %add3A_13, %add3A_16 : vector<128x256xi1>, vector<128x256xf32>
    %log3A = arith.constant 2.000000e+00 : f32
    %log3A_17 = math.log %log3A : f32
    %sub3A_18 = vector.broadcast %log3A_17 : f32 to vector<128x256xf32>
    %sub3A_19 = arith.subf %select_n3A, %sub3A_18 : vector<128x256xf32>
    %get3A_20 = arith.constant 0 : index
    %get3A_21 = arith.constant 0 : index
    %get3A_22 = vector.load %arg5[%get3A_20, %get3A_21] : memref<256x256xf32, #tpu.memory_space<vmem>>, vector<256x256xf32>
    %dot_general3A_23 = arith.constant dense<0.000000e+00> : vector<128x256xf32>
    %dot_general3A_24 = tpu.matmul %sub3A_19, %get3A_22, %dot_general3A_23 {dimension_numbers = #tpu.dot_dimension_numbers<[1], [0], [0], [1], [0, 0, 1, 1], [], []>, transpose_lhs_hint = false} : vector<128x256xf32>, vector<256x256xf32>, vector<128x256xf32> -> vector<128x256xf32>
    %get3A_25 = arith.constant 0 : index
    %get3A_26 = arith.constant 0 : index
    %get3A_27 = vector.load %arg6[%get3A_25, %get3A_26] : memref<1x256xf32, #tpu.memory_space<vmem>>, vector<1x256xf32>
    %add3A_28 = vector.broadcast %get3A_27 : vector<1x256xf32> to vector<128x256xf32>
    %add3A_29 = arith.addf %dot_general3A_24, %add3A_28 : vector<128x256xf32>
    %get3A_30 = arith.constant 0 : index
    %get3A_31 = arith.constant 0 : index
    %get3A_32 = vector.load %arg1[%get3A_30, %get3A_31] : memref<128x256xf32, #tpu.memory_space<vmem>>, vector<128x256xf32>
    %add3A_33 = arith.addf %get3A_32, %add3A_29 : vector<128x256xf32>
    %swap3A = arith.constant 0 : index
    %swap3A_34 = arith.constant 0 : index
    %swap3A_35 = vector.load %arg8[%swap3A, %swap3A_34] : memref<128x256xf32, #tpu.memory_space<vmem>>, vector<128x256xf32>
    tpu.vector_store %arg8[%swap3A, %swap3A_34], %add3A_33 {strides = array<i32>} : memref<128x256xf32, #tpu.memory_space<vmem>>, vector<128x256xf32>,
    %get3A_36 = arith.constant 0 : index
    %get3A_37 = arith.constant 0 : index
    %get3A_38 = vector.load %arg7[%get3A_36, %get3A_37] : memref<256x256xf32, #tpu.memory_space<vmem>>, vector<256x256xf32>
    %dot_general3A_39 = arith.constant dense<0.000000e+00> : vector<128x256xf32>
    %dot_general3A_40 = tpu.matmul %add3A_33, %get3A_38, %dot_general3A_39 {dimension_numbers = #tpu.dot_dimension_numbers<[1], [0], [0], [1], [0, 0, 1, 1], [], []>, transpose_lhs_hint = false} : vector<128x256xf32>, vector<256x256xf32>, vector<128x256xf32> -> vector<128x256xf32>
    %swap3A_41 = arith.constant 0 : index
    %swap3A_42 = arith.constant 0 : index
    %swap3A_43 = vector.load %arg9[%swap3A_41, %swap3A_42] : memref<128x256xf32, #tpu.memory_space<vmem>>, vector<128x256xf32>
    tpu.vector_store %arg9[%swap3A_41, %swap3A_42], %dot_general3A_40 {strides = array<i32>} : memref<128x256xf32, #tpu.memory_space<vmem>>, vector<128x256xf32>,
    return
  }
  func.func @transform_0(%arg0: i32) -> (i32, i32) {
    %c0_i32 = arith.constant 0 : i32
    %c0_i32_0 = arith.constant 0 : i32
    return %arg0, %c0_i32 : i32, i32
  }
  func.func @transform_1(%arg0: i32) -> (i32, i32) {
    %c0_i32 = arith.constant 0 : i32
    %c0_i32_0 = arith.constant 0 : i32
    return %arg0, %c0_i32 : i32, i32
  }
  func.func @transform_2(%arg0: i32) -> (i32, i32) {
    %c0_i32 = arith.constant 0 : i32
    %c0_i32_0 = arith.constant 0 : i32
    %c0_i32_1 = arith.constant 0 : i32
    return %c0_i32, %c0_i32_0 : i32, i32
  }
  func.func @transform_3(%arg0: i32) -> (i32, i32) {
    %c0_i32 = arith.constant 0 : i32
    %c0_i32_0 = arith.constant 0 : i32
    %c0_i32_1 = arith.constant 0 : i32
    return %c0_i32, %c0_i32_0 : i32, i32
  }
  func.func @transform_4(%arg0: i32) -> (i32, i32) {
    %c0_i32 = arith.constant 0 : i32
    %c0_i32_0 = arith.constant 0 : i32
    %c0_i32_1 = arith.constant 0 : i32
    return %c0_i32, %c0_i32_0 : i32, i32
  }
  func.func @transform_5(%arg0: i32) -> (i32, i32) {
    %c0_i32 = arith.constant 0 : i32
    %c0_i32_0 = arith.constant 0 : i32
    %c0_i32_1 = arith.constant 0 : i32
    return %c0_i32, %c0_i32_0 : i32, i32
  }
  func.func @transform_6(%arg0: i32) -> (i32, i32) {
    %c0_i32 = arith.constant 0 : i32
    %c0_i32_0 = arith.constant 0 : i32
    %c0_i32_1 = arith.constant 0 : i32
    return %c0_i32, %c0_i32_0 : i32, i32
  }
  func.func @transform_7(%arg0: i32) -> (i32, i32) {
    %c0_i32 = arith.constant 0 : i32
    %c0_i32_0 = arith.constant 0 : i32
    return %arg0, %c0_i32 : i32, i32
  }
  func.func @transform_8(%arg0: i32) -> (i32, i32) {
    %c0_i32 = arith.constant 0 : i32
    %c0_i32_0 = arith.constant 0 : i32
    return %arg0, %c0_i32 : i32, i32
  }
}

module attributes {stable_mosaic.version = 14 : i64} {
  func.func @_final_kernel(%arg0: i32, %arg1: memref<128x256xf32, #tpu.memory_space<vmem>>, %arg2: memref<128x256xf32, #tpu.memory_space<vmem>>, %arg3: memref<128x1xi32, #tpu.memory_space<vmem>>, %arg4: memref<256x256xf32, #tpu.memory_space<vmem>>, %arg5: memref<1x256xf32, #tpu.memory_space<vmem>>, %arg6: memref<256x256xf32, #tpu.memory_space<vmem>>, %arg7: memref<1x256xf32, #tpu.memory_space<vmem>>, %arg8: memref<256x128xf32, #tpu.memory_space<vmem>>, %arg9: memref<1x128xf32, #tpu.memory_space<vmem>>, %arg10: memref<128x1xf32, #tpu.memory_space<vmem>>, %arg11: memref<1x1xf32, #tpu.memory_space<vmem>>, %arg12: memref<1x512xf32, #tpu.memory_space<vmem>>) attributes {dimension_semantics = [#tpu.dimension_semantics<arbitrary>], iteration_bounds = array<i64: 79>, scalar_prefetch = 0 : i64, scratch_operands = 0 : i64, tpu.core_type = #tpu.core_type<tc>, window_params = [{transform_indices = @transform_0, window_bounds = array<i64: 128, 256>}, {transform_indices = @transform_1, window_bounds = array<i64: 128, 256>}, {transform_indices = @transform_2, window_bounds = array<i64: 128, 1>}, {pipeline_mode = #tpu.pipeline_mode<synchronous>, transform_indices = @transform_3, window_bounds = array<i64: 256, 256>}, {pipeline_mode = #tpu.pipeline_mode<synchronous>, transform_indices = @transform_4, window_bounds = array<i64: 1, 256>}, {pipeline_mode = #tpu.pipeline_mode<synchronous>, transform_indices = @transform_5, window_bounds = array<i64: 256, 256>}, {pipeline_mode = #tpu.pipeline_mode<synchronous>, transform_indices = @transform_6, window_bounds = array<i64: 1, 256>}, {pipeline_mode = #tpu.pipeline_mode<synchronous>, transform_indices = @transform_7, window_bounds = array<i64: 256, 128>}, {pipeline_mode = #tpu.pipeline_mode<synchronous>, transform_indices = @transform_8, window_bounds = array<i64: 1, 128>}, {pipeline_mode = #tpu.pipeline_mode<synchronous>, transform_indices = @transform_9, window_bounds = array<i64: 128, 1>}, {pipeline_mode = #tpu.pipeline_mode<synchronous>, transform_indices = @transform_10, window_bounds = array<i64: 1, 1>}, {pipeline_mode = #tpu.pipeline_mode<synchronous>, transform_indices = @transform_11, window_bounds = array<i64: 1, 512>}]} {
    %get3A = arith.constant 0 : index
    %get3A_0 = arith.constant 0 : index
    %get3A_1 = vector.load %arg2[%get3A, %get3A_0] : memref<128x256xf32, #tpu.memory_space<vmem>>, vector<128x256xf32>
    %get3A_2 = arith.constant 0 : index
    %get3A_3 = arith.constant 0 : index
    %get3A_4 = vector.load %arg4[%get3A_2, %get3A_3] : memref<256x256xf32, #tpu.memory_space<vmem>>, vector<256x256xf32>
    %dot_general3A = arith.constant dense<0.000000e+00> : vector<128x256xf32>
    %dot_general3A_5 = tpu.matmul %get3A_1, %get3A_4, %dot_general3A {dimension_numbers = #tpu.dot_dimension_numbers<[1], [0], [0], [1], [0, 0, 1, 1], [], []>, transpose_lhs_hint = false} : vector<128x256xf32>, vector<256x256xf32>, vector<128x256xf32> -> vector<128x256xf32>
    %get3A_6 = arith.constant 0 : index
    %get3A_7 = arith.constant 0 : index
    %get3A_8 = vector.load %arg5[%get3A_6, %get3A_7] : memref<1x256xf32, #tpu.memory_space<vmem>>, vector<1x256xf32>
    %add3A = vector.broadcast %get3A_8 : vector<1x256xf32> to vector<128x256xf32>
    %add3A_9 = arith.addf %dot_general3A_5, %add3A : vector<128x256xf32>
    %custom_jvp_call3A = arith.constant 0.000000e+00 : f32
    %max3A = vector.broadcast %custom_jvp_call3A : f32 to vector<128x256xf32>
    %max3A_10 = arith.maximumf %add3A_9, %max3A : vector<128x256xf32>
    %sub3A = vector.broadcast %custom_jvp_call3A : f32 to vector<128x256xf32>
    %sub3A_11 = arith.subf %add3A_9, %sub3A : vector<128x256xf32>
    %ne3A = arith.cmpf one, %sub3A_11, %sub3A_11 : vector<128x256xf32>
    %add3A_12 = vector.broadcast %custom_jvp_call3A : f32 to vector<128x256xf32>
    %add3A_13 = arith.addf %add3A_9, %add3A_12 : vector<128x256xf32>
    %abs3A = math.absf %sub3A_11 : vector<128x256xf32>
    %neg3A = arith.constant 0.000000e+00 : f32
    %neg3A_14 = vector.broadcast %neg3A : f32 to vector<128x256xf32>
    %neg3A_15 = arith.subf %neg3A_14, %abs3A : vector<128x256xf32>
    %exp3A = math.exp %neg3A_15 : vector<128x256xf32>
    %log1p3A = math.log1p %exp3A : vector<128x256xf32>
    %add3A_16 = arith.addf %max3A_10, %log1p3A : vector<128x256xf32>
    %select_n3A = arith.select %ne3A, %add3A_13, %add3A_16 : vector<128x256xi1>, vector<128x256xf32>
    %log3A = arith.constant 2.000000e+00 : f32
    %log3A_17 = math.log %log3A : f32
    %sub3A_18 = vector.broadcast %log3A_17 : f32 to vector<128x256xf32>
    %sub3A_19 = arith.subf %select_n3A, %sub3A_18 : vector<128x256xf32>
    %get3A_20 = arith.constant 0 : index
    %get3A_21 = arith.constant 0 : index
    %get3A_22 = vector.load %arg6[%get3A_20, %get3A_21] : memref<256x256xf32, #tpu.memory_space<vmem>>, vector<256x256xf32>
    %dot_general3A_23 = arith.constant dense<0.000000e+00> : vector<128x256xf32>
    %dot_general3A_24 = tpu.matmul %sub3A_19, %get3A_22, %dot_general3A_23 {dimension_numbers = #tpu.dot_dimension_numbers<[1], [0], [0], [1], [0, 0, 1, 1], [], []>, transpose_lhs_hint = false} : vector<128x256xf32>, vector<256x256xf32>, vector<128x256xf32> -> vector<128x256xf32>
    %get3A_25 = arith.constant 0 : index
    %get3A_26 = arith.constant 0 : index
    %get3A_27 = vector.load %arg7[%get3A_25, %get3A_26] : memref<1x256xf32, #tpu.memory_space<vmem>>, vector<1x256xf32>
    %add3A_28 = vector.broadcast %get3A_27 : vector<1x256xf32> to vector<128x256xf32>
    %add3A_29 = arith.addf %dot_general3A_24, %add3A_28 : vector<128x256xf32>
    %get3A_30 = arith.constant 0 : index
    %get3A_31 = arith.constant 0 : index
    %get3A_32 = vector.load %arg1[%get3A_30, %get3A_31] : memref<128x256xf32, #tpu.memory_space<vmem>>, vector<128x256xf32>
    %add3A_33 = arith.addf %get3A_32, %add3A_29 : vector<128x256xf32>
    %get3A_34 = arith.constant 0 : index
    %get3A_35 = arith.constant 0 : index
    %get3A_36 = vector.load %arg8[%get3A_34, %get3A_35] : memref<256x128xf32, #tpu.memory_space<vmem>>, vector<256x128xf32>
    %dot_general3A_37 = arith.constant dense<0.000000e+00> : vector<128x128xf32>
    %dot_general3A_38 = tpu.matmul %add3A_33, %get3A_36, %dot_general3A_37 {dimension_numbers = #tpu.dot_dimension_numbers<[1], [0], [0], [1], [0, 0, 1, 1], [], []>, transpose_lhs_hint = false} : vector<128x256xf32>, vector<256x128xf32>, vector<128x128xf32> -> vector<128x128xf32>
    %get3A_39 = arith.constant 0 : index
    %get3A_40 = arith.constant 0 : index
    %get3A_41 = vector.load %arg9[%get3A_39, %get3A_40] : memref<1x128xf32, #tpu.memory_space<vmem>>, vector<1x128xf32>
    %add3A_42 = vector.broadcast %get3A_41 : vector<1x128xf32> to vector<128x128xf32>
    %add3A_43 = arith.addf %dot_general3A_38, %add3A_42 : vector<128x128xf32>
    %custom_jvp_call3A_44 = arith.constant 0.000000e+00 : f32
    %max3A_45 = vector.broadcast %custom_jvp_call3A_44 : f32 to vector<128x128xf32>
    %max3A_46 = arith.maximumf %add3A_43, %max3A_45 : vector<128x128xf32>
    %sub3A_47 = vector.broadcast %custom_jvp_call3A_44 : f32 to vector<128x128xf32>
    %sub3A_48 = arith.subf %add3A_43, %sub3A_47 : vector<128x128xf32>
    %ne3A_49 = arith.cmpf one, %sub3A_48, %sub3A_48 : vector<128x128xf32>
    %add3A_50 = vector.broadcast %custom_jvp_call3A_44 : f32 to vector<128x128xf32>
    %add3A_51 = arith.addf %add3A_43, %add3A_50 : vector<128x128xf32>
    %abs3A_52 = math.absf %sub3A_48 : vector<128x128xf32>
    %neg3A_53 = arith.constant 0.000000e+00 : f32
    %neg3A_54 = vector.broadcast %neg3A_53 : f32 to vector<128x128xf32>
    %neg3A_55 = arith.subf %neg3A_54, %abs3A_52 : vector<128x128xf32>
    %exp3A_56 = math.exp %neg3A_55 : vector<128x128xf32>
    %log1p3A_57 = math.log1p %exp3A_56 : vector<128x128xf32>
    %add3A_58 = arith.addf %max3A_46, %log1p3A_57 : vector<128x128xf32>
    %select_n3A_59 = arith.select %ne3A_49, %add3A_51, %add3A_58 : vector<128x128xi1>, vector<128x128xf32>
    %log3A_60 = arith.constant 2.000000e+00 : f32
    %log3A_61 = math.log %log3A_60 : f32
    %sub3A_62 = vector.broadcast %log3A_61 : f32 to vector<128x128xf32>
    %sub3A_63 = arith.subf %select_n3A_59, %sub3A_62 : vector<128x128xf32>
    %get3A_64 = arith.constant 0 : index
    %get3A_65 = arith.constant 0 : index
    %get3A_66 = vector.load %arg10[%get3A_64, %get3A_65] : memref<128x1xf32, #tpu.memory_space<vmem>>, vector<128x1xf32>
    %dot_general3A_67 = arith.constant dense<0.000000e+00> : vector<128x1xf32>
    %dot_general3A_68 = tpu.matmul %sub3A_63, %get3A_66, %dot_general3A_67 {dimension_numbers = #tpu.dot_dimension_numbers<[1], [0], [0], [1], [0, 0, 1, 1], [], []>, transpose_lhs_hint = false} : vector<128x128xf32>, vector<128x1xf32>, vector<128x1xf32> -> vector<128x1xf32>
    %get3A_69 = arith.constant 0 : index
    %get3A_70 = arith.constant 0 : index
    %get3A_71 = vector.load %arg11[%get3A_69, %get3A_70] : memref<1x1xf32, #tpu.memory_space<vmem>>, vector<1x1xf32>
    %add3A_72 = vector.broadcast %get3A_71 : vector<1x1xf32> to vector<128x1xf32>
    %add3A_73 = arith.addf %dot_general3A_68, %add3A_72 : vector<128x1xf32>
    %get3A_74 = arith.constant 0 : index
    %get3A_75 = arith.constant 0 : index
    %get3A_76 = vector.load %arg3[%get3A_74, %get3A_75] : memref<128x1xi32, #tpu.memory_space<vmem>>, vector<128x1xi32>
    %iota3A = tpu.iota {dimensions = array<i32: 1>} : vector<128x512xi32>
    %eq3A = vector.broadcast %get3A_76 : vector<128x1xi32> to vector<128x512xi32>
    %eq3A_77 = arith.cmpi eq, %eq3A, %iota3A : vector<128x512xi32>
    %jit3A = arith.constant 0.000000e+00 : f32
    %broadcast_in_dim3A = vector.shape_cast %add3A_73 : vector<128x1xf32> to vector<128x1xf32>
    %broadcast_in_dim3A_78 = vector.broadcast %broadcast_in_dim3A : vector<128x1xf32> to vector<128x512xf32>
    %broadcast_in_dim3A_79 = vector.broadcast %jit3A : f32 to vector<128x512xf32>
    %select_n3A_80 = arith.select %eq3A_77, %broadcast_in_dim3A_78, %broadcast_in_dim3A_79 : vector<128x512xi1>, vector<128x512xf32>
    %reduce_sum3A = arith.constant dense<0.000000e+00> : vector<512xf32>
    %reduce_sum3A_81 = vector.multi_reduction <add>, %select_n3A_80, %reduce_sum3A [0] : vector<128x512xf32> to vector<512xf32>
    %broadcast_in_dim3A_82 = vector.shape_cast %reduce_sum3A_81 : vector<512xf32> to vector<1x512xf32>
    %eq3A_83 = arith.constant 0 : i32
    %eq3A_84 = arith.cmpi eq, %arg0, %eq3A_83 : i32
    %convert_element_type3A = arith.extui %eq3A_84 : i1 to i32
    %cond3A = arith.constant 0 : i32
    %cond3A_85 = arith.cmpi ne, %convert_element_type3A, %cond3A : i32
    scf.if %cond3A_85 {
      %broadcast_in_dim3A_92 = arith.constant 0.000000e+00 : f32
      %broadcast_in_dim3A_93 = vector.broadcast %broadcast_in_dim3A_92 : f32 to vector<1x512xf32>
      %swap3A_94 = arith.constant 0 : index
      %swap3A_95 = arith.constant 0 : index
      %swap3A_96 = vector.load %arg12[%swap3A_94, %swap3A_95] : memref<1x512xf32, #tpu.memory_space<vmem>>, vector<1x512xf32>
      tpu.vector_store %arg12[%swap3A_94, %swap3A_95], %broadcast_in_dim3A_93 {strides = array<i32>} : memref<1x512xf32, #tpu.memory_space<vmem>>, vector<1x512xf32>,
    } else {
    }
    %get3A_86 = arith.constant 0 : index
    %get3A_87 = arith.constant 0 : index
    %get3A_88 = vector.load %arg12[%get3A_86, %get3A_87] : memref<1x512xf32, #tpu.memory_space<vmem>>, vector<1x512xf32>
    %add3A_89 = arith.addf %get3A_88, %broadcast_in_dim3A_82 : vector<1x512xf32>
    %swap3A = arith.constant 0 : index
    %swap3A_90 = arith.constant 0 : index
    %swap3A_91 = vector.load %arg12[%swap3A, %swap3A_90] : memref<1x512xf32, #tpu.memory_space<vmem>>, vector<1x512xf32>
    tpu.vector_store %arg12[%swap3A, %swap3A_90], %add3A_89 {strides = array<i32>} : memref<1x512xf32, #tpu.memory_space<vmem>>, vector<1x512xf32>,
    return
  }
  func.func @transform_0(%arg0: i32) -> (i32, i32) {
    %c0_i32 = arith.constant 0 : i32
    %c0_i32_0 = arith.constant 0 : i32
    return %arg0, %c0_i32 : i32, i32
  }
  func.func @transform_1(%arg0: i32) -> (i32, i32) {
    %c0_i32 = arith.constant 0 : i32
    %c0_i32_0 = arith.constant 0 : i32
    return %arg0, %c0_i32 : i32, i32
  }
  func.func @transform_2(%arg0: i32) -> (i32, i32) {
    %c0_i32 = arith.constant 0 : i32
    %c0_i32_0 = arith.constant 0 : i32
    return %arg0, %c0_i32 : i32, i32
  }
  func.func @transform_3(%arg0: i32) -> (i32, i32) {
    %c0_i32 = arith.constant 0 : i32
    %c0_i32_0 = arith.constant 0 : i32
    %c0_i32_1 = arith.constant 0 : i32
    return %c0_i32, %c0_i32_0 : i32, i32
  }
  func.func @transform_4(%arg0: i32) -> (i32, i32) {
    %c0_i32 = arith.constant 0 : i32
    %c0_i32_0 = arith.constant 0 : i32
    %c0_i32_1 = arith.constant 0 : i32
    return %c0_i32, %c0_i32_0 : i32, i32
  }
  func.func @transform_5(%arg0: i32) -> (i32, i32) {
    %c0_i32 = arith.constant 0 : i32
    %c0_i32_0 = arith.constant 0 : i32
    %c0_i32_1 = arith.constant 0 : i32
    return %c0_i32, %c0_i32_0 : i32, i32
  }
  func.func @transform_6(%arg0: i32) -> (i32, i32) {
    %c0_i32 = arith.constant 0 : i32
    %c0_i32_0 = arith.constant 0 : i32
    %c0_i32_1 = arith.constant 0 : i32
    return %c0_i32, %c0_i32_0 : i32, i32
  }
  func.func @transform_7(%arg0: i32) -> (i32, i32) {
    %c0_i32 = arith.constant 0 : i32
    %c0_i32_0 = arith.constant 0 : i32
    %c0_i32_1 = arith.constant 0 : i32
    return %c0_i32, %c0_i32_0 : i32, i32
  }
  func.func @transform_8(%arg0: i32) -> (i32, i32) {
    %c0_i32 = arith.constant 0 : i32
    %c0_i32_0 = arith.constant 0 : i32
    %c0_i32_1 = arith.constant 0 : i32
    return %c0_i32, %c0_i32_0 : i32, i32
  }
  func.func @transform_9(%arg0: i32) -> (i32, i32) {
    %c0_i32 = arith.constant 0 : i32
    %c0_i32_0 = arith.constant 0 : i32
    %c0_i32_1 = arith.constant 0 : i32
    return %c0_i32, %c0_i32_0 : i32, i32
  }
  func.func @transform_10(%arg0: i32) -> (i32, i32) {
    %c0_i32 = arith.constant 0 : i32
    %c0_i32_0 = arith.constant 0 : i32
    %c0_i32_1 = arith.constant 0 : i32
    return %c0_i32, %c0_i32_0 : i32, i32
  }
  func.func @transform_11(%arg0: i32) -> (i32, i32) {
    %c0_i32 = arith.constant 0 : i32
    %c0_i32_0 = arith.constant 0 : i32
    %c0_i32_1 = arith.constant 0 : i32
    return %c0_i32, %c0_i32_0 : i32, i32
  }
}

</mosaic_0001>

<sc_bundles>
// kernel: kernel.12.cloned.1.call-start
scs
__scs_entry_jumppad:
0x0: {  	(pc) =	sbr.rel $0x88, $3  }
0x1: {  	(tag) =	ssettag $0x0;
	lr =	simm.s32 $0x1  }
0x2: {  	[smem:$0x3F90] =	sst lr;
	_ =	strace $0xD0000000  }
0x3: {  	_ = 	snop  }
0x4: {  	_ = 	snop  }
0x5: {  	_ = 	snop  }
0x6: {  	_ = 	snop  }
0x7: {  	_ = 	snop  }
__scs_overlays_trampoline_lowered:
0x8: {  	[smem:$0x3F9F] =	sst s0  }
0x9: {  	[smem:$0x3FA0] =	sst s1  }
0xa: {  	[smem:$0x3FA1] =	sst s2  }
0xb: {  	[smem:$0x3FA2] =	sst s3  }
0xc: {  	[smem:$0x3FA3] =	sst s4  }
0xd: {  	[smem:$0x3FA4] =	sst s5  }
0xe: {  	[smem:$0x3FA5] =	sst s6  }
0xf: {  	[smem:$0x3FA6] =	sst s7  }
0x10: {  	[smem:$0x3FA7] =	sst s8  }
0x11: {  	[smem:$0x3FA8] =	sst s9;
	s0 =	simm.s32 @!p0 $0x0  }
0x12: {  	s1 =	sld [smem:$0x3F8E];
	s0 =	simm.s32 @p0 $0x1  }
0x13: {  	[smem:$0x3FA9] =	sst s0;
	s0 =	simm.s32 @!p1 $0x0  }
0x14: {  	s2 =	sld [smem:$0x3F8D];
	s0 =	simm.s32 @p1 $0x1  }
0x15: {  	[smem:$0x3FAA] =	sst s0;
	s0 =	simm.s32 @!p2 $0x0  }
0x16: {  	s3 =	sld [smem:$0x3FDB];
	s0 =	simm.s32 @p2 $0x1  }
0x17: {  	s4 =	simm.s32 $0x1BF5;
	[smem:$0x3FAC] =	sst s0  }
0x18: {  	s0 =	sld [smem:$0x3F8F];
	_ =	swait.ge [sflag:s4], $0x0  }
0x19: {  	s7 =	sld [smem:$0x3F90]  }
0x1a: {  	s8 =	sadd.s32 $0xFFFFE003, lr  }
0x1b: {  	s9 =	sadd.s32 $0xFFFFFEF7, lr;
	s5 =	simm.s32 $0xFFFFFFFF;
	p2 =	slt.u32 s8, $0xFFFFF086  }
0x1c: {  	p1 =	slt.u32 s9, $0xF7A;
	s5 =	simm.s32 @!p2 $0x0  }
0x1d: {  	s5 =	simm.s32 @p1 $0x1;
	p0 =	seq.s32 s7, s2  }
0x1e: {  	s7 =	smul.u32 @!p0 $0xF7A, s2;
	p2 =	seq.s32 @!p0 s5, $0x0  }
0x1f: {  	s9 =	smul.u32 $0xF7A, s1;
	s8 =	simm.s32 @!p0 $0x1BF5;
	p2 =	por !p2, p0  }
0x20: {  	[sflag:s8] =	ssyncset.s32 @!p0 $0xFFFFF086;
	s6 =	sadd.s32 @!p0 s3, s7;
	s7 =	simm.s32 @!p0 $0x108  }
0x21: {  	s3 =	sadd.s32 s3, s9;
	s6 =	sadd.s32 @!p0 $0x88, s6;
	s7 =	simm.s32 @p2 $0x1082  }
0x22: {  	[simem:s7], [sflag:s8] =	dma.local @!p0 [hbm:s6], $0xF7A  }
0x23: {  	s9 =	sor.u32 $0xD0000000, s2;
	s6 =	simm.s32 $0x108;
	_ =	swait.ge @!p0 [sflag:s8], $0x0  }
0x24: {  	s3 =	sadd.s32 $0x88, s3;
	s6 =	simm.s32 @!p1 $0x1082;
	[sflag:s4] =	ssyncset.s32 $0xFFFFF086  }
0x25: {  	[simem:s6], [sflag:s4] =	dma.local [hbm:s3], $0xF7A  }
0x26: {  	[smem:$0x3F90] =	sst s1;
	(tag) =	ssettag s2;
	_ =	strace s9  }
0x27: {  	s1 =	sld [smem:$0x3FA0]  }
0x28: {  	s2 =	sld [smem:$0x3FA1]  }
0x29: {  	s4 =	sld [smem:$0x3FA3]  }
0x2a: {  	p0 =	seq.s32 s5, $0x0;
	s5 =	sld [smem:$0x3FA4]  }
0x2b: {  	s6 =	sld [smem:$0x3FA5]  }
0x2c: {  	s7 =	sld [smem:$0x3FA6]  }
0x2d: {  	s3 =	simm.s32 $0x108;
	s8 =	sld [smem:$0x3FA7]  }
0x2e: {  	s3 =	simm.s32 @!p0 $0x1082;
	s9 =	sld [smem:$0x3FA8]  }
0x2f: {  	lr =	sadd.s32 s0, s3;
	s0 =	sld [smem:$0x3F9F]  }
0x30: {  	s3 =	sld [smem:$0x3FA2]  }
0x31: {  	[smem:$0x3FAB] =	sst s10  }
0x32: {  	s10 =	sld [smem:$0x3FA9];
	_ =	sdelay $0x3  }
0x33: {  	p0 =	seq.s32 s10, $0x1;
	s10 =	sld [smem:$0x3FAB];
	_ =	sdelay $0x3  }
0x34: {  	[smem:$0x3FAB] =	sst s10  }
0x35: {  	s10 =	sld [smem:$0x3FAA];
	_ =	sdelay $0x3  }
0x36: {  	p1 =	seq.s32 s10, $0x1;
	s10 =	sld [smem:$0x3FAB];
	_ =	sdelay $0x3  }
0x37: {  	[smem:$0x3FAB] =	sst s10  }
0x38: {  	s10 =	sld [smem:$0x3FAC]  }
0x39: {  	_ = 	snop;
	(pc) =	sbr.ind lr, $3  }
0x3a: {  	_ = 	snop  }
0x3b: {  	_ = 	snop  }
0x3c: {  	p2 =	seq.s32 s10, $0x1;
	s10 =	sld [smem:$0x3FAB]  }
0x3d: {  	_ =	shalt  }
0x3e: {  	_ =	shalt  }
0x3f: {  	_ =	shalt  }
0x40: {  	_ =	shalt  }
0x41: {  	_ =	shalt  }
0x42: {  	_ =	shalt  }
0x43: {  	_ =	shalt  }
0x44: {  	_ =	shalt  }
0x45: {  	_ =	shalt  }
0x46: {  	_ =	shalt  }
0x47: {  	_ =	shalt  }
0x48: {  	_ =	shalt  }
0x49: {  	_ =	shalt  }
0x4a: {  	_ =	shalt  }
0x4b: {  	_ =	shalt  }
0x4c: {  	_ =	shalt  }
0x4d: {  	_ =	shalt  }
0x4e: {  	_ =	shalt  }
0x4f: {  	_ =	shalt  }
0x50: {  	_ =	shalt  }
0x51: {  	_ =	shalt  }
0x52: {  	_ =	shalt  }
0x53: {  	_ =	shalt  }
0x54: {  	_ =	shalt  }
0x55: {  	_ =	shalt  }
0x56: {  	_ =	shalt  }
0x57: {  	_ =	shalt  }
0x58: {  	_ =	shalt  }
0x59: {  	_ =	shalt  }
0x5a: {  	_ =	shalt  }
0x5b: {  	_ =	shalt  }
0x5c: {  	_ =	shalt  }
0x5d: {  	_ =	shalt  }
0x5e: {  	_ =	shalt  }
0x5f: {  	_ =	shalt  }
0x60: {  	_ =	shalt  }
0x61: {  	_ =	shalt  }
0x62: {  	_ =	shalt  }
0x63: {  	_ =	shalt  }
0x64: {  	_ =	shalt  }
0x65: {  	_ =	shalt  }
0x66: {  	_ =	shalt  }
0x67: {  	_ =	shalt  }
0x68: {  	_ =	shalt  }
0x69: {  	_ =	shalt  }
0x6a: {  	_ =	shalt  }
0x6b: {  	_ =	shalt  }
0x6c: {  	_ =	shalt  }
0x6d: {  	_ =	shalt  }
0x6e: {  	_ =	shalt  }
0x6f: {  	_ =	shalt  }
0x70: {  	_ =	shalt  }
0x71: {  	_ =	shalt  }
0x72: {  	_ =	shalt  }
0x73: {  	_ =	shalt  }
0x74: {  	_ =	shalt  }
0x75: {  	_ =	shalt  }
0x76: {  	_ =	shalt  }
0x77: {  	_ =	shalt  }
0x78: {  	_ =	shalt  }
0x79: {  	_ =	shalt  }
0x7a: {  	_ =	shalt  }
0x7b: {  	_ =	shalt  }
0x7c: {  	_ =	shalt  }
0x7d: {  	_ =	shalt  }
0x7e: {  	_ =	shalt  }
0x7f: {  	_ =	shalt  }
0x80: {  	_ =	shalt  }
0x81: {  	_ =	shalt  }
0x82: {  	_ =	shalt  }
0x83: {  	_ =	shalt  }
0x84: {  	_ =	shalt  }
0x85: {  	_ =	shalt  }
0x86: {  	_ =	shalt  }
0x87: {  	_ =	shalt  }
.Lfunc_end0:
.L_simem_size_0:
called_computation_lowered:
.L_overlay_start_0:
0x88: {  	s2 =	sld [smem:$0x3FD9]  }
0x89: {  	s3 =	sld [smem:$0x3FFE];
	_ =	sdelay $0x1  }
0x8a: {  	s1 =	srdreg.scid  }
0x8b: {  	s0 =	sand.u32 $0x1, s1  }
0x8c: {  	s17 =	sshll.u32 s0, $0xA;
	s2 =	sadd.s32 s3, s2  }
0x8d: {  	s2 =	sadd.s32 s2, s17  }
0x8e: {  	[smem:$0x3FB7] =	sst s2  }
0x8f: {  	_ = 	snop  }
0x90: {  	s2 =	sld [smem:$0x3FC6];
	(tm) =	ssettm $0x1  }
0x91: {  	s18 =	sld [smem:$0x3FFB];
	_ =	sdelay $0x3  }
0x92: {  	_ =	strace s18  }
0x93: {  	s3 =	sld [smem:$0x3FFC];
	_ =	sdelay $0x3  }
0x94: {  	_ =	strace s3  }
0x95: {  	s3 =	sld [smem:$0x3FFD];
	_ =	sdelay $0x3  }
0x96: {  	_ =	strace s3  }
0x97: {  	_ =	strace $0x8FFFFFFF  }
0x98: {  	s19 =	sld [smem:$0x3FDB];
	_ =	sdelay $0x1  }
0x99: {  	s4 =	simm.s32 $_scs_section_size  }
0x9a: {  	s5 =	simm.s32 $_size__tile_overlayer_lowered;
	s6 =	simm.s32 $_tile_overlayer_lowered  }
0x9b: {  	s22 =	simm.s32 $0x1BFF;
	s21 =	sshll.u32 s6, $0x1;
	s3 =	sadd.s32 s4, s19  }
0x9c: {  	s7 =	simm.s32 $0x0;
	s20 =	sshll.u32 s5, $0x1;
	s5 =	sadd.s32 s21, s3  }
0x9d: {  	[timem:s7], [sflag:s22] =	dma.local [hbm:s5], s20  }
0x9e: {  	_ =	swait.ge [sflag:s22], s20  }
0x9f: {  	s4 =	ssub.s32 $0x0, s20;
	[sflag:s22] =	ssyncset.done $0x0  }
0xa0: {  	[sflag:s22] =	ssyncadd.s32 s4;
	_ =	sdelay $0x1  }
0xa1: {  	s23 =	simm.s32 $0x1B8B  }
0xa2: {  	_ =	swait.ge [sflag:s23], $0x1  }
0xa3: {  	[sflag:s23] =	ssyncset.done $0x0  }
0xa4: {  	s25 =	simm.s32 $0x1B8E;
	s24 =	sld [smem:$0x3FFE];
	[sflag:s23] =	ssyncadd.s32 $0xFFFFFFFF  }
0xa5: {  	s26 =	simm.s32 $execute0_lowered;
	[smem:$0x3FD2] =	sst s25  }
0xa6: {  	s5 =	sshll.u32 s26, $0x1;
	_ =	strace $0x80000046;
	[dreg:$0x1] =	wrdreg $0xFFFFFFFF  }
0xa7: {  	s28 =	simm.s32 $_size_execute0_lowered;
	s3 =	sadd.s32 s3, s5;
	[dreg:$0x0] =	wrdreg $0x0  }
0xa8: {  	s5 =	sshll.u32 s28, $0x1;
	[dreg:$0x2] =	wrdreg s3  }
0xa9: {  	[dreg:$0x3] =	wrdreg s5  }
0xaa: {  	[dreg:$0x4] =	wrdreg $0xC0  }
0xab: {  	_ =	task [dreg:s7], $0x5FFFF  }
0xac: {  	[dreg:$0x1] =	wrdreg $0xFFFFFFFF  }
0xad: {  	[dreg:$0x0] =	wrdreg $0x60  }
0xae: {  	[dreg:$0x2] =	wrdreg s2  }
0xaf: {  	[dreg:$0x3] =	wrdreg s24  }
0xb0: {  	[dreg:$0x4] =	wrdreg $0x9  }
0xb1: {  	_ =	task.clear_ibuf [dreg:s7], $0x5FFFF;
	_ =	strace $0x90000046  }
0xb2: {  	s29 =	simm.s32 $0x9;
	_ =	strace $0x80000048  }
0xb3: {  	_ =	swait.ge [sflag:s29], $0x1  }
0xb4: {  	[sflag:s29] =	ssyncadd.s32 $0xFFFFFFFF  }
0xb5: {  	_ =	strace $0x90000048  }
0xb6: {  	_ =	sfence  }
0xb7: {  	s30 =	sld [smem:$0x0];
	_ =	sdelay $0x2  }
0xb8: {  	s31 =	sshll.u32 s1, $0xD;
	s1 =	sshrl.u32 s1, $0x2  }
0xb9: {  	s3 =	sand.u32 $0x4000, s31;
	s1 =	sadd.s32 s1, s30  }
0xba: {  	s0 =	sor.u32 s3, s0;
	s1 =	sshll.u32 s1, $0x11  }
0xbb: {  	s0 =	sor.u32 s1, s0  }
0xbc: {  	s0 =	sadd.s32 $0x8F2B, s0  }
0xbd: {  	[sflag:s0] =	ssyncadd.remote.s32 $0x1  }
0xbe: {  	_ =	sfence.sel $0xFFFF  }
0xbf: {  	[dreg:$0x0] =	wrdreg $0xFFFFFFFF;
	(pc) =	sbr.abs _section_cstart, $3  }
0xc0: {  	[dreg:$0x1] =	wrdreg $0xFFFFFFFF  }
0xc1: {  	_ =	task.clear_ibuf [dreg:s7], $0x2FFFF;
	_ =	strace $0x9FFFFFFF  }
0xc2: {  	(tm) =	ssettm $0x7FFFFFFF  }
0xc3: {  	_ =	shalt  }
tec
execute0_lowered:
.L_overlay_start_1:
0x0: {  	(tag) =	ssettag $0x1  }
0x1: {  	s2 =	rddreg [dreg:$0x0]  }
0x2: {  	s4 =	rddreg [dreg:$0x1]  }
0x3: {  	s0 =	rddreg [dreg:$0x2];
	s5 =	srdreg.scid  }
0x4: {  	s1 =	stileid.u32;
	s3 =	simm.s32 $0x0;
	s15 =	simm.s32 $0x880  }
0x5: {  	s16 =	simm.s32 $0x1080;
	s17 =	simm.s32 $0x1880;
	s18 =	simm.s32 $0x2080  }
0x6: {  	s19 =	simm.s32 $0x2880;
	s20 =	simm.s32 $0x3080;
	s21 =	simm.s32 $0x3880  }
0x7: {  	s22 =	simm.s32 $0x4080;
	s5 =	sand.u32 $0x1, s5;
	s6 =	sshll.u32 s1, $0x1  }
0x8: {  	s23 =	simm.s32 $0x4880;
	s24 =	simm.s32 $0x1;
	s6 =	sor.u32 s5, s6  }
0x9: {  	[smem:$0x7FF] =	sst s3;
	s5 =	ssub.s32 $0x2, s5;
	s9 =	smul.u32 $0x140, s6  }
0xa: {  	s10 =	sadd.s32 $0x5800, s4;
	s7 =	sshrl.u32 s5, $0x1;
	s6 =	smul.u32 $0x2800, s6  }
0xb: {  	s11 =	sadd.s32 $0x5E00, s4;
	_ =	strace $0x80000047;
	s12 =	ssub.s32 s5, s7  }
0xc: {  	s26 =	sshrl.u32 s9, $0x3;
	s5 =	sadd.s32 s11, s6;
	s28 =	sadd.s32 $0x50, s9  }
0xd: {  	s13 =	sadd.s32 $0xA0, s9;
	s14 =	sadd.s32 $0xF0, s9;
	s12 =	smax.u32 s12, $0x1  }
0xe: {  	s4 =	sadd.s32 s10, s26;
	s29 =	sshrl.u32 s28, $0x3;
	s8 =	sshll.u32 s28, $0x5  }
0xf: {  	s30 =	sshrl.u32 s13, $0x3;
	s13 =	sshll.u32 s13, $0x5;
	s31 =	sshrl.u32 s14, $0x3  }
0x10: {  	v2 =	vlaneseq.u32;
	s14 =	sshll.u32 s14, $0x5;
	s6 =	sadd.s32 s10, s29;
	s7 =	sadd.s32 s11, s8  }
0x11: {  	vm0 =	vmmov $0xffff;
	v1 =	vshrl.u32 v2, $0x3;
	s8 =	sadd.s32 s10, s30;
	s9 =	sadd.s32 s11, s13;
	s10 =	sadd.s32 s10, s31  }
0x12: {  	v0 =	vand.u32 $0x7, v2;
	v2 =	vor.u32 $0x8, v2;
	v1 =	vmul.u32 $0x8, v1;
	s11 =	sadd.s32 s11, s14;
	s13 =	simm.s32 $0x2;
	s14 =	simm.s32 $0x80  }
.LBB2_1:
0x13: {  	[tilespmem:s3], [sflag:$0x2] =	stream.linear.gather [hbm4b:s4+s3], $0x50, $0x38;
	[tilespmem:$0x5080] =	vst v63  }
0x14: {  	_ =	swait.ge [sflag:s13], $0x50  }
0x15: {  	[sflag:s13] =	ssyncset.done $0x0  }
0x16: {  	[sflag:s13] =	ssyncadd.s32 $0xFFFFFFB0  }
0x17: {  	v3 =	vld [tilespmem:$0x0];
	_ =	sdelay $0x4  }
0x18: {  	v4 =	vshll.u32 v3, $0x1  }
0x19: {  	v3 =	vand.u32 $0x7, v3;
	v4 =	vand.u32 $0xFFFFFFF0, v4  }
0x1a: {  	v3 =	vor.u32 v3, v4  }
0x1b: {  	v4 =	vperm.xlane v3, v0;
	_ =	sdelay $0x1  }
0x1c: {  	v3 =	vperm.xlane v3, v2;
	v4 =	vadd.s32 v1, v4;
	_ =	sdelay $0x1  }
0x1d: {  	v3 =	vadd.s32 v1, v3;
	_ =	sdelay $0x2  }
0x1e: {  	[tilespmem:s14], [sflag:$0x1] =	stream.indirect_vreg.gather [hbm4b:s2+s3], $0x80, v4, vm0, $0xb8;
	[tilespmem:$0x5080] =	vst v63  }
0x1f: {  	_ = 	snop  }
0x20: {  	[tilespmem:s15], [sflag:$0x1] =	stream.indirect_vreg.gather [hbm4b:s2+s3], $0x80, v3, vm0, $0xb8;
	[tilespmem:$0x5080] =	vst v63  }
0x21: {  	v3 =	vld [tilespmem:$0x10];
	_ =	sdelay $0x4  }
0x22: {  	v45 =	vshll.u32 v3, $0x1  }
0x23: {  	v3 =	vand.u32 $0x7, v3;
	v4 =	vand.u32 $0xFFFFFFF0, v45  }
0x24: {  	v3 =	vor.u32 v3, v4  }
0x25: {  	v4 =	vperm.xlane v3, v0;
	_ =	sdelay $0x1  }
0x26: {  	v3 =	vperm.xlane v3, v2;
	v4 =	vadd.s32 v1, v4;
	_ =	sdelay $0x1  }
0x27: {  	v3 =	vadd.s32 v1, v3;
	_ =	sdelay $0x2  }
0x28: {  	[tilespmem:s16], [sflag:$0x1] =	stream.indirect_vreg.gather [hbm4b:s2+s3], $0x80, v4, vm0, $0xb8;
	[tilespmem:$0x5080] =	vst v63  }
0x29: {  	_ = 	snop  }
0x2a: {  	[tilespmem:s17], [sflag:$0x1] =	stream.indirect_vreg.gather [hbm4b:s2+s3], $0x80, v3, vm0, $0xb8;
	[tilespmem:$0x5080] =	vst v63  }
0x2b: {  	v3 =	vld [tilespmem:$0x20];
	_ =	sdelay $0x4  }
0x2c: {  	v46 =	vshll.u32 v3, $0x1  }
0x2d: {  	v3 =	vand.u32 $0x7, v3;
	v4 =	vand.u32 $0xFFFFFFF0, v46  }
0x2e: {  	v3 =	vor.u32 v3, v4  }
0x2f: {  	v4 =	vperm.xlane v3, v0;
	_ =	sdelay $0x1  }
0x30: {  	v3 =	vperm.xlane v3, v2;
	v4 =	vadd.s32 v1, v4;
	_ =	sdelay $0x1  }
0x31: {  	v3 =	vadd.s32 v1, v3;
	_ =	sdelay $0x2  }
0x32: {  	[tilespmem:s18], [sflag:$0x1] =	stream.indirect_vreg.gather [hbm4b:s2+s3], $0x80, v4, vm0, $0xb8;
	[tilespmem:$0x5080] =	vst v63  }
0x33: {  	_ = 	snop  }
0x34: {  	[tilespmem:s19], [sflag:$0x1] =	stream.indirect_vreg.gather [hbm4b:s2+s3], $0x80, v3, vm0, $0xb8;
	[tilespmem:$0x5080] =	vst v63  }
0x35: {  	v3 =	vld [tilespmem:$0x30];
	_ =	sdelay $0x4  }
0x36: {  	v47 =	vshll.u32 v3, $0x1  }
0x37: {  	v3 =	vand.u32 $0x7, v3;
	v4 =	vand.u32 $0xFFFFFFF0, v47  }
0x38: {  	v3 =	vor.u32 v3, v4  }
0x39: {  	v4 =	vperm.xlane v3, v0;
	_ =	sdelay $0x1  }
0x3a: {  	v3 =	vperm.xlane v3, v2;
	v4 =	vadd.s32 v1, v4;
	_ =	sdelay $0x1  }
0x3b: {  	v3 =	vadd.s32 v1, v3;
	_ =	sdelay $0x2  }
0x3c: {  	[tilespmem:s20], [sflag:$0x1] =	stream.indirect_vreg.gather [hbm4b:s2+s3], $0x80, v4, vm0, $0xb8;
	[tilespmem:$0x5080] =	vst v63  }
0x3d: {  	_ = 	snop  }
0x3e: {  	[tilespmem:s21], [sflag:$0x1] =	stream.indirect_vreg.gather [hbm4b:s2+s3], $0x80, v3, vm0, $0xb8;
	[tilespmem:$0x5080] =	vst v63  }
0x3f: {  	v3 =	vld [tilespmem:$0x40];
	_ =	sdelay $0x4  }
0x40: {  	v48 =	vshll.u32 v3, $0x1  }
0x41: {  	v3 =	vand.u32 $0x7, v3;
	v4 =	vand.u32 $0xFFFFFFF0, v48  }
0x42: {  	v3 =	vor.u32 v3, v4  }
0x43: {  	v4 =	vperm.xlane v3, v0;
	_ =	sdelay $0x1  }
0x44: {  	v3 =	vperm.xlane v3, v2;
	v4 =	vadd.s32 v1, v4;
	_ =	sdelay $0x1  }
0x45: {  	v3 =	vadd.s32 v1, v3;
	_ =	sdelay $0x2  }
0x46: {  	[tilespmem:s22], [sflag:$0x1] =	stream.indirect_vreg.gather [hbm4b:s2+s3], $0x80, v4, vm0, $0xb8;
	[tilespmem:$0x5080] =	vst v63  }
0x47: {  	_ = 	snop  }
0x48: {  	[tilespmem:s23], [sflag:$0x1] =	stream.indirect_vreg.gather [hbm4b:s2+s3], $0x80, v3, vm0, $0xb8;
	[tilespmem:$0x5080] =	vst v63  }
0x49: {  	_ =	swait.ge [sflag:s24], $0x5000  }
0x4a: {  	[sflag:s24] =	ssyncset.done $0x0  }
0x4b: {  	[sflag:s24] =	ssyncadd.s32 $0xFFFFB000  }
0x4c: {  	[hbm4b:s5+s3] =	stream.linear.scatter [tilespmem:s14], [sflag:$0x2], $0x5000, $0x38;
	[tilespmem:$0x5080] =	vst v63  }
0x4d: {  	_ =	swait.ge [sflag:s13], $0x5000  }
0x4e: {  	[sflag:s13] =	ssyncset.done $0x0  }
0x4f: {  	[sflag:s13] =	ssyncadd.s32 $0xFFFFB000  }
0x50: {  	[tilespmem:s3], [sflag:$0x2] =	stream.linear.gather [hbm4b:s6+s3], $0x50, $0x38;
	[tilespmem:$0x5080] =	vst v63  }
0x51: {  	_ =	swait.ge [sflag:s13], $0x50  }
0x52: {  	[sflag:s13] =	ssyncset.done $0x0  }
0x53: {  	[sflag:s13] =	ssyncadd.s32 $0xFFFFFFB0  }
0x54: {  	v3 =	vld [tilespmem:$0x0];
	_ =	sdelay $0x4  }
0x55: {  	v49 =	vshll.u32 v3, $0x1  }
0x56: {  	v3 =	vand.u32 $0x7, v3;
	v4 =	vand.u32 $0xFFFFFFF0, v49  }
0x57: {  	v3 =	vor.u32 v3, v4  }
0x58: {  	v4 =	vperm.xlane v3, v0;
	_ =	sdelay $0x1  }
0x59: {  	v3 =	vperm.xlane v3, v2;
	v4 =	vadd.s32 v1, v4;
	_ =	sdelay $0x1  }
0x5a: {  	v3 =	vadd.s32 v1, v3;
	_ =	sdelay $0x2  }
0x5b: {  	[tilespmem:s14], [sflag:$0x1] =	stream.indirect_vreg.gather [hbm4b:s2+s3], $0x80, v4, vm0, $0xb8;
	[tilespmem:$0x5080] =	vst v63  }
0x5c: {  	_ = 	snop  }
0x5d: {  	[tilespmem:s15], [sflag:$0x1] =	stream.indirect_vreg.gather [hbm4b:s2+s3], $0x80, v3, vm0, $0xb8;
	[tilespmem:$0x5080] =	vst v63  }
0x5e: {  	v3 =	vld [tilespmem:$0x10];
	_ =	sdelay $0x4  }
0x5f: {  	v50 =	vshll.u32 v3, $0x1  }
0x60: {  	v3 =	vand.u32 $0x7, v3;
	v4 =	vand.u32 $0xFFFFFFF0, v50  }
0x61: {  	v3 =	vor.u32 v3, v4  }
0x62: {  	v4 =	vperm.xlane v3, v0;
	_ =	sdelay $0x1  }
0x63: {  	v3 =	vperm.xlane v3, v2;
	v4 =	vadd.s32 v1, v4;
	_ =	sdelay $0x1  }
0x64: {  	v3 =	vadd.s32 v1, v3;
	_ =	sdelay $0x2  }
0x65: {  	[tilespmem:s16], [sflag:$0x1] =	stream.indirect_vreg.gather [hbm4b:s2+s3], $0x80, v4, vm0, $0xb8;
	[tilespmem:$0x5080] =	vst v63  }
0x66: {  	_ = 	snop  }
0x67: {  	[tilespmem:s17], [sflag:$0x1] =	stream.indirect_vreg.gather [hbm4b:s2+s3], $0x80, v3, vm0, $0xb8;
	[tilespmem:$0x5080] =	vst v63  }
0x68: {  	v3 =	vld [tilespmem:$0x20];
	_ =	sdelay $0x4  }
0x69: {  	v51 =	vshll.u32 v3, $0x1  }
0x6a: {  	v3 =	vand.u32 $0x7, v3;
	v4 =	vand.u32 $0xFFFFFFF0, v51  }
0x6b: {  	v3 =	vor.u32 v3, v4  }
0x6c: {  	v4 =	vperm.xlane v3, v0;
	_ =	sdelay $0x1  }
0x6d: {  	v3 =	vperm.xlane v3, v2;
	v4 =	vadd.s32 v1, v4;
	_ =	sdelay $0x1  }
0x6e: {  	v3 =	vadd.s32 v1, v3;
	_ =	sdelay $0x2  }
0x6f: {  	[tilespmem:s18], [sflag:$0x1] =	stream.indirect_vreg.gather [hbm4b:s2+s3], $0x80, v4, vm0, $0xb8;
	[tilespmem:$0x5080] =	vst v63  }
0x70: {  	_ = 	snop  }
0x71: {  	[tilespmem:s19], [sflag:$0x1] =	stream.indirect_vreg.gather [hbm4b:s2+s3], $0x80, v3, vm0, $0xb8;
	[tilespmem:$0x5080] =	vst v63  }
0x72: {  	v3 =	vld [tilespmem:$0x30];
	_ =	sdelay $0x4  }
0x73: {  	v52 =	vshll.u32 v3, $0x1  }
0x74: {  	v3 =	vand.u32 $0x7, v3;
	v4 =	vand.u32 $0xFFFFFFF0, v52  }
0x75: {  	v3 =	vor.u32 v3, v4  }
0x76: {  	v4 =	vperm.xlane v3, v0;
	_ =	sdelay $0x1  }
0x77: {  	v3 =	vperm.xlane v3, v2;
	v4 =	vadd.s32 v1, v4;
	_ =	sdelay $0x1  }
0x78: {  	v3 =	vadd.s32 v1, v3;
	_ =	sdelay $0x2  }
0x79: {  	[tilespmem:s20], [sflag:$0x1] =	stream.indirect_vreg.gather [hbm4b:s2+s3], $0x80, v4, vm0, $0xb8;
	[tilespmem:$0x5080] =	vst v63  }
0x7a: {  	_ = 	snop  }
0x7b: {  	[tilespmem:s21], [sflag:$0x1] =	stream.indirect_vreg.gather [hbm4b:s2+s3], $0x80, v3, vm0, $0xb8;
	[tilespmem:$0x5080] =	vst v63  }
0x7c: {  	v3 =	vld [tilespmem:$0x40];
	_ =	sdelay $0x4  }
0x7d: {  	v53 =	vshll.u32 v3, $0x1  }
0x7e: {  	v3 =	vand.u32 $0x7, v3;
	v4 =	vand.u32 $0xFFFFFFF0, v53  }
0x7f: {  	v3 =	vor.u32 v3, v4  }
0x80: {  	v4 =	vperm.xlane v3, v0;
	_ =	sdelay $0x1  }
0x81: {  	v3 =	vperm.xlane v3, v2;
	v4 =	vadd.s32 v1, v4;
	_ =	sdelay $0x1  }
0x82: {  	v3 =	vadd.s32 v1, v3;
	_ =	sdelay $0x2  }
0x83: {  	[tilespmem:s22], [sflag:$0x1] =	stream.indirect_vreg.gather [hbm4b:s2+s3], $0x80, v4, vm0, $0xb8;
	[tilespmem:$0x5080] =	vst v63  }
0x84: {  	_ = 	snop  }
0x85: {  	[tilespmem:s23], [sflag:$0x1] =	stream.indirect_vreg.gather [hbm4b:s2+s3], $0x80, v3, vm0, $0xb8;
	[tilespmem:$0x5080] =	vst v63  }
0x86: {  	_ =	swait.ge [sflag:s24], $0x5000  }
0x87: {  	[sflag:s24] =	ssyncset.done $0x0  }
0x88: {  	[sflag:s24] =	ssyncadd.s32 $0xFFFFB000  }
0x89: {  	[hbm4b:s7+s3] =	stream.linear.scatter [tilespmem:s14], [sflag:$0x2], $0x5000, $0x38;
	[tilespmem:$0x5080] =	vst v63  }
0x8a: {  	_ =	swait.ge [sflag:s13], $0x5000  }
0x8b: {  	[sflag:s13] =	ssyncset.done $0x0  }
0x8c: {  	[sflag:s13] =	ssyncadd.s32 $0xFFFFB000  }
0x8d: {  	[tilespmem:s3], [sflag:$0x2] =	stream.linear.gather [hbm4b:s8+s3], $0x50, $0x38;
	[tilespmem:$0x5080] =	vst v63  }
0x8e: {  	_ =	swait.ge [sflag:s13], $0x50  }
0x8f: {  	[sflag:s13] =	ssyncset.done $0x0  }
0x90: {  	[sflag:s13] =	ssyncadd.s32 $0xFFFFFFB0  }
0x91: {  	v3 =	vld [tilespmem:$0x0];
	_ =	sdelay $0x4  }
0x92: {  	v54 =	vshll.u32 v3, $0x1  }
0x93: {  	v3 =	vand.u32 $0x7, v3;
	v4 =	vand.u32 $0xFFFFFFF0, v54  }
0x94: {  	v3 =	vor.u32 v3, v4  }
0x95: {  	v4 =	vperm.xlane v3, v0;
	_ =	sdelay $0x1  }
0x96: {  	v3 =	vperm.xlane v3, v2;
	v4 =	vadd.s32 v1, v4;
	_ =	sdelay $0x1  }
0x97: {  	v3 =	vadd.s32 v1, v3;
	_ =	sdelay $0x2  }
0x98: {  	[tilespmem:s14], [sflag:$0x1] =	stream.indirect_vreg.gather [hbm4b:s2+s3], $0x80, v4, vm0, $0xb8;
	[tilespmem:$0x5080] =	vst v63  }
0x99: {  	_ = 	snop  }
0x9a: {  	[tilespmem:s15], [sflag:$0x1] =	stream.indirect_vreg.gather [hbm4b:s2+s3], $0x80, v3, vm0, $0xb8;
	[tilespmem:$0x5080] =	vst v63  }
0x9b: {  	v3 =	vld [tilespmem:$0x10];
	_ =	sdelay $0x4  }
0x9c: {  	v55 =	vshll.u32 v3, $0x1  }
0x9d: {  	v3 =	vand.u32 $0x7, v3;
	v4 =	vand.u32 $0xFFFFFFF0, v55  }
0x9e: {  	v3 =	vor.u32 v3, v4  }
0x9f: {  	v4 =	vperm.xlane v3, v0;
	_ =	sdelay $0x1  }
0xa0: {  	v3 =	vperm.xlane v3, v2;
	v4 =	vadd.s32 v1, v4;
	_ =	sdelay $0x1  }
0xa1: {  	v3 =	vadd.s32 v1, v3;
	_ =	sdelay $0x2  }
0xa2: {  	[tilespmem:s16], [sflag:$0x1] =	stream.indirect_vreg.gather [hbm4b:s2+s3], $0x80, v4, vm0, $0xb8;
	[tilespmem:$0x5080] =	vst v63  }
0xa3: {  	_ = 	snop  }
0xa4: {  	[tilespmem:s17], [sflag:$0x1] =	stream.indirect_vreg.gather [hbm4b:s2+s3], $0x80, v3, vm0, $0xb8;
	[tilespmem:$0x5080] =	vst v63  }
0xa5: {  	v3 =	vld [tilespmem:$0x20];
	_ =	sdelay $0x4  }
0xa6: {  	v56 =	vshll.u32 v3, $0x1  }
0xa7: {  	v3 =	vand.u32 $0x7, v3;
	v4 =	vand.u32 $0xFFFFFFF0, v56  }
0xa8: {  	v3 =	vor.u32 v3, v4  }
0xa9: {  	v4 =	vperm.xlane v3, v0;
	_ =	sdelay $0x1  }
0xaa: {  	v3 =	vperm.xlane v3, v2;
	v4 =	vadd.s32 v1, v4;
	_ =	sdelay $0x1  }
0xab: {  	v3 =	vadd.s32 v1, v3;
	_ =	sdelay $0x2  }
0xac: {  	[tilespmem:s18], [sflag:$0x1] =	stream.indirect_vreg.gather [hbm4b:s2+s3], $0x80, v4, vm0, $0xb8;
	[tilespmem:$0x5080] =	vst v63  }
0xad: {  	_ = 	snop  }
0xae: {  	[tilespmem:s19], [sflag:$0x1] =	stream.indirect_vreg.gather [hbm4b:s2+s3], $0x80, v3, vm0, $0xb8;
	[tilespmem:$0x5080] =	vst v63  }
0xaf: {  	v3 =	vld [tilespmem:$0x30];
	_ =	sdelay $0x4  }
0xb0: {  	v57 =	vshll.u32 v3, $0x1  }
0xb1: {  	v3 =	vand.u32 $0x7, v3;
	v4 =	vand.u32 $0xFFFFFFF0, v57  }
0xb2: {  	v3 =	vor.u32 v3, v4  }
0xb3: {  	v4 =	vperm.xlane v3, v0;
	_ =	sdelay $0x1  }
0xb4: {  	v3 =	vperm.xlane v3, v2;
	v4 =	vadd.s32 v1, v4;
	_ =	sdelay $0x1  }
0xb5: {  	v3 =	vadd.s32 v1, v3;
	_ =	sdelay $0x2  }
0xb6: {  	[tilespmem:s20], [sflag:$0x1] =	stream.indirect_vreg.gather [hbm4b:s2+s3], $0x80, v4, vm0, $0xb8;
	[tilespmem:$0x5080] =	vst v63  }
0xb7: {  	_ = 	snop  }
0xb8: {  	[tilespmem:s21], [sflag:$0x1] =	stream.indirect_vreg.gather [hbm4b:s2+s3], $0x80, v3, vm0, $0xb8;
	[tilespmem:$0x5080] =	vst v63  }
0xb9: {  	v3 =	vld [tilespmem:$0x40];
	_ =	sdelay $0x4  }
0xba: {  	v58 =	vshll.u32 v3, $0x1  }
0xbb: {  	v3 =	vand.u32 $0x7, v3;
	v4 =	vand.u32 $0xFFFFFFF0, v58  }
0xbc: {  	v3 =	vor.u32 v3, v4  }
0xbd: {  	v4 =	vperm.xlane v3, v0;
	_ =	sdelay $0x1  }
0xbe: {  	v3 =	vperm.xlane v3, v2;
	v4 =	vadd.s32 v1, v4;
	_ =	sdelay $0x1  }
0xbf: {  	v3 =	vadd.s32 v1, v3;
	_ =	sdelay $0x2  }
0xc0: {  	[tilespmem:s22], [sflag:$0x1] =	stream.indirect_vreg.gather [hbm4b:s2+s3], $0x80, v4, vm0, $0xb8;
	[tilespmem:$0x5080] =	vst v63  }
0xc1: {  	_ = 	snop  }
0xc2: {  	[tilespmem:s23], [sflag:$0x1] =	stream.indirect_vreg.gather [hbm4b:s2+s3], $0x80, v3, vm0, $0xb8;
	[tilespmem:$0x5080] =	vst v63  }
0xc3: {  	_ =	swait.ge [sflag:s24], $0x5000  }
0xc4: {  	[sflag:s24] =	ssyncset.done $0x0  }
0xc5: {  	[sflag:s24] =	ssyncadd.s32 $0xFFFFB000  }
0xc6: {  	[hbm4b:s9+s3] =	stream.linear.scatter [tilespmem:s14], [sflag:$0x2], $0x5000, $0x38;
	[tilespmem:$0x5080] =	vst v63  }
0xc7: {  	_ =	swait.ge [sflag:s13], $0x5000  }
0xc8: {  	[sflag:s13] =	ssyncset.done $0x0  }
0xc9: {  	[sflag:s13] =	ssyncadd.s32 $0xFFFFB000  }
0xca: {  	[tilespmem:s3], [sflag:$0x2] =	stream.linear.gather [hbm4b:s10+s3], $0x50, $0x38;
	[tilespmem:$0x5080] =	vst v63  }
0xcb: {  	_ =	swait.ge [sflag:s13], $0x50  }
0xcc: {  	[sflag:s13] =	ssyncset.done $0x0  }
0xcd: {  	[sflag:s13] =	ssyncadd.s32 $0xFFFFFFB0  }
0xce: {  	v3 =	vld [tilespmem:$0x0];
	_ =	sdelay $0x4  }
0xcf: {  	v59 =	vshll.u32 v3, $0x1  }
0xd0: {  	v3 =	vand.u32 $0x7, v3;
	v4 =	vand.u32 $0xFFFFFFF0, v59  }
0xd1: {  	v3 =	vor.u32 v3, v4  }
0xd2: {  	v4 =	vperm.xlane v3, v0;
	_ =	sdelay $0x1  }
0xd3: {  	v3 =	vperm.xlane v3, v2;
	v4 =	vadd.s32 v1, v4;
	_ =	sdelay $0x1  }
0xd4: {  	v3 =	vadd.s32 v1, v3;
	_ =	sdelay $0x2  }
0xd5: {  	[tilespmem:s14], [sflag:$0x1] =	stream.indirect_vreg.gather [hbm4b:s2+s3], $0x80, v4, vm0, $0xb8;
	[tilespmem:$0x5080] =	vst v63  }
0xd6: {  	_ = 	snop  }
0xd7: {  	[tilespmem:s15], [sflag:$0x1] =	stream.indirect_vreg.gather [hbm4b:s2+s3], $0x80, v3, vm0, $0xb8;
	[tilespmem:$0x5080] =	vst v63  }
0xd8: {  	v3 =	vld [tilespmem:$0x10];
	_ =	sdelay $0x4  }
0xd9: {  	v60 =	vshll.u32 v3, $0x1  }
0xda: {  	v3 =	vand.u32 $0x7, v3;
	v4 =	vand.u32 $0xFFFFFFF0, v60  }
0xdb: {  	v3 =	vor.u32 v3, v4  }
0xdc: {  	v4 =	vperm.xlane v3, v0;
	_ =	sdelay $0x1  }
0xdd: {  	v3 =	vperm.xlane v3, v2;
	v4 =	vadd.s32 v1, v4;
	_ =	sdelay $0x1  }
0xde: {  	v3 =	vadd.s32 v1, v3;
	_ =	sdelay $0x2  }
0xdf: {  	[tilespmem:s16], [sflag:$0x1] =	stream.indirect_vreg.gather [hbm4b:s2+s3], $0x80, v4, vm0, $0xb8;
	[tilespmem:$0x5080] =	vst v63  }
0xe0: {  	_ = 	snop  }
0xe1: {  	[tilespmem:s17], [sflag:$0x1] =	stream.indirect_vreg.gather [hbm4b:s2+s3], $0x80, v3, vm0, $0xb8;
	[tilespmem:$0x5080] =	vst v63  }
0xe2: {  	v3 =	vld [tilespmem:$0x20];
	_ =	sdelay $0x4  }
0xe3: {  	v61 =	vshll.u32 v3, $0x1  }
0xe4: {  	v3 =	vand.u32 $0x7, v3;
	v4 =	vand.u32 $0xFFFFFFF0, v61  }
0xe5: {  	v3 =	vor.u32 v3, v4  }
0xe6: {  	v4 =	vperm.xlane v3, v0;
	_ =	sdelay $0x1  }
0xe7: {  	v3 =	vperm.xlane v3, v2;
	v4 =	vadd.s32 v1, v4;
	_ =	sdelay $0x1  }
0xe8: {  	v3 =	vadd.s32 v1, v3;
	_ =	sdelay $0x2  }
0xe9: {  	[tilespmem:s18], [sflag:$0x1] =	stream.indirect_vreg.gather [hbm4b:s2+s3], $0x80, v4, vm0, $0xb8;
	[tilespmem:$0x5080] =	vst v63  }
0xea: {  	_ = 	snop  }
0xeb: {  	[tilespmem:s19], [sflag:$0x1] =	stream.indirect_vreg.gather [hbm4b:s2+s3], $0x80, v3, vm0, $0xb8;
	[tilespmem:$0x5080] =	vst v63  }
0xec: {  	v3 =	vld [tilespmem:$0x30];
	_ =	sdelay $0x4  }
0xed: {  	v62 =	vshll.u32 v3, $0x1  }
0xee: {  	v3 =	vand.u32 $0x7, v3;
	v4 =	vand.u32 $0xFFFFFFF0, v62  }
0xef: {  	v3 =	vor.u32 v3, v4  }
0xf0: {  	v4 =	vperm.xlane v3, v0;
	_ =	sdelay $0x1  }
0xf1: {  	v3 =	vperm.xlane v3, v2;
	v4 =	vadd.s32 v1, v4;
	_ =	sdelay $0x1  }
0xf2: {  	v3 =	vadd.s32 v1, v3;
	_ =	sdelay $0x2  }
0xf3: {  	[tilespmem:s20], [sflag:$0x1] =	stream.indirect_vreg.gather [hbm4b:s2+s3], $0x80, v4, vm0, $0xb8;
	[tilespmem:$0x5080] =	vst v63  }
0xf4: {  	_ = 	snop  }
0xf5: {  	[tilespmem:s21], [sflag:$0x1] =	stream.indirect_vreg.gather [hbm4b:s2+s3], $0x80, v3, vm0, $0xb8;
	[tilespmem:$0x5080] =	vst v63  }
0xf6: {  	v3 =	vld [tilespmem:$0x40];
	_ =	sdelay $0x4  }
0xf7: {  	v63 =	vshll.u32 v3, $0x1  }
0xf8: {  	v3 =	vand.u32 $0x7, v3;
	v4 =	vand.u32 $0xFFFFFFF0, v63  }
0xf9: {  	v3 =	vor.u32 v3, v4  }
0xfa: {  	v4 =	vperm.xlane v3, v0;
	_ =	sdelay $0x1  }
0xfb: {  	v3 =	vperm.xlane v3, v2;
	v4 =	vadd.s32 v1, v4;
	_ =	sdelay $0x1  }
0xfc: {  	v3 =	vadd.s32 v1, v3;
	_ =	sdelay $0x2  }
0xfd: {  	[tilespmem:s22], [sflag:$0x1] =	stream.indirect_vreg.gather [hbm4b:s2+s3], $0x80, v4, vm0, $0xb8;
	[tilespmem:$0x5080] =	vst v63  }
0xfe: {  	_ = 	snop  }
0xff: {  	[tilespmem:s23], [sflag:$0x1] =	stream.indirect_vreg.gather [hbm4b:s2+s3], $0x80, v3, vm0, $0xb8;
	[tilespmem:$0x5080] =	vst v63  }
0x100: {  	_ =	swait.ge [sflag:s24], $0x5000  }
0x101: {  	p0 =	sne.s32 s12, $0x1;
	[sflag:s24] =	ssyncset.done $0x0  }
.Ltmp0:
0x102: {  	[sflag:s24] =	ssyncadd.s32 $0xFFFFB000;
	(pc) =	sbr.rel @p0 .LBB2_1-.Ltmp0, $4  }
0x103: {  	[hbm4b:s11+s3] =	stream.linear.scatter [tilespmem:s14], [sflag:$0x2], $0x5000, $0x38;
	[tilespmem:$0x5080] =	vst v63  }
0x104: {  	_ =	swait.ge [sflag:s13], $0x5000  }
0x105: {  	[sflag:s13] =	ssyncset.done $0x0  }
0x106: {  	s12 =	sadd.s32 $0xFFFFFFFF, s12;
	[sflag:s13] =	ssyncadd.s32 $0xFFFFB000  }
0x107: {  	_ =	sfence.sel $0x180000  }
0x108: {  	[bflag:$0x0] =	sbarrier.arrive $0xFFFF  }
0x109: {  	p0 =	sne.s32 s1, $0x0;
	_ =	strace $0x90000047  }
0x10a: {  	s0 =	sadd.s32 @!p0 $0x100000, s0;
	[bflag:$0x2] =	sbarrier.arrive $0xFFFF  }
0x10b: {  	[sflag:s0] =	ssyncadd.tile.s32 @!p0 $0x1;
	_ =	shalt  }
.Lfunc_end2:
_tile_overlayer_lowered:
.L_overlay_start_2:
0x10c: {  	(tag) =	ssettag $0x2  }
0x10d: {  	s0 =	rddreg [dreg:$0x0];
	s2 =	stileid.u32  }
0x10e: {  	s1 =	rddreg [dreg:$0x1];
	p0 =	sne.s32 s2, $0x0  }
0x10f: {  	s3 =	rddreg [dreg:$0x2];
	[bflag:$0x3] =	sbarrier.arrive $0xFFFF;
	s2 =	simm.s32 @!p0 $0x1C02  }
0x110: {  	[timem:s3], [sflag:s2] =	dma.local @!p0 [hbm:s0], s1  }
0x111: {  	s0 =	simm.s32 @!p0 $0x2  }
0x112: {  	_ =	swait.ge @!p0 [sflag:s0], s1  }
0x113: {  	s1 =	ssub.s32 @!p0 $0x0, s1;
	[sflag:s0] =	ssyncset.done @!p0 $0x0  }
0x114: {  	[sflag:s0] =	ssyncadd.s32 @!p0 s1  }
0x115: {  	[bflag:$0x3] =	sbarrier.arrive $0xFFFF  }
0x116: {  	_ =	shalt  }

</sc_bundles>
